<compile_context>
chip_gen: v7x
topology: tpu7x:2x2x1
jax: 0.10.2.dev20260603
libtpu: 0.0.44.dev20260713+nightly
codegen_flags: <defaults>
</compile_context>

<pallas_src>
import functools

import jax
import jax.numpy as jnp
from jax import lax
from jax.experimental import pallas as pl
from jax.experimental.pallas import tpu as pltpu
from jax.experimental.pallas import tpu_sc as plsc

NC = 2
NS = 16
NW = NC * NS
BB = 128
L = 16
SP = 2


@functools.partial(jax.jit, static_argnames=("b", "s", "d"))
def _emb_lookup(emb_weight, x, b, s, d):
    mesh = plsc.VectorSubcoreMesh(core_axis_name="c", subcore_axis_name="s")
    rt = d // 8
    nq = d // L
    nr = s // SP

    @functools.partial(
        pl.kernel,
        mesh=mesh,
        compiler_params=pltpu.CompilerParams(
            use_tc_tiling_on_sc=False, needs_layout_passes=False),
        out_type=jax.ShapeDtypeStruct((s, rt, NW, 8, 128), jnp.float32),
        scratch_types=(
            [pltpu.VMEM((BB, s), jnp.int32),
             pltpu.VMEM((nr, SP * BB), jnp.int32)]
            + [pltpu.VMEM((SP * BB, d), jnp.float32) for _ in range(2)]
            + [pltpu.VMEM((rt, 8, 129), jnp.float32) for _ in range(4)]
            + [pltpu.SemaphoreType.DMA for _ in range(6)]
        ),
    )
    def k(table_hbm, x_hbm, out_hbm, xb_v, idxall, r0, r1, t0, t1, t2, t3,
          g0, g1, o0, o1, o2, o3):
        rows = (r0, r1)
        trb = (t0, t1, t2, t3)
        gsem = (g0, g1)
        osem = (o0, o1, o2, o3)
        wid = lax.axis_index("s") * NC + lax.axis_index("c")
        b0 = wid * BB
        pltpu.sync_copy(x_hbm.at[pl.ds(b0, BB)], xb_v)
        iota = lax.iota(jnp.int32, L)
        rowv = [iota + L * kk for kk in range(BB // L)]

        @plsc.parallel_loop(0, s, unroll=2)
        def extract(sq):
            colv = jnp.zeros((L,), jnp.int32) + sq
            vals = [plsc.load_gather(xb_v, [rowv[kk], colv])
                    for kk in range(BB // L)]
            base = (sq % SP) * BB
            for kk in range(BB // L):
                idxall[sq // SP, pl.ds(base + L * kk, L)] = vals[kk]

        def gather_start(rnd, bi):
            pltpu.async_copy(table_hbm.at[idxall.at[rnd]], rows[bi], gsem[bi])

        def gather_wait(bi):
            pltpu.make_async_copy(
                table_hbm.at[idxall.at[0]], rows[bi], gsem[bi]).wait()

        dq = [L * q + iota for q in range(nq)]
        rtv = [v // 8 for v in dq]
        rv = [v % 8 for v in dq]

        def transpose(bi, half, ti):
            @plsc.parallel_loop(0, BB, unroll=4)
            def t_body(c):
                cb = jnp.zeros((L,), jnp.int32) + c
                cr = half * BB + c
                vals = [rows[bi][cr, pl.ds(L * q, L)] for q in range(nq)]
                for q in range(nq):
                    plsc.store_scatter(trb[ti], [rtv[q], rv[q], cb], vals[q])

        def out_start(sq, ti):
            pltpu.async_copy(trb[ti].at[:, :, pl.ds(0, 128)],
                             out_hbm.at[sq, :, wid], osem[ti])

        def out_wait(ti):
            pltpu.make_async_copy(trb[ti].at[:, :, pl.ds(0, 128)],
                                  out_hbm.at[0, :, wid], osem[ti]).wait()

        def do_round(rnd, bi, wait_out):
            gather_wait(bi)
            for half in range(SP):
                ti = 2 * bi + half
                if wait_out:
                    out_wait(ti)
                transpose(bi, half, ti)
                if half == 0:
                    if isinstance(rnd, int):
                        if rnd + 2 < nr:
                            gather_start(rnd + 2, bi)
                    else:
                        @pl.when(rnd + 2 < nr)
                        def _():
                            gather_start(rnd + 2, bi)
                out_start(SP * rnd + half, ti)

        gather_start(0, 0)
        gather_start(1, 1)

        def outer(g, carry):
            do_round(2 * g, 0, True)
            do_round(2 * g + 1, 1, True)
            return carry

        do_round(0, 0, False)
        do_round(1, 1, False)
        lax.fori_loop(1, (nr - 1) // 2, outer, 0)
        do_round(nr - 1, 0, True)
        for ti in range(4):
            out_wait(ti)

    return k(emb_weight, x)


def kernel(x, emb_weight):
    b, s = x.shape
    v, d = emb_weight.shape
    out5d = _emb_lookup(emb_weight, x.astype(jnp.int32), b, s, d)
    t = jnp.transpose(out5d, (2, 4, 0, 1, 3))
    return t.reshape(b, s, d)

# --- scband reference (transcript-rebuilt; emitter-appended) ---
"""Pipeline reference for scband-word-embedding-23948737643243 (READ-ONLY COPY).

The authoritative reference and input builder live on the scoring server;
editing this copy changes nothing except your own understanding.
"""

import jax, jax.numpy as jnp
import numpy as np

NTOKEN = 100000
EMB_DIM = 64
BATCH = 4096
SEQ = 50

def setup_inputs(seed: int = 0) -> dict:
    key = jax.random.key(seed)
    k1, k2 = jax.random.split(key)
    x = jax.random.randint(k1, (BATCH, SEQ), 0, NTOKEN, dtype=jnp.int64 if jax.config.jax_enable_x64 else jnp.int32)
    # Embedding table with padding row at index NTOKEN (ntoken + 1 rows total).
    emb_weight = jax.random.normal(k2, (NTOKEN + 1, EMB_DIM), dtype=jnp.float32)
    emb_weight = emb_weight.at[NTOKEN].set(0.0)  # padding_idx row is zero
    return {"x": x, "emb_weight": emb_weight}

def reference(x, emb_weight):
    # nn.Embedding lookup: gather rows by index.
    emb = jnp.take(emb_weight, x, axis=0)
    # Dropout in eval mode is identity (deterministic reference).
    return emb

if __name__ == "__main__":
    import jax
    _d = setup_inputs()
    print(jax.jit(kernel)(*tuple(_d.values())))

</pallas_src>

<mosaic_0001>
#map = affine_map<(d0, d1) -> (0, 0)>
#map1 = affine_map<(d0, d1) -> (0, 0, 0, 0, 0)>
module attributes {stable_mosaic.version = 14 : i64} {
  func.func @k(%arg0: i32, %arg1: i32, %arg2: memref<100001x64xf32, #tpu.memory_space<hbm>>, %arg3: memref<4096x50xi32, #tpu.memory_space<hbm>>, %arg4: memref<50x8x32x8x128xf32, #tpu.memory_space<hbm>>, %arg5: memref<128x50xi32, #tpu.memory_space<vmem>>, %arg6: memref<25x256xi32, #tpu.memory_space<vmem>>, %arg7: memref<256x64xf32, #tpu.memory_space<vmem>>, %arg8: memref<256x64xf32, #tpu.memory_space<vmem>>, %arg9: memref<8x8x129xf32, #tpu.memory_space<vmem>>, %arg10: memref<8x8x129xf32, #tpu.memory_space<vmem>>, %arg11: memref<8x8x129xf32, #tpu.memory_space<vmem>>, %arg12: memref<8x8x129xf32, #tpu.memory_space<vmem>>, %arg13: memref<!tpu.dma_semaphore, #tpu.memory_space<semaphore_mem>>, %arg14: memref<!tpu.dma_semaphore, #tpu.memory_space<semaphore_mem>>, %arg15: memref<!tpu.dma_semaphore, #tpu.memory_space<semaphore_mem>>, %arg16: memref<!tpu.dma_semaphore, #tpu.memory_space<semaphore_mem>>, %arg17: memref<!tpu.dma_semaphore, #tpu.memory_space<semaphore_mem>>, %arg18: memref<!tpu.dma_semaphore, #tpu.memory_space<semaphore_mem>>) attributes {dimension_semantics = [#tpu.dimension_semantics<core_parallel>, #tpu.dimension_semantics<subcore_parallel>], iteration_bounds = array<i64: 2, 16>, scalar_prefetch = 0 : i64, scratch_operands = 14 : i64, tpu.core_type = #tpu.core_type<sc_vector_subcore>, window_params = [{transform_indices = #map}, {transform_indices = #map}, {transform_indices = #map1}]} {
    %mul3A = arith.constant 2 : i32
    %mul3A_0 = arith.muli %arg1, %mul3A : i32
    %add3A = arith.addi %mul3A_0, %arg0 : i32
    %mul3A_1 = arith.constant 128 : i32
    %mul3A_2 = arith.muli %add3A, %mul3A_1 : i32
    "tpu.region"() ({
      %run_scoped3A = tpu.sem_alloc : memref<!tpu.dma_semaphore, #tpu.memory_space<semaphore_mem>>
      %dma_start3A_541 = arith.constant 0 : i32
      %dma_start3A_542 = tpu.memref_slice %arg3[%mul3A_2, %dma_start3A_541] : memref<4096x50xi32, #tpu.memory_space<hbm>> -> memref<128x50xi32, #tpu.memory_space<hbm>>
      %dma_start3A_543 = arith.constant 0 : i32
      %dma_start3A_544 = tpu.memref_slice %arg3[%mul3A_2, %dma_start3A_543] : memref<4096x50xi32, #tpu.memory_space<hbm>> -> memref<128x50xi32, #tpu.memory_space<hbm>>
      tpu.enqueue_dma source(%dma_start3A_544 : memref<128x50xi32, #tpu.memory_space<hbm>>) target(%arg5 : memref<128x50xi32, #tpu.memory_space<vmem>>) target_semaphore(%run_scoped3A : memref<!tpu.dma_semaphore, #tpu.memory_space<semaphore_mem>>)
      %dma_wait3A_545 = arith.constant 0 : i32
      %dma_wait3A_546 = tpu.memref_slice %arg3[%mul3A_2, %dma_wait3A_545] : memref<4096x50xi32, #tpu.memory_space<hbm>> -> memref<128x50xi32, #tpu.memory_space<hbm>>
      %dma_wait3A_547 = arith.constant 0 : i32
      %dma_wait3A_548 = tpu.memref_slice %arg3[%mul3A_2, %dma_wait3A_547] : memref<4096x50xi32, #tpu.memory_space<hbm>> -> memref<128x50xi32, #tpu.memory_space<hbm>>
      tpu.wait_dma2 semaphore(%run_scoped3A : memref<!tpu.dma_semaphore, #tpu.memory_space<semaphore_mem>>) src(%dma_wait3A_548 : memref<128x50xi32, #tpu.memory_space<hbm>>) dst(%arg5 : memref<128x50xi32, #tpu.memory_space<vmem>>)
      tpu.yield
    }) : () -> ()
    %iota3A = tpu.iota {dimensions = array<i32: 0>} : vector<16xi32>
    %add3A_3 = arith.constant 0 : i32
    %add3A_4 = vector.broadcast %add3A_3 : i32 to vector<16xi32>
    %add3A_5 = arith.addi %iota3A, %add3A_4 : vector<16xi32>
    %add3A_6 = arith.constant 16 : i32
    %add3A_7 = vector.broadcast %add3A_6 : i32 to vector<16xi32>
    %add3A_8 = arith.addi %iota3A, %add3A_7 : vector<16xi32>
    %add3A_9 = arith.constant 32 : i32
    %add3A_10 = vector.broadcast %add3A_9 : i32 to vector<16xi32>
    %add3A_11 = arith.addi %iota3A, %add3A_10 : vector<16xi32>
    %add3A_12 = arith.constant 48 : i32
    %add3A_13 = vector.broadcast %add3A_12 : i32 to vector<16xi32>
    %add3A_14 = arith.addi %iota3A, %add3A_13 : vector<16xi32>
    %add3A_15 = arith.constant 64 : i32
    %add3A_16 = vector.broadcast %add3A_15 : i32 to vector<16xi32>
    %add3A_17 = arith.addi %iota3A, %add3A_16 : vector<16xi32>
    %add3A_18 = arith.constant 80 : i32
    %add3A_19 = vector.broadcast %add3A_18 : i32 to vector<16xi32>
    %add3A_20 = arith.addi %iota3A, %add3A_19 : vector<16xi32>
    %add3A_21 = arith.constant 96 : i32
    %add3A_22 = vector.broadcast %add3A_21 : i32 to vector<16xi32>
    %add3A_23 = arith.addi %iota3A, %add3A_22 : vector<16xi32>
    %add3A_24 = arith.constant 112 : i32
    %add3A_25 = vector.broadcast %add3A_24 : i32 to vector<16xi32>
    %add3A_26 = arith.addi %iota3A, %add3A_25 : vector<16xi32>
    %parallel_loop3A = arith.constant 0 : i32
    %parallel_loop3A_27 = arith.constant 50 : i32
    %parallel_loop3A_28 = arith.constant 1 : i32
    scf.for %parallel_loop3A_541 = %parallel_loop3A to %parallel_loop3A_27 step %parallel_loop3A_28  : i32 {
      %parallel_loop3A_542 = arith.constant 0 : i32
      %parallel_loop3A_543 = vector.broadcast %parallel_loop3A_542 : i32 to vector<16xi32>
      %parallel_loop3A_544 = vector.broadcast %parallel_loop3A_541 : i32 to vector<16xi32>
      %parallel_loop3A_545 = arith.addi %parallel_loop3A_543, %parallel_loop3A_544 : vector<16xi32>
      %parallel_loop3A_546 = tpu.vector_load_idx %arg5[%add3A_5, %parallel_loop3A_545] : memref<128x50xi32, #tpu.memory_space<vmem>>[vector<16xi32>, vector<16xi32>], vector<16xi32>,
      %parallel_loop3A_547 = tpu.vector_load_idx %arg5[%add3A_8, %parallel_loop3A_545] : memref<128x50xi32, #tpu.memory_space<vmem>>[vector<16xi32>, vector<16xi32>], vector<16xi32>,
      %parallel_loop3A_548 = tpu.vector_load_idx %arg5[%add3A_11, %parallel_loop3A_545] : memref<128x50xi32, #tpu.memory_space<vmem>>[vector<16xi32>, vector<16xi32>], vector<16xi32>,
      %parallel_loop3A_549 = tpu.vector_load_idx %arg5[%add3A_14, %parallel_loop3A_545] : memref<128x50xi32, #tpu.memory_space<vmem>>[vector<16xi32>, vector<16xi32>], vector<16xi32>,
      %parallel_loop3A_550 = tpu.vector_load_idx %arg5[%add3A_17, %parallel_loop3A_545] : memref<128x50xi32, #tpu.memory_space<vmem>>[vector<16xi32>, vector<16xi32>], vector<16xi32>,
      %parallel_loop3A_551 = tpu.vector_load_idx %arg5[%add3A_20, %parallel_loop3A_545] : memref<128x50xi32, #tpu.memory_space<vmem>>[vector<16xi32>, vector<16xi32>], vector<16xi32>,
      %parallel_loop3A_552 = tpu.vector_load_idx %arg5[%add3A_23, %parallel_loop3A_545] : memref<128x50xi32, #tpu.memory_space<vmem>>[vector<16xi32>, vector<16xi32>], vector<16xi32>,
      %parallel_loop3A_553 = tpu.vector_load_idx %arg5[%add3A_26, %parallel_loop3A_545] : memref<128x50xi32, #tpu.memory_space<vmem>>[vector<16xi32>, vector<16xi32>], vector<16xi32>,
      %parallel_loop3A_554 = arith.constant 2 : i32
      %parallel_loop3A_555 = arith.constant 0 : i32
      %parallel_loop3A_556 = arith.cmpi eq, %parallel_loop3A_554, %parallel_loop3A_555 : i32
      %parallel_loop3A_557 = arith.constant 1 : i32
      %parallel_loop3A_558 = arith.select %parallel_loop3A_556, %parallel_loop3A_557, %parallel_loop3A_554 : i32
      %parallel_loop3A_559 = arith.remsi %parallel_loop3A_541, %parallel_loop3A_558 : i32
      %parallel_loop3A_560 = arith.constant 0 : i32
      %parallel_loop3A_561 = arith.cmpi ne, %parallel_loop3A_559, %parallel_loop3A_560 : i32
      %parallel_loop3A_562 = arith.constant 0 : i32
      %parallel_loop3A_563 = arith.cmpi slt, %parallel_loop3A_559, %parallel_loop3A_562 : i32
      %parallel_loop3A_564 = arith.constant 0 : i32
      %parallel_loop3A_565 = arith.cmpi slt, %parallel_loop3A_558, %parallel_loop3A_564 : i32
      %parallel_loop3A_566 = arith.xori %parallel_loop3A_563, %parallel_loop3A_565 : i1
      %parallel_loop3A_567 = arith.andi %parallel_loop3A_566, %parallel_loop3A_561 : i1
      %parallel_loop3A_568 = arith.addi %parallel_loop3A_559, %parallel_loop3A_558 : i32
      %parallel_loop3A_569 = arith.select %parallel_loop3A_567, %parallel_loop3A_568, %parallel_loop3A_559 : i32
      %parallel_loop3A_570 = arith.constant 128 : i32
      %parallel_loop3A_571 = arith.muli %parallel_loop3A_569, %parallel_loop3A_570 : i32
      %parallel_loop3A_572 = arith.constant 2 : i32
      %parallel_loop3A_573 = arith.divsi %parallel_loop3A_541, %parallel_loop3A_572 : i32
      %parallel_loop3A_574 = arith.constant 0 : i32
      %parallel_loop3A_575 = arith.cmpi sgt, %parallel_loop3A_541, %parallel_loop3A_574 : i32
      %parallel_loop3A_576 = arith.extui %parallel_loop3A_575 : i1 to i32
      %parallel_loop3A_577 = arith.constant 0 : i32
      %parallel_loop3A_578 = arith.cmpi slt, %parallel_loop3A_541, %parallel_loop3A_577 : i32
      %parallel_loop3A_579 = arith.extui %parallel_loop3A_578 : i1 to i32
      %parallel_loop3A_580 = arith.subi %parallel_loop3A_576, %parallel_loop3A_579 : i32
      %parallel_loop3A_581 = arith.constant 0 : i32
      %parallel_loop3A_582 = arith.cmpi sgt, %parallel_loop3A_572, %parallel_loop3A_581 : i32
      %parallel_loop3A_583 = arith.extui %parallel_loop3A_582 : i1 to i32
      %parallel_loop3A_584 = arith.constant 0 : i32
      %parallel_loop3A_585 = arith.cmpi slt, %parallel_loop3A_572, %parallel_loop3A_584 : i32
      %parallel_loop3A_586 = arith.extui %parallel_loop3A_585 : i1 to i32
      %parallel_loop3A_587 = arith.subi %parallel_loop3A_583, %parallel_loop3A_586 : i32
      %parallel_loop3A_588 = arith.cmpi ne, %parallel_loop3A_580, %parallel_loop3A_587 : i32
      %parallel_loop3A_589 = arith.remsi %parallel_loop3A_541, %parallel_loop3A_572 : i32
      %parallel_loop3A_590 = arith.constant 0 : i32
      %parallel_loop3A_591 = arith.cmpi ne, %parallel_loop3A_589, %parallel_loop3A_590 : i32
      %parallel_loop3A_592 = arith.andi %parallel_loop3A_588, %parallel_loop3A_591 : i1
      %parallel_loop3A_593 = arith.constant 1 : i32
      %parallel_loop3A_594 = arith.subi %parallel_loop3A_573, %parallel_loop3A_593 : i32
      %parallel_loop3A_595 = arith.select %parallel_loop3A_592, %parallel_loop3A_594, %parallel_loop3A_573 : i32
      %parallel_loop3A_596 = arith.constant 0 : i32
      %parallel_loop3A_597 = arith.addi %parallel_loop3A_571, %parallel_loop3A_596 : i32
      %parallel_loop3A_598 = arith.index_cast %parallel_loop3A_595 : i32 to index
      %parallel_loop3A_599 = arith.index_cast %parallel_loop3A_597 : i32 to index
      %parallel_loop3A_600 = tpu.vector_load %arg6[%parallel_loop3A_598, %parallel_loop3A_599] {strides = array<i32>} : memref<25x256xi32, #tpu.memory_space<vmem>>, vector<16xi32>,
      tpu.vector_store %arg6[%parallel_loop3A_598, %parallel_loop3A_599], %parallel_loop3A_546 {strides = array<i32>} : memref<25x256xi32, #tpu.memory_space<vmem>>, vector<16xi32>,
      %parallel_loop3A_601 = arith.constant 2 : i32
      %parallel_loop3A_602 = arith.divsi %parallel_loop3A_541, %parallel_loop3A_601 : i32
      %parallel_loop3A_603 = arith.constant 0 : i32
      %parallel_loop3A_604 = arith.cmpi sgt, %parallel_loop3A_541, %parallel_loop3A_603 : i32
      %parallel_loop3A_605 = arith.extui %parallel_loop3A_604 : i1 to i32
      %parallel_loop3A_606 = arith.constant 0 : i32
      %parallel_loop3A_607 = arith.cmpi slt, %parallel_loop3A_541, %parallel_loop3A_606 : i32
      %parallel_loop3A_608 = arith.extui %parallel_loop3A_607 : i1 to i32
      %parallel_loop3A_609 = arith.subi %parallel_loop3A_605, %parallel_loop3A_608 : i32
      %parallel_loop3A_610 = arith.constant 0 : i32
      %parallel_loop3A_611 = arith.cmpi sgt, %parallel_loop3A_601, %parallel_loop3A_610 : i32
      %parallel_loop3A_612 = arith.extui %parallel_loop3A_611 : i1 to i32
      %parallel_loop3A_613 = arith.constant 0 : i32
      %parallel_loop3A_614 = arith.cmpi slt, %parallel_loop3A_601, %parallel_loop3A_613 : i32
      %parallel_loop3A_615 = arith.extui %parallel_loop3A_614 : i1 to i32
      %parallel_loop3A_616 = arith.subi %parallel_loop3A_612, %parallel_loop3A_615 : i32
      %parallel_loop3A_617 = arith.cmpi ne, %parallel_loop3A_609, %parallel_loop3A_616 : i32
      %parallel_loop3A_618 = arith.remsi %parallel_loop3A_541, %parallel_loop3A_601 : i32
      %parallel_loop3A_619 = arith.constant 0 : i32
      %parallel_loop3A_620 = arith.cmpi ne, %parallel_loop3A_618, %parallel_loop3A_619 : i32
      %parallel_loop3A_621 = arith.andi %parallel_loop3A_617, %parallel_loop3A_620 : i1
      %parallel_loop3A_622 = arith.constant 1 : i32
      %parallel_loop3A_623 = arith.subi %parallel_loop3A_602, %parallel_loop3A_622 : i32
      %parallel_loop3A_624 = arith.select %parallel_loop3A_621, %parallel_loop3A_623, %parallel_loop3A_602 : i32
      %parallel_loop3A_625 = arith.constant 16 : i32
      %parallel_loop3A_626 = arith.addi %parallel_loop3A_571, %parallel_loop3A_625 : i32
      %parallel_loop3A_627 = arith.index_cast %parallel_loop3A_624 : i32 to index
      %parallel_loop3A_628 = arith.index_cast %parallel_loop3A_626 : i32 to index
      %parallel_loop3A_629 = tpu.vector_load %arg6[%parallel_loop3A_627, %parallel_loop3A_628] {strides = array<i32>} : memref<25x256xi32, #tpu.memory_space<vmem>>, vector<16xi32>,
      tpu.vector_store %arg6[%parallel_loop3A_627, %parallel_loop3A_628], %parallel_loop3A_547 {strides = array<i32>} : memref<25x256xi32, #tpu.memory_space<vmem>>, vector<16xi32>,
      %parallel_loop3A_630 = arith.constant 2 : i32
      %parallel_loop3A_631 = arith.divsi %parallel_loop3A_541, %parallel_loop3A_630 : i32
      %parallel_loop3A_632 = arith.constant 0 : i32
      %parallel_loop3A_633 = arith.cmpi sgt, %parallel_loop3A_541, %parallel_loop3A_632 : i32
      %parallel_loop3A_634 = arith.extui %parallel_loop3A_633 : i1 to i32
      %parallel_loop3A_635 = arith.constant 0 : i32
      %parallel_loop3A_636 = arith.cmpi slt, %parallel_loop3A_541, %parallel_loop3A_635 : i32
      %parallel_loop3A_637 = arith.extui %parallel_loop3A_636 : i1 to i32
      %parallel_loop3A_638 = arith.subi %parallel_loop3A_634, %parallel_loop3A_637 : i32
      %parallel_loop3A_639 = arith.constant 0 : i32
      %parallel_loop3A_640 = arith.cmpi sgt, %parallel_loop3A_630, %parallel_loop3A_639 : i32
      %parallel_loop3A_641 = arith.extui %parallel_loop3A_640 : i1 to i32
      %parallel_loop3A_642 = arith.constant 0 : i32
      %parallel_loop3A_643 = arith.cmpi slt, %parallel_loop3A_630, %parallel_loop3A_642 : i32
      %parallel_loop3A_644 = arith.extui %parallel_loop3A_643 : i1 to i32
      %parallel_loop3A_645 = arith.subi %parallel_loop3A_641, %parallel_loop3A_644 : i32
      %parallel_loop3A_646 = arith.cmpi ne, %parallel_loop3A_638, %parallel_loop3A_645 : i32
      %parallel_loop3A_647 = arith.remsi %parallel_loop3A_541, %parallel_loop3A_630 : i32
      %parallel_loop3A_648 = arith.constant 0 : i32
      %parallel_loop3A_649 = arith.cmpi ne, %parallel_loop3A_647, %parallel_loop3A_648 : i32
      %parallel_loop3A_650 = arith.andi %parallel_loop3A_646, %parallel_loop3A_649 : i1
      %parallel_loop3A_651 = arith.constant 1 : i32
      %parallel_loop3A_652 = arith.subi %parallel_loop3A_631, %parallel_loop3A_651 : i32
      %parallel_loop3A_653 = arith.select %parallel_loop3A_650, %parallel_loop3A_652, %parallel_loop3A_631 : i32
      %parallel_loop3A_654 = arith.constant 32 : i32
      %parallel_loop3A_655 = arith.addi %parallel_loop3A_571, %parallel_loop3A_654 : i32
      %parallel_loop3A_656 = arith.index_cast %parallel_loop3A_653 : i32 to index
      %parallel_loop3A_657 = arith.index_cast %parallel_loop3A_655 : i32 to index
      %parallel_loop3A_658 = tpu.vector_load %arg6[%parallel_loop3A_656, %parallel_loop3A_657] {strides = array<i32>} : memref<25x256xi32, #tpu.memory_space<vmem>>, vector<16xi32>,
      tpu.vector_store %arg6[%parallel_loop3A_656, %parallel_loop3A_657], %parallel_loop3A_548 {strides = array<i32>} : memref<25x256xi32, #tpu.memory_space<vmem>>, vector<16xi32>,
      %parallel_loop3A_659 = arith.constant 2 : i32
      %parallel_loop3A_660 = arith.divsi %parallel_loop3A_541, %parallel_loop3A_659 : i32
      %parallel_loop3A_661 = arith.constant 0 : i32
      %parallel_loop3A_662 = arith.cmpi sgt, %parallel_loop3A_541, %parallel_loop3A_661 : i32
      %parallel_loop3A_663 = arith.extui %parallel_loop3A_662 : i1 to i32
      %parallel_loop3A_664 = arith.constant 0 : i32
      %parallel_loop3A_665 = arith.cmpi slt, %parallel_loop3A_541, %parallel_loop3A_664 : i32
      %parallel_loop3A_666 = arith.extui %parallel_loop3A_665 : i1 to i32
      %parallel_loop3A_667 = arith.subi %parallel_loop3A_663, %parallel_loop3A_666 : i32
      %parallel_loop3A_668 = arith.constant 0 : i32
      %parallel_loop3A_669 = arith.cmpi sgt, %parallel_loop3A_659, %parallel_loop3A_668 : i32
      %parallel_loop3A_670 = arith.extui %parallel_loop3A_669 : i1 to i32
      %parallel_loop3A_671 = arith.constant 0 : i32
      %parallel_loop3A_672 = arith.cmpi slt, %parallel_loop3A_659, %parallel_loop3A_671 : i32
      %parallel_loop3A_673 = arith.extui %parallel_loop3A_672 : i1 to i32
      %parallel_loop3A_674 = arith.subi %parallel_loop3A_670, %parallel_loop3A_673 : i32
      %parallel_loop3A_675 = arith.cmpi ne, %parallel_loop3A_667, %parallel_loop3A_674 : i32
      %parallel_loop3A_676 = arith.remsi %parallel_loop3A_541, %parallel_loop3A_659 : i32
      %parallel_loop3A_677 = arith.constant 0 : i32
      %parallel_loop3A_678 = arith.cmpi ne, %parallel_loop3A_676, %parallel_loop3A_677 : i32
      %parallel_loop3A_679 = arith.andi %parallel_loop3A_675, %parallel_loop3A_678 : i1
      %parallel_loop3A_680 = arith.constant 1 : i32
      %parallel_loop3A_681 = arith.subi %parallel_loop3A_660, %parallel_loop3A_680 : i32
      %parallel_loop3A_682 = arith.select %parallel_loop3A_679, %parallel_loop3A_681, %parallel_loop3A_660 : i32
      %parallel_loop3A_683 = arith.constant 48 : i32
      %parallel_loop3A_684 = arith.addi %parallel_loop3A_571, %parallel_loop3A_683 : i32
      %parallel_loop3A_685 = arith.index_cast %parallel_loop3A_682 : i32 to index
      %parallel_loop3A_686 = arith.index_cast %parallel_loop3A_684 : i32 to index
      %parallel_loop3A_687 = tpu.vector_load %arg6[%parallel_loop3A_685, %parallel_loop3A_686] {strides = array<i32>} : memref<25x256xi32, #tpu.memory_space<vmem>>, vector<16xi32>,
      tpu.vector_store %arg6[%parallel_loop3A_685, %parallel_loop3A_686], %parallel_loop3A_549 {strides = array<i32>} : memref<25x256xi32, #tpu.memory_space<vmem>>, vector<16xi32>,
      %parallel_loop3A_688 = arith.constant 2 : i32
      %parallel_loop3A_689 = arith.divsi %parallel_loop3A_541, %parallel_loop3A_688 : i32
      %parallel_loop3A_690 = arith.constant 0 : i32
      %parallel_loop3A_691 = arith.cmpi sgt, %parallel_loop3A_541, %parallel_loop3A_690 : i32
      %parallel_loop3A_692 = arith.extui %parallel_loop3A_691 : i1 to i32
      %parallel_loop3A_693 = arith.constant 0 : i32
      %parallel_loop3A_694 = arith.cmpi slt, %parallel_loop3A_541, %parallel_loop3A_693 : i32
      %parallel_loop3A_695 = arith.extui %parallel_loop3A_694 : i1 to i32
      %parallel_loop3A_696 = arith.subi %parallel_loop3A_692, %parallel_loop3A_695 : i32
      %parallel_loop3A_697 = arith.constant 0 : i32
      %parallel_loop3A_698 = arith.cmpi sgt, %parallel_loop3A_688, %parallel_loop3A_697 : i32
      %parallel_loop3A_699 = arith.extui %parallel_loop3A_698 : i1 to i32
      %parallel_loop3A_700 = arith.constant 0 : i32
      %parallel_loop3A_701 = arith.cmpi slt, %parallel_loop3A_688, %parallel_loop3A_700 : i32
      %parallel_loop3A_702 = arith.extui %parallel_loop3A_701 : i1 to i32
      %parallel_loop3A_703 = arith.subi %parallel_loop3A_699, %parallel_loop3A_702 : i32
      %parallel_loop3A_704 = arith.cmpi ne, %parallel_loop3A_696, %parallel_loop3A_703 : i32
      %parallel_loop3A_705 = arith.remsi %parallel_loop3A_541, %parallel_loop3A_688 : i32
      %parallel_loop3A_706 = arith.constant 0 : i32
      %parallel_loop3A_707 = arith.cmpi ne, %parallel_loop3A_705, %parallel_loop3A_706 : i32
      %parallel_loop3A_708 = arith.andi %parallel_loop3A_704, %parallel_loop3A_707 : i1
      %parallel_loop3A_709 = arith.constant 1 : i32
      %parallel_loop3A_710 = arith.subi %parallel_loop3A_689, %parallel_loop3A_709 : i32
      %parallel_loop3A_711 = arith.select %parallel_loop3A_708, %parallel_loop3A_710, %parallel_loop3A_689 : i32
      %parallel_loop3A_712 = arith.constant 64 : i32
      %parallel_loop3A_713 = arith.addi %parallel_loop3A_571, %parallel_loop3A_712 : i32
      %parallel_loop3A_714 = arith.index_cast %parallel_loop3A_711 : i32 to index
      %parallel_loop3A_715 = arith.index_cast %parallel_loop3A_713 : i32 to index
      %parallel_loop3A_716 = tpu.vector_load %arg6[%parallel_loop3A_714, %parallel_loop3A_715] {strides = array<i32>} : memref<25x256xi32, #tpu.memory_space<vmem>>, vector<16xi32>,
      tpu.vector_store %arg6[%parallel_loop3A_714, %parallel_loop3A_715], %parallel_loop3A_550 {strides = array<i32>} : memref<25x256xi32, #tpu.memory_space<vmem>>, vector<16xi32>,
      %parallel_loop3A_717 = arith.constant 2 : i32
      %parallel_loop3A_718 = arith.divsi %parallel_loop3A_541, %parallel_loop3A_717 : i32
      %parallel_loop3A_719 = arith.constant 0 : i32
      %parallel_loop3A_720 = arith.cmpi sgt, %parallel_loop3A_541, %parallel_loop3A_719 : i32
      %parallel_loop3A_721 = arith.extui %parallel_loop3A_720 : i1 to i32
      %parallel_loop3A_722 = arith.constant 0 : i32
      %parallel_loop3A_723 = arith.cmpi slt, %parallel_loop3A_541, %parallel_loop3A_722 : i32
      %parallel_loop3A_724 = arith.extui %parallel_loop3A_723 : i1 to i32
      %parallel_loop3A_725 = arith.subi %parallel_loop3A_721, %parallel_loop3A_724 : i32
      %parallel_loop3A_726 = arith.constant 0 : i32
      %parallel_loop3A_727 = arith.cmpi sgt, %parallel_loop3A_717, %parallel_loop3A_726 : i32
      %parallel_loop3A_728 = arith.extui %parallel_loop3A_727 : i1 to i32
      %parallel_loop3A_729 = arith.constant 0 : i32
      %parallel_loop3A_730 = arith.cmpi slt, %parallel_loop3A_717, %parallel_loop3A_729 : i32
      %parallel_loop3A_731 = arith.extui %parallel_loop3A_730 : i1 to i32
      %parallel_loop3A_732 = arith.subi %parallel_loop3A_728, %parallel_loop3A_731 : i32
      %parallel_loop3A_733 = arith.cmpi ne, %parallel_loop3A_725, %parallel_loop3A_732 : i32
      %parallel_loop3A_734 = arith.remsi %parallel_loop3A_541, %parallel_loop3A_717 : i32
      %parallel_loop3A_735 = arith.constant 0 : i32
      %parallel_loop3A_736 = arith.cmpi ne, %parallel_loop3A_734, %parallel_loop3A_735 : i32
      %parallel_loop3A_737 = arith.andi %parallel_loop3A_733, %parallel_loop3A_736 : i1
      %parallel_loop3A_738 = arith.constant 1 : i32
      %parallel_loop3A_739 = arith.subi %parallel_loop3A_718, %parallel_loop3A_738 : i32
      %parallel_loop3A_740 = arith.select %parallel_loop3A_737, %parallel_loop3A_739, %parallel_loop3A_718 : i32
      %parallel_loop3A_741 = arith.constant 80 : i32
      %parallel_loop3A_742 = arith.addi %parallel_loop3A_571, %parallel_loop3A_741 : i32
      %parallel_loop3A_743 = arith.index_cast %parallel_loop3A_740 : i32 to index
      %parallel_loop3A_744 = arith.index_cast %parallel_loop3A_742 : i32 to index
      %parallel_loop3A_745 = tpu.vector_load %arg6[%parallel_loop3A_743, %parallel_loop3A_744] {strides = array<i32>} : memref<25x256xi32, #tpu.memory_space<vmem>>, vector<16xi32>,
      tpu.vector_store %arg6[%parallel_loop3A_743, %parallel_loop3A_744], %parallel_loop3A_551 {strides = array<i32>} : memref<25x256xi32, #tpu.memory_space<vmem>>, vector<16xi32>,
      %parallel_loop3A_746 = arith.constant 2 : i32
      %parallel_loop3A_747 = arith.divsi %parallel_loop3A_541, %parallel_loop3A_746 : i32
      %parallel_loop3A_748 = arith.constant 0 : i32
      %parallel_loop3A_749 = arith.cmpi sgt, %parallel_loop3A_541, %parallel_loop3A_748 : i32
      %parallel_loop3A_750 = arith.extui %parallel_loop3A_749 : i1 to i32
      %parallel_loop3A_751 = arith.constant 0 : i32
      %parallel_loop3A_752 = arith.cmpi slt, %parallel_loop3A_541, %parallel_loop3A_751 : i32
      %parallel_loop3A_753 = arith.extui %parallel_loop3A_752 : i1 to i32
      %parallel_loop3A_754 = arith.subi %parallel_loop3A_750, %parallel_loop3A_753 : i32
      %parallel_loop3A_755 = arith.constant 0 : i32
      %parallel_loop3A_756 = arith.cmpi sgt, %parallel_loop3A_746, %parallel_loop3A_755 : i32
      %parallel_loop3A_757 = arith.extui %parallel_loop3A_756 : i1 to i32
      %parallel_loop3A_758 = arith.constant 0 : i32
      %parallel_loop3A_759 = arith.cmpi slt, %parallel_loop3A_746, %parallel_loop3A_758 : i32
      %parallel_loop3A_760 = arith.extui %parallel_loop3A_759 : i1 to i32
      %parallel_loop3A_761 = arith.subi %parallel_loop3A_757, %parallel_loop3A_760 : i32
      %parallel_loop3A_762 = arith.cmpi ne, %parallel_loop3A_754, %parallel_loop3A_761 : i32
      %parallel_loop3A_763 = arith.remsi %parallel_loop3A_541, %parallel_loop3A_746 : i32
      %parallel_loop3A_764 = arith.constant 0 : i32
      %parallel_loop3A_765 = arith.cmpi ne, %parallel_loop3A_763, %parallel_loop3A_764 : i32
      %parallel_loop3A_766 = arith.andi %parallel_loop3A_762, %parallel_loop3A_765 : i1
      %parallel_loop3A_767 = arith.constant 1 : i32
      %parallel_loop3A_768 = arith.subi %parallel_loop3A_747, %parallel_loop3A_767 : i32
      %parallel_loop3A_769 = arith.select %parallel_loop3A_766, %parallel_loop3A_768, %parallel_loop3A_747 : i32
      %parallel_loop3A_770 = arith.constant 96 : i32
      %parallel_loop3A_771 = arith.addi %parallel_loop3A_571, %parallel_loop3A_770 : i32
      %parallel_loop3A_772 = arith.index_cast %parallel_loop3A_769 : i32 to index
      %parallel_loop3A_773 = arith.index_cast %parallel_loop3A_771 : i32 to index
      %parallel_loop3A_774 = tpu.vector_load %arg6[%parallel_loop3A_772, %parallel_loop3A_773] {strides = array<i32>} : memref<25x256xi32, #tpu.memory_space<vmem>>, vector<16xi32>,
      tpu.vector_store %arg6[%parallel_loop3A_772, %parallel_loop3A_773], %parallel_loop3A_552 {strides = array<i32>} : memref<25x256xi32, #tpu.memory_space<vmem>>, vector<16xi32>,
      %parallel_loop3A_775 = arith.constant 2 : i32
      %parallel_loop3A_776 = arith.divsi %parallel_loop3A_541, %parallel_loop3A_775 : i32
      %parallel_loop3A_777 = arith.constant 0 : i32
      %parallel_loop3A_778 = arith.cmpi sgt, %parallel_loop3A_541, %parallel_loop3A_777 : i32
      %parallel_loop3A_779 = arith.extui %parallel_loop3A_778 : i1 to i32
      %parallel_loop3A_780 = arith.constant 0 : i32
      %parallel_loop3A_781 = arith.cmpi slt, %parallel_loop3A_541, %parallel_loop3A_780 : i32
      %parallel_loop3A_782 = arith.extui %parallel_loop3A_781 : i1 to i32
      %parallel_loop3A_783 = arith.subi %parallel_loop3A_779, %parallel_loop3A_782 : i32
      %parallel_loop3A_784 = arith.constant 0 : i32
      %parallel_loop3A_785 = arith.cmpi sgt, %parallel_loop3A_775, %parallel_loop3A_784 : i32
      %parallel_loop3A_786 = arith.extui %parallel_loop3A_785 : i1 to i32
      %parallel_loop3A_787 = arith.constant 0 : i32
      %parallel_loop3A_788 = arith.cmpi slt, %parallel_loop3A_775, %parallel_loop3A_787 : i32
      %parallel_loop3A_789 = arith.extui %parallel_loop3A_788 : i1 to i32
      %parallel_loop3A_790 = arith.subi %parallel_loop3A_786, %parallel_loop3A_789 : i32
      %parallel_loop3A_791 = arith.cmpi ne, %parallel_loop3A_783, %parallel_loop3A_790 : i32
      %parallel_loop3A_792 = arith.remsi %parallel_loop3A_541, %parallel_loop3A_775 : i32
      %parallel_loop3A_793 = arith.constant 0 : i32
      %parallel_loop3A_794 = arith.cmpi ne, %parallel_loop3A_792, %parallel_loop3A_793 : i32
      %parallel_loop3A_795 = arith.andi %parallel_loop3A_791, %parallel_loop3A_794 : i1
      %parallel_loop3A_796 = arith.constant 1 : i32
      %parallel_loop3A_797 = arith.subi %parallel_loop3A_776, %parallel_loop3A_796 : i32
      %parallel_loop3A_798 = arith.select %parallel_loop3A_795, %parallel_loop3A_797, %parallel_loop3A_776 : i32
      %parallel_loop3A_799 = arith.constant 112 : i32
      %parallel_loop3A_800 = arith.addi %parallel_loop3A_571, %parallel_loop3A_799 : i32
      %parallel_loop3A_801 = arith.index_cast %parallel_loop3A_798 : i32 to index
      %parallel_loop3A_802 = arith.index_cast %parallel_loop3A_800 : i32 to index
      %parallel_loop3A_803 = tpu.vector_load %arg6[%parallel_loop3A_801, %parallel_loop3A_802] {strides = array<i32>} : memref<25x256xi32, #tpu.memory_space<vmem>>, vector<16xi32>,
      tpu.vector_store %arg6[%parallel_loop3A_801, %parallel_loop3A_802], %parallel_loop3A_553 {strides = array<i32>} : memref<25x256xi32, #tpu.memory_space<vmem>>, vector<16xi32>,
    } {sc.loop_unroll_factor = 2 : i64, sc.parallel_access}
    %add3A_29 = arith.constant 0 : i32
    %add3A_30 = vector.broadcast %add3A_29 : i32 to vector<16xi32>
    %add3A_31 = arith.addi %add3A_30, %iota3A : vector<16xi32>
    %add3A_32 = arith.constant 16 : i32
    %add3A_33 = vector.broadcast %add3A_32 : i32 to vector<16xi32>
    %add3A_34 = arith.addi %add3A_33, %iota3A : vector<16xi32>
    %add3A_35 = arith.constant 32 : i32
    %add3A_36 = vector.broadcast %add3A_35 : i32 to vector<16xi32>
    %add3A_37 = arith.addi %add3A_36, %iota3A : vector<16xi32>
    %add3A_38 = arith.constant 48 : i32
    %add3A_39 = vector.broadcast %add3A_38 : i32 to vector<16xi32>
    %add3A_40 = arith.addi %add3A_39, %iota3A : vector<16xi32>
    %jit3A = arith.constant 8 : i32
    %div3A = vector.broadcast %jit3A : i32 to vector<16xi32>
    %div3A_41 = arith.divsi %add3A_31, %div3A : vector<16xi32>
    %sign3A = arith.constant 0 : i32
    %sign3A_42 = vector.broadcast %sign3A : i32 to vector<16xi32>
    %sign3A_43 = arith.cmpi sgt, %add3A_31, %sign3A_42 : vector<16xi32>
    %sign3A_44 = arith.extui %sign3A_43 : vector<16xi1> to vector<16xi32>
    %sign3A_45 = arith.constant 0 : i32
    %sign3A_46 = vector.broadcast %sign3A_45 : i32 to vector<16xi32>
    %sign3A_47 = arith.cmpi slt, %add3A_31, %sign3A_46 : vector<16xi32>
    %sign3A_48 = arith.extui %sign3A_47 : vector<16xi1> to vector<16xi32>
    %sign3A_49 = arith.subi %sign3A_44, %sign3A_48 : vector<16xi32>
    %sign3A_50 = arith.constant 0 : i32
    %sign3A_51 = arith.cmpi sgt, %jit3A, %sign3A_50 : i32
    %sign3A_52 = arith.extui %sign3A_51 : i1 to i32
    %sign3A_53 = arith.constant 0 : i32
    %sign3A_54 = arith.cmpi slt, %jit3A, %sign3A_53 : i32
    %sign3A_55 = arith.extui %sign3A_54 : i1 to i32
    %sign3A_56 = arith.subi %sign3A_52, %sign3A_55 : i32
    %ne3A = vector.broadcast %sign3A_56 : i32 to vector<16xi32>
    %ne3A_57 = arith.cmpi ne, %sign3A_49, %ne3A : vector<16xi32>
    %rem3A = vector.broadcast %jit3A : i32 to vector<16xi32>
    %rem3A_58 = arith.remsi %add3A_31, %rem3A : vector<16xi32>
    %ne3A_59 = arith.constant 0 : i32
    %ne3A_60 = vector.broadcast %ne3A_59 : i32 to vector<16xi32>
    %ne3A_61 = arith.cmpi ne, %rem3A_58, %ne3A_60 : vector<16xi32>
    %and3A = arith.andi %ne3A_57, %ne3A_61 : vector<16xi1>
    %sub3A = arith.constant 1 : i32
    %sub3A_62 = vector.broadcast %sub3A : i32 to vector<16xi32>
    %sub3A_63 = arith.subi %div3A_41, %sub3A_62 : vector<16xi32>
    %select_n3A = arith.select %and3A, %sub3A_63, %div3A_41 : vector<16xi1>, vector<16xi32>
    %jit3A_64 = arith.constant 8 : i32
    %div3A_65 = vector.broadcast %jit3A_64 : i32 to vector<16xi32>
    %div3A_66 = arith.divsi %add3A_34, %div3A_65 : vector<16xi32>
    %sign3A_67 = arith.constant 0 : i32
    %sign3A_68 = vector.broadcast %sign3A_67 : i32 to vector<16xi32>
    %sign3A_69 = arith.cmpi sgt, %add3A_34, %sign3A_68 : vector<16xi32>
    %sign3A_70 = arith.extui %sign3A_69 : vector<16xi1> to vector<16xi32>
    %sign3A_71 = arith.constant 0 : i32
    %sign3A_72 = vector.broadcast %sign3A_71 : i32 to vector<16xi32>
    %sign3A_73 = arith.cmpi slt, %add3A_34, %sign3A_72 : vector<16xi32>
    %sign3A_74 = arith.extui %sign3A_73 : vector<16xi1> to vector<16xi32>
    %sign3A_75 = arith.subi %sign3A_70, %sign3A_74 : vector<16xi32>
    %sign3A_76 = arith.constant 0 : i32
    %sign3A_77 = arith.cmpi sgt, %jit3A_64, %sign3A_76 : i32
    %sign3A_78 = arith.extui %sign3A_77 : i1 to i32
    %sign3A_79 = arith.constant 0 : i32
    %sign3A_80 = arith.cmpi slt, %jit3A_64, %sign3A_79 : i32
    %sign3A_81 = arith.extui %sign3A_80 : i1 to i32
    %sign3A_82 = arith.subi %sign3A_78, %sign3A_81 : i32
    %ne3A_83 = vector.broadcast %sign3A_82 : i32 to vector<16xi32>
    %ne3A_84 = arith.cmpi ne, %sign3A_75, %ne3A_83 : vector<16xi32>
    %rem3A_85 = vector.broadcast %jit3A_64 : i32 to vector<16xi32>
    %rem3A_86 = arith.remsi %add3A_34, %rem3A_85 : vector<16xi32>
    %ne3A_87 = arith.constant 0 : i32
    %ne3A_88 = vector.broadcast %ne3A_87 : i32 to vector<16xi32>
    %ne3A_89 = arith.cmpi ne, %rem3A_86, %ne3A_88 : vector<16xi32>
    %and3A_90 = arith.andi %ne3A_84, %ne3A_89 : vector<16xi1>
    %sub3A_91 = arith.constant 1 : i32
    %sub3A_92 = vector.broadcast %sub3A_91 : i32 to vector<16xi32>
    %sub3A_93 = arith.subi %div3A_66, %sub3A_92 : vector<16xi32>
    %select_n3A_94 = arith.select %and3A_90, %sub3A_93, %div3A_66 : vector<16xi1>, vector<16xi32>
    %jit3A_95 = arith.constant 8 : i32
    %div3A_96 = vector.broadcast %jit3A_95 : i32 to vector<16xi32>
    %div3A_97 = arith.divsi %add3A_37, %div3A_96 : vector<16xi32>
    %sign3A_98 = arith.constant 0 : i32
    %sign3A_99 = vector.broadcast %sign3A_98 : i32 to vector<16xi32>
    %sign3A_100 = arith.cmpi sgt, %add3A_37, %sign3A_99 : vector<16xi32>
    %sign3A_101 = arith.extui %sign3A_100 : vector<16xi1> to vector<16xi32>
    %sign3A_102 = arith.constant 0 : i32
    %sign3A_103 = vector.broadcast %sign3A_102 : i32 to vector<16xi32>
    %sign3A_104 = arith.cmpi slt, %add3A_37, %sign3A_103 : vector<16xi32>
    %sign3A_105 = arith.extui %sign3A_104 : vector<16xi1> to vector<16xi32>
    %sign3A_106 = arith.subi %sign3A_101, %sign3A_105 : vector<16xi32>
    %sign3A_107 = arith.constant 0 : i32
    %sign3A_108 = arith.cmpi sgt, %jit3A_95, %sign3A_107 : i32
    %sign3A_109 = arith.extui %sign3A_108 : i1 to i32
    %sign3A_110 = arith.constant 0 : i32
    %sign3A_111 = arith.cmpi slt, %jit3A_95, %sign3A_110 : i32
    %sign3A_112 = arith.extui %sign3A_111 : i1 to i32
    %sign3A_113 = arith.subi %sign3A_109, %sign3A_112 : i32
    %ne3A_114 = vector.broadcast %sign3A_113 : i32 to vector<16xi32>
    %ne3A_115 = arith.cmpi ne, %sign3A_106, %ne3A_114 : vector<16xi32>
    %rem3A_116 = vector.broadcast %jit3A_95 : i32 to vector<16xi32>
    %rem3A_117 = arith.remsi %add3A_37, %rem3A_116 : vector<16xi32>
    %ne3A_118 = arith.constant 0 : i32
    %ne3A_119 = vector.broadcast %ne3A_118 : i32 to vector<16xi32>
    %ne3A_120 = arith.cmpi ne, %rem3A_117, %ne3A_119 : vector<16xi32>
    %and3A_121 = arith.andi %ne3A_115, %ne3A_120 : vector<16xi1>
    %sub3A_122 = arith.constant 1 : i32
    %sub3A_123 = vector.broadcast %sub3A_122 : i32 to vector<16xi32>
    %sub3A_124 = arith.subi %div3A_97, %sub3A_123 : vector<16xi32>
    %select_n3A_125 = arith.select %and3A_121, %sub3A_124, %div3A_97 : vector<16xi1>, vector<16xi32>
    %jit3A_126 = arith.constant 8 : i32
    %div3A_127 = vector.broadcast %jit3A_126 : i32 to vector<16xi32>
    %div3A_128 = arith.divsi %add3A_40, %div3A_127 : vector<16xi32>
    %sign3A_129 = arith.constant 0 : i32
    %sign3A_130 = vector.broadcast %sign3A_129 : i32 to vector<16xi32>
    %sign3A_131 = arith.cmpi sgt, %add3A_40, %sign3A_130 : vector<16xi32>
    %sign3A_132 = arith.extui %sign3A_131 : vector<16xi1> to vector<16xi32>
    %sign3A_133 = arith.constant 0 : i32
    %sign3A_134 = vector.broadcast %sign3A_133 : i32 to vector<16xi32>
    %sign3A_135 = arith.cmpi slt, %add3A_40, %sign3A_134 : vector<16xi32>
    %sign3A_136 = arith.extui %sign3A_135 : vector<16xi1> to vector<16xi32>
    %sign3A_137 = arith.subi %sign3A_132, %sign3A_136 : vector<16xi32>
    %sign3A_138 = arith.constant 0 : i32
    %sign3A_139 = arith.cmpi sgt, %jit3A_126, %sign3A_138 : i32
    %sign3A_140 = arith.extui %sign3A_139 : i1 to i32
    %sign3A_141 = arith.constant 0 : i32
    %sign3A_142 = arith.cmpi slt, %jit3A_126, %sign3A_141 : i32
    %sign3A_143 = arith.extui %sign3A_142 : i1 to i32
    %sign3A_144 = arith.subi %sign3A_140, %sign3A_143 : i32
    %ne3A_145 = vector.broadcast %sign3A_144 : i32 to vector<16xi32>
    %ne3A_146 = arith.cmpi ne, %sign3A_137, %ne3A_145 : vector<16xi32>
    %rem3A_147 = vector.broadcast %jit3A_126 : i32 to vector<16xi32>
    %rem3A_148 = arith.remsi %add3A_40, %rem3A_147 : vector<16xi32>
    %ne3A_149 = arith.constant 0 : i32
    %ne3A_150 = vector.broadcast %ne3A_149 : i32 to vector<16xi32>
    %ne3A_151 = arith.cmpi ne, %rem3A_148, %ne3A_150 : vector<16xi32>
    %and3A_152 = arith.andi %ne3A_146, %ne3A_151 : vector<16xi1>
    %sub3A_153 = arith.constant 1 : i32
    %sub3A_154 = vector.broadcast %sub3A_153 : i32 to vector<16xi32>
    %sub3A_155 = arith.subi %div3A_128, %sub3A_154 : vector<16xi32>
    %select_n3A_156 = arith.select %and3A_152, %sub3A_155, %div3A_128 : vector<16xi1>, vector<16xi32>
    %jit3A_157 = arith.constant 8 : i32
    %eq3A = arith.constant 0 : i32
    %eq3A_158 = arith.cmpi eq, %jit3A_157, %eq3A : i32
    %jit3A_159 = arith.constant 1 : i32
    %select_n3A_160 = arith.select %eq3A_158, %jit3A_159, %jit3A_157 : i32
    %rem3A_161 = vector.broadcast %select_n3A_160 : i32 to vector<16xi32>
    %rem3A_162 = arith.remsi %add3A_31, %rem3A_161 : vector<16xi32>
    %ne3A_163 = arith.constant 0 : i32
    %ne3A_164 = vector.broadcast %ne3A_163 : i32 to vector<16xi32>
    %ne3A_165 = arith.cmpi ne, %rem3A_162, %ne3A_164 : vector<16xi32>
    %lt3A = arith.constant 0 : i32
    %lt3A_166 = vector.broadcast %lt3A : i32 to vector<16xi32>
    %lt3A_167 = arith.cmpi slt, %rem3A_162, %lt3A_166 : vector<16xi32>
    %lt3A_168 = arith.constant 0 : i32
    %lt3A_169 = arith.cmpi slt, %select_n3A_160, %lt3A_168 : i32
    %ne3A_170 = vector.broadcast %lt3A_169 : i1 to vector<16xi1>
    %ne3A_171 = vector.broadcast %ne3A_170 : vector<16xi1> to vector<16xi1>
    %ne3A_172 = arith.xori %lt3A_167, %ne3A_171 : vector<16xi1>
    %and3A_173 = arith.andi %ne3A_172, %ne3A_165 : vector<16xi1>
    %add3A_174 = vector.broadcast %select_n3A_160 : i32 to vector<16xi32>
    %add3A_175 = arith.addi %rem3A_162, %add3A_174 : vector<16xi32>
    %select_n3A_176 = arith.select %and3A_173, %add3A_175, %rem3A_162 : vector<16xi1>, vector<16xi32>
    %jit3A_177 = arith.constant 8 : i32
    %eq3A_178 = arith.constant 0 : i32
    %eq3A_179 = arith.cmpi eq, %jit3A_177, %eq3A_178 : i32
    %jit3A_180 = arith.constant 1 : i32
    %select_n3A_181 = arith.select %eq3A_179, %jit3A_180, %jit3A_177 : i32
    %rem3A_182 = vector.broadcast %select_n3A_181 : i32 to vector<16xi32>
    %rem3A_183 = arith.remsi %add3A_34, %rem3A_182 : vector<16xi32>
    %ne3A_184 = arith.constant 0 : i32
    %ne3A_185 = vector.broadcast %ne3A_184 : i32 to vector<16xi32>
    %ne3A_186 = arith.cmpi ne, %rem3A_183, %ne3A_185 : vector<16xi32>
    %lt3A_187 = arith.constant 0 : i32
    %lt3A_188 = vector.broadcast %lt3A_187 : i32 to vector<16xi32>
    %lt3A_189 = arith.cmpi slt, %rem3A_183, %lt3A_188 : vector<16xi32>
    %lt3A_190 = arith.constant 0 : i32
    %lt3A_191 = arith.cmpi slt, %select_n3A_181, %lt3A_190 : i32
    %ne3A_192 = vector.broadcast %lt3A_191 : i1 to vector<16xi1>
    %ne3A_193 = vector.broadcast %ne3A_192 : vector<16xi1> to vector<16xi1>
    %ne3A_194 = arith.xori %lt3A_189, %ne3A_193 : vector<16xi1>
    %and3A_195 = arith.andi %ne3A_194, %ne3A_186 : vector<16xi1>
    %add3A_196 = vector.broadcast %select_n3A_181 : i32 to vector<16xi32>
    %add3A_197 = arith.addi %rem3A_183, %add3A_196 : vector<16xi32>
    %select_n3A_198 = arith.select %and3A_195, %add3A_197, %rem3A_183 : vector<16xi1>, vector<16xi32>
    %jit3A_199 = arith.constant 8 : i32
    %eq3A_200 = arith.constant 0 : i32
    %eq3A_201 = arith.cmpi eq, %jit3A_199, %eq3A_200 : i32
    %jit3A_202 = arith.constant 1 : i32
    %select_n3A_203 = arith.select %eq3A_201, %jit3A_202, %jit3A_199 : i32
    %rem3A_204 = vector.broadcast %select_n3A_203 : i32 to vector<16xi32>
    %rem3A_205 = arith.remsi %add3A_37, %rem3A_204 : vector<16xi32>
    %ne3A_206 = arith.constant 0 : i32
    %ne3A_207 = vector.broadcast %ne3A_206 : i32 to vector<16xi32>
    %ne3A_208 = arith.cmpi ne, %rem3A_205, %ne3A_207 : vector<16xi32>
    %lt3A_209 = arith.constant 0 : i32
    %lt3A_210 = vector.broadcast %lt3A_209 : i32 to vector<16xi32>
    %lt3A_211 = arith.cmpi slt, %rem3A_205, %lt3A_210 : vector<16xi32>
    %lt3A_212 = arith.constant 0 : i32
    %lt3A_213 = arith.cmpi slt, %select_n3A_203, %lt3A_212 : i32
    %ne3A_214 = vector.broadcast %lt3A_213 : i1 to vector<16xi1>
    %ne3A_215 = vector.broadcast %ne3A_214 : vector<16xi1> to vector<16xi1>
    %ne3A_216 = arith.xori %lt3A_211, %ne3A_215 : vector<16xi1>
    %and3A_217 = arith.andi %ne3A_216, %ne3A_208 : vector<16xi1>
    %add3A_218 = vector.broadcast %select_n3A_203 : i32 to vector<16xi32>
    %add3A_219 = arith.addi %rem3A_205, %add3A_218 : vector<16xi32>
    %select_n3A_220 = arith.select %and3A_217, %add3A_219, %rem3A_205 : vector<16xi1>, vector<16xi32>
    %jit3A_221 = arith.constant 8 : i32
    %eq3A_222 = arith.constant 0 : i32
    %eq3A_223 = arith.cmpi eq, %jit3A_221, %eq3A_222 : i32
    %jit3A_224 = arith.constant 1 : i32
    %select_n3A_225 = arith.select %eq3A_223, %jit3A_224, %jit3A_221 : i32
    %rem3A_226 = vector.broadcast %select_n3A_225 : i32 to vector<16xi32>
    %rem3A_227 = arith.remsi %add3A_40, %rem3A_226 : vector<16xi32>
    %ne3A_228 = arith.constant 0 : i32
    %ne3A_229 = vector.broadcast %ne3A_228 : i32 to vector<16xi32>
    %ne3A_230 = arith.cmpi ne, %rem3A_227, %ne3A_229 : vector<16xi32>
    %lt3A_231 = arith.constant 0 : i32
    %lt3A_232 = vector.broadcast %lt3A_231 : i32 to vector<16xi32>
    %lt3A_233 = arith.cmpi slt, %rem3A_227, %lt3A_232 : vector<16xi32>
    %lt3A_234 = arith.constant 0 : i32
    %lt3A_235 = arith.cmpi slt, %select_n3A_225, %lt3A_234 : i32
    %ne3A_236 = vector.broadcast %lt3A_235 : i1 to vector<16xi1>
    %ne3A_237 = vector.broadcast %ne3A_236 : vector<16xi1> to vector<16xi1>
    %ne3A_238 = arith.xori %lt3A_233, %ne3A_237 : vector<16xi1>
    %and3A_239 = arith.andi %ne3A_238, %ne3A_230 : vector<16xi1>
    %add3A_240 = vector.broadcast %select_n3A_225 : i32 to vector<16xi32>
    %add3A_241 = arith.addi %rem3A_227, %add3A_240 : vector<16xi32>
    %select_n3A_242 = arith.select %and3A_239, %add3A_241, %rem3A_227 : vector<16xi1>, vector<16xi32>
    %dma_start3A = arith.constant 0 : i32
    %dma_start3A_243 = arith.constant 0 : i32
    %dma_start3A_244 = tpu.memref_slice %arg6[%dma_start3A, %dma_start3A_243] : memref<25x256xi32, #tpu.memory_space<vmem>> -> memref<1x256xi32, #tpu.memory_space<vmem>>
    %dma_start3A_245 = tpu.memref_squeeze %dma_start3A_244 : memref<1x256xi32, #tpu.memory_space<vmem>> -> memref<256xi32, #tpu.memory_space<vmem>>
    %dma_start3A_246 = arith.constant 0 : i32
    %dma_start3A_247 = arith.constant 0 : i32
    %dma_start3A_248 = tpu.memref_slice %arg2[%dma_start3A_246, %dma_start3A_247] : memref<100001x64xf32, #tpu.memory_space<hbm>> -> memref<100001x64xf32, #tpu.memory_space<hbm>>
    tpu.enqueue_indirect_dma source(%dma_start3A_248 : memref<100001x64xf32, #tpu.memory_space<hbm>>) target(%arg7 : memref<256x64xf32, #tpu.memory_space<vmem>>) offsets(%dma_start3A_245 : memref<256xi32, #tpu.memory_space<vmem>>) semaphore(%arg13 : memref<!tpu.dma_semaphore, #tpu.memory_space<semaphore_mem>>)
    %dma_start3A_249 = arith.constant 1 : i32
    %dma_start3A_250 = arith.constant 0 : i32
    %dma_start3A_251 = tpu.memref_slice %arg6[%dma_start3A_249, %dma_start3A_250] : memref<25x256xi32, #tpu.memory_space<vmem>> -> memref<1x256xi32, #tpu.memory_space<vmem>>
    %dma_start3A_252 = tpu.memref_squeeze %dma_start3A_251 : memref<1x256xi32, #tpu.memory_space<vmem>> -> memref<256xi32, #tpu.memory_space<vmem>>
    %dma_start3A_253 = arith.constant 0 : i32
    %dma_start3A_254 = arith.constant 0 : i32
    %dma_start3A_255 = tpu.memref_slice %arg2[%dma_start3A_253, %dma_start3A_254] : memref<100001x64xf32, #tpu.memory_space<hbm>> -> memref<100001x64xf32, #tpu.memory_space<hbm>>
    tpu.enqueue_indirect_dma source(%dma_start3A_255 : memref<100001x64xf32, #tpu.memory_space<hbm>>) target(%arg8 : memref<256x64xf32, #tpu.memory_space<vmem>>) offsets(%dma_start3A_252 : memref<256xi32, #tpu.memory_space<vmem>>) semaphore(%arg14 : memref<!tpu.dma_semaphore, #tpu.memory_space<semaphore_mem>>)
    %dma_wait3A = arith.constant 0 : i32
    %dma_wait3A_256 = arith.constant 0 : i32
    %dma_wait3A_257 = tpu.memref_slice %arg6[%dma_wait3A, %dma_wait3A_256] : memref<25x256xi32, #tpu.memory_space<vmem>> -> memref<1x256xi32, #tpu.memory_space<vmem>>
    %dma_wait3A_258 = tpu.memref_squeeze %dma_wait3A_257 : memref<1x256xi32, #tpu.memory_space<vmem>> -> memref<256xi32, #tpu.memory_space<vmem>>
    %dma_wait3A_259 = arith.constant 0 : i32
    %dma_wait3A_260 = arith.constant 0 : i32
    %dma_wait3A_261 = tpu.memref_slice %arg2[%dma_wait3A_259, %dma_wait3A_260] : memref<100001x64xf32, #tpu.memory_space<hbm>> -> memref<100001x64xf32, #tpu.memory_space<hbm>>
    tpu.wait_indirect_dma semaphore(%arg13 : memref<!tpu.dma_semaphore, #tpu.memory_space<semaphore_mem>>) src(%dma_wait3A_261 : memref<100001x64xf32, #tpu.memory_space<hbm>>) dst(%arg7 : memref<256x64xf32, #tpu.memory_space<vmem>>)
    %parallel_loop3A_262 = arith.constant 0 : i32
    %parallel_loop3A_263 = arith.constant 128 : i32
    %parallel_loop3A_264 = arith.constant 1 : i32
    scf.for %parallel_loop3A_541 = %parallel_loop3A_262 to %parallel_loop3A_263 step %parallel_loop3A_264  : i32 {
      %parallel_loop3A_542 = arith.constant 0 : i32
      %parallel_loop3A_543 = vector.broadcast %parallel_loop3A_542 : i32 to vector<16xi32>
      %parallel_loop3A_544 = vector.broadcast %parallel_loop3A_541 : i32 to vector<16xi32>
      %parallel_loop3A_545 = arith.addi %parallel_loop3A_543, %parallel_loop3A_544 : vector<16xi32>
      %parallel_loop3A_546 = arith.constant 0 : i32
      %parallel_loop3A_547 = arith.addi %parallel_loop3A_546, %parallel_loop3A_541 : i32
      %parallel_loop3A_548 = arith.index_cast %parallel_loop3A_547 : i32 to index
      %parallel_loop3A_549 = arith.constant 0 : index
      %parallel_loop3A_550 = tpu.vector_load %arg7[%parallel_loop3A_548, %parallel_loop3A_549] {strides = array<i32>} : memref<256x64xf32, #tpu.memory_space<vmem>>, vector<16xf32>,
      %parallel_loop3A_551 = arith.index_cast %parallel_loop3A_547 : i32 to index
      %parallel_loop3A_552 = arith.constant 16 : index
      %parallel_loop3A_553 = tpu.vector_load %arg7[%parallel_loop3A_551, %parallel_loop3A_552] {strides = array<i32>} : memref<256x64xf32, #tpu.memory_space<vmem>>, vector<16xf32>,
      %parallel_loop3A_554 = arith.index_cast %parallel_loop3A_547 : i32 to index
      %parallel_loop3A_555 = arith.constant 32 : index
      %parallel_loop3A_556 = tpu.vector_load %arg7[%parallel_loop3A_554, %parallel_loop3A_555] {strides = array<i32>} : memref<256x64xf32, #tpu.memory_space<vmem>>, vector<16xf32>,
      %parallel_loop3A_557 = arith.index_cast %parallel_loop3A_547 : i32 to index
      %parallel_loop3A_558 = arith.constant 48 : index
      %parallel_loop3A_559 = tpu.vector_load %arg7[%parallel_loop3A_557, %parallel_loop3A_558] {strides = array<i32>} : memref<256x64xf32, #tpu.memory_space<vmem>>, vector<16xf32>,
      tpu.vector_store_idx %arg9[%select_n3A, %select_n3A_176, %parallel_loop3A_545], %parallel_loop3A_550 : memref<8x8x129xf32, #tpu.memory_space<vmem>>[vector<16xi32>, vector<16xi32>, vector<16xi32>], vector<16xf32>,
      tpu.vector_store_idx %arg9[%select_n3A_94, %select_n3A_198, %parallel_loop3A_545], %parallel_loop3A_553 : memref<8x8x129xf32, #tpu.memory_space<vmem>>[vector<16xi32>, vector<16xi32>, vector<16xi32>], vector<16xf32>,
      tpu.vector_store_idx %arg9[%select_n3A_125, %select_n3A_220, %parallel_loop3A_545], %parallel_loop3A_556 : memref<8x8x129xf32, #tpu.memory_space<vmem>>[vector<16xi32>, vector<16xi32>, vector<16xi32>], vector<16xf32>,
      tpu.vector_store_idx %arg9[%select_n3A_156, %select_n3A_242, %parallel_loop3A_545], %parallel_loop3A_559 : memref<8x8x129xf32, #tpu.memory_space<vmem>>[vector<16xi32>, vector<16xi32>, vector<16xi32>], vector<16xf32>,
    } {sc.loop_unroll_factor = 4 : i64, sc.parallel_access}
    %dma_start3A_265 = arith.constant 2 : i32
    %dma_start3A_266 = arith.constant 0 : i32
    %dma_start3A_267 = tpu.memref_slice %arg6[%dma_start3A_265, %dma_start3A_266] : memref<25x256xi32, #tpu.memory_space<vmem>> -> memref<1x256xi32, #tpu.memory_space<vmem>>
    %dma_start3A_268 = tpu.memref_squeeze %dma_start3A_267 : memref<1x256xi32, #tpu.memory_space<vmem>> -> memref<256xi32, #tpu.memory_space<vmem>>
    %dma_start3A_269 = arith.constant 0 : i32
    %dma_start3A_270 = arith.constant 0 : i32
    %dma_start3A_271 = tpu.memref_slice %arg2[%dma_start3A_269, %dma_start3A_270] : memref<100001x64xf32, #tpu.memory_space<hbm>> -> memref<100001x64xf32, #tpu.memory_space<hbm>>
    tpu.enqueue_indirect_dma source(%dma_start3A_271 : memref<100001x64xf32, #tpu.memory_space<hbm>>) target(%arg7 : memref<256x64xf32, #tpu.memory_space<vmem>>) offsets(%dma_start3A_268 : memref<256xi32, #tpu.memory_space<vmem>>) semaphore(%arg13 : memref<!tpu.dma_semaphore, #tpu.memory_space<semaphore_mem>>)
    %dma_start3A_272 = arith.constant 0 : i32
    %dma_start3A_273 = arith.constant 0 : i32
    %dma_start3A_274 = arith.constant 0 : i32
    %dma_start3A_275 = arith.constant 0 : i32
    %dma_start3A_276 = tpu.memref_slice %arg9[%dma_start3A_273, %dma_start3A_274, %dma_start3A_275] : memref<8x8x129xf32, #tpu.memory_space<vmem>> -> memref<8x8x128xf32, #tpu.memory_space<vmem>>
    %dma_start3A_277 = arith.constant 0 : i32
    %dma_start3A_278 = arith.constant 0 : i32
    %dma_start3A_279 = arith.constant 0 : i32
    %dma_start3A_280 = tpu.memref_slice %arg4[%dma_start3A_272, %dma_start3A_277, %add3A, %dma_start3A_278, %dma_start3A_279] : memref<50x8x32x8x128xf32, #tpu.memory_space<hbm>> -> memref<1x8x1x8x128xf32, #tpu.memory_space<hbm>>
    %dma_start3A_281 = tpu.memref_squeeze %dma_start3A_280 : memref<1x8x1x8x128xf32, #tpu.memory_space<hbm>> -> memref<8x8x128xf32, #tpu.memory_space<hbm>>
    %dma_start3A_282 = arith.constant 0 : i32
    %dma_start3A_283 = arith.constant 0 : i32
    %dma_start3A_284 = arith.constant 0 : i32
    %dma_start3A_285 = tpu.memref_slice %arg4[%dma_start3A_272, %dma_start3A_282, %add3A, %dma_start3A_283, %dma_start3A_284] : memref<50x8x32x8x128xf32, #tpu.memory_space<hbm>> -> memref<1x8x1x8x128xf32, #tpu.memory_space<hbm>>
    %dma_start3A_286 = tpu.memref_squeeze %dma_start3A_285 : memref<1x8x1x8x128xf32, #tpu.memory_space<hbm>> -> memref<8x8x128xf32, #tpu.memory_space<hbm>>
    %dma_start3A_287 = arith.constant 0 : i32
    %dma_start3A_288 = arith.constant 0 : i32
    %dma_start3A_289 = arith.constant 0 : i32
    %dma_start3A_290 = tpu.memref_slice %arg9[%dma_start3A_287, %dma_start3A_288, %dma_start3A_289] : memref<8x8x129xf32, #tpu.memory_space<vmem>> -> memref<8x8x128xf32, #tpu.memory_space<vmem>>
    tpu.enqueue_dma source(%dma_start3A_290 : memref<8x8x128xf32, #tpu.memory_space<vmem>>) target(%dma_start3A_286 : memref<8x8x128xf32, #tpu.memory_space<hbm>>) target_semaphore(%arg15 : memref<!tpu.dma_semaphore, #tpu.memory_space<semaphore_mem>>)
    %parallel_loop3A_291 = arith.constant 0 : i32
    %parallel_loop3A_292 = arith.constant 128 : i32
    %parallel_loop3A_293 = arith.constant 1 : i32
    scf.for %parallel_loop3A_541 = %parallel_loop3A_291 to %parallel_loop3A_292 step %parallel_loop3A_293  : i32 {
      %parallel_loop3A_542 = arith.constant 0 : i32
      %parallel_loop3A_543 = vector.broadcast %parallel_loop3A_542 : i32 to vector<16xi32>
      %parallel_loop3A_544 = vector.broadcast %parallel_loop3A_541 : i32 to vector<16xi32>
      %parallel_loop3A_545 = arith.addi %parallel_loop3A_543, %parallel_loop3A_544 : vector<16xi32>
      %parallel_loop3A_546 = arith.constant 128 : i32
      %parallel_loop3A_547 = arith.addi %parallel_loop3A_546, %parallel_loop3A_541 : i32
      %parallel_loop3A_548 = arith.index_cast %parallel_loop3A_547 : i32 to index
      %parallel_loop3A_549 = arith.constant 0 : index
      %parallel_loop3A_550 = tpu.vector_load %arg7[%parallel_loop3A_548, %parallel_loop3A_549] {strides = array<i32>} : memref<256x64xf32, #tpu.memory_space<vmem>>, vector<16xf32>,
      %parallel_loop3A_551 = arith.index_cast %parallel_loop3A_547 : i32 to index
      %parallel_loop3A_552 = arith.constant 16 : index
      %parallel_loop3A_553 = tpu.vector_load %arg7[%parallel_loop3A_551, %parallel_loop3A_552] {strides = array<i32>} : memref<256x64xf32, #tpu.memory_space<vmem>>, vector<16xf32>,
      %parallel_loop3A_554 = arith.index_cast %parallel_loop3A_547 : i32 to index
      %parallel_loop3A_555 = arith.constant 32 : index
      %parallel_loop3A_556 = tpu.vector_load %arg7[%parallel_loop3A_554, %parallel_loop3A_555] {strides = array<i32>} : memref<256x64xf32, #tpu.memory_space<vmem>>, vector<16xf32>,
      %parallel_loop3A_557 = arith.index_cast %parallel_loop3A_547 : i32 to index
      %parallel_loop3A_558 = arith.constant 48 : index
      %parallel_loop3A_559 = tpu.vector_load %arg7[%parallel_loop3A_557, %parallel_loop3A_558] {strides = array<i32>} : memref<256x64xf32, #tpu.memory_space<vmem>>, vector<16xf32>,
      tpu.vector_store_idx %arg10[%select_n3A, %select_n3A_176, %parallel_loop3A_545], %parallel_loop3A_550 : memref<8x8x129xf32, #tpu.memory_space<vmem>>[vector<16xi32>, vector<16xi32>, vector<16xi32>], vector<16xf32>,
      tpu.vector_store_idx %arg10[%select_n3A_94, %select_n3A_198, %parallel_loop3A_545], %parallel_loop3A_553 : memref<8x8x129xf32, #tpu.memory_space<vmem>>[vector<16xi32>, vector<16xi32>, vector<16xi32>], vector<16xf32>,
      tpu.vector_store_idx %arg10[%select_n3A_125, %select_n3A_220, %parallel_loop3A_545], %parallel_loop3A_556 : memref<8x8x129xf32, #tpu.memory_space<vmem>>[vector<16xi32>, vector<16xi32>, vector<16xi32>], vector<16xf32>,
      tpu.vector_store_idx %arg10[%select_n3A_156, %select_n3A_242, %parallel_loop3A_545], %parallel_loop3A_559 : memref<8x8x129xf32, #tpu.memory_space<vmem>>[vector<16xi32>, vector<16xi32>, vector<16xi32>], vector<16xf32>,
    } {sc.loop_unroll_factor = 4 : i64, sc.parallel_access}
    %dma_start3A_294 = arith.constant 1 : i32
    %dma_start3A_295 = arith.constant 0 : i32
    %dma_start3A_296 = arith.constant 0 : i32
    %dma_start3A_297 = arith.constant 0 : i32
    %dma_start3A_298 = tpu.memref_slice %arg10[%dma_start3A_295, %dma_start3A_296, %dma_start3A_297] : memref<8x8x129xf32, #tpu.memory_space<vmem>> -> memref<8x8x128xf32, #tpu.memory_space<vmem>>
    %dma_start3A_299 = arith.constant 0 : i32
    %dma_start3A_300 = arith.constant 0 : i32
    %dma_start3A_301 = arith.constant 0 : i32
    %dma_start3A_302 = tpu.memref_slice %arg4[%dma_start3A_294, %dma_start3A_299, %add3A, %dma_start3A_300, %dma_start3A_301] : memref<50x8x32x8x128xf32, #tpu.memory_space<hbm>> -> memref<1x8x1x8x128xf32, #tpu.memory_space<hbm>>
    %dma_start3A_303 = tpu.memref_squeeze %dma_start3A_302 : memref<1x8x1x8x128xf32, #tpu.memory_space<hbm>> -> memref<8x8x128xf32, #tpu.memory_space<hbm>>
    %dma_start3A_304 = arith.constant 0 : i32
    %dma_start3A_305 = arith.constant 0 : i32
    %dma_start3A_306 = arith.constant 0 : i32
    %dma_start3A_307 = tpu.memref_slice %arg4[%dma_start3A_294, %dma_start3A_304, %add3A, %dma_start3A_305, %dma_start3A_306] : memref<50x8x32x8x128xf32, #tpu.memory_space<hbm>> -> memref<1x8x1x8x128xf32, #tpu.memory_space<hbm>>
    %dma_start3A_308 = tpu.memref_squeeze %dma_start3A_307 : memref<1x8x1x8x128xf32, #tpu.memory_space<hbm>> -> memref<8x8x128xf32, #tpu.memory_space<hbm>>
    %dma_start3A_309 = arith.constant 0 : i32
    %dma_start3A_310 = arith.constant 0 : i32
    %dma_start3A_311 = arith.constant 0 : i32
    %dma_start3A_312 = tpu.memref_slice %arg10[%dma_start3A_309, %dma_start3A_310, %dma_start3A_311] : memref<8x8x129xf32, #tpu.memory_space<vmem>> -> memref<8x8x128xf32, #tpu.memory_space<vmem>>
    tpu.enqueue_dma source(%dma_start3A_312 : memref<8x8x128xf32, #tpu.memory_space<vmem>>) target(%dma_start3A_308 : memref<8x8x128xf32, #tpu.memory_space<hbm>>) target_semaphore(%arg16 : memref<!tpu.dma_semaphore, #tpu.memory_space<semaphore_mem>>)
    %dma_wait3A_313 = arith.constant 0 : i32
    %dma_wait3A_314 = arith.constant 0 : i32
    %dma_wait3A_315 = tpu.memref_slice %arg6[%dma_wait3A_313, %dma_wait3A_314] : memref<25x256xi32, #tpu.memory_space<vmem>> -> memref<1x256xi32, #tpu.memory_space<vmem>>
    %dma_wait3A_316 = tpu.memref_squeeze %dma_wait3A_315 : memref<1x256xi32, #tpu.memory_space<vmem>> -> memref<256xi32, #tpu.memory_space<vmem>>
    %dma_wait3A_317 = arith.constant 0 : i32
    %dma_wait3A_318 = arith.constant 0 : i32
    %dma_wait3A_319 = tpu.memref_slice %arg2[%dma_wait3A_317, %dma_wait3A_318] : memref<100001x64xf32, #tpu.memory_space<hbm>> -> memref<100001x64xf32, #tpu.memory_space<hbm>>
    tpu.wait_indirect_dma semaphore(%arg14 : memref<!tpu.dma_semaphore, #tpu.memory_space<semaphore_mem>>) src(%dma_wait3A_319 : memref<100001x64xf32, #tpu.memory_space<hbm>>) dst(%arg8 : memref<256x64xf32, #tpu.memory_space<vmem>>)
    %parallel_loop3A_320 = arith.constant 0 : i32
    %parallel_loop3A_321 = arith.constant 128 : i32
    %parallel_loop3A_322 = arith.constant 1 : i32
    scf.for %parallel_loop3A_541 = %parallel_loop3A_320 to %parallel_loop3A_321 step %parallel_loop3A_322  : i32 {
      %parallel_loop3A_542 = arith.constant 0 : i32
      %parallel_loop3A_543 = vector.broadcast %parallel_loop3A_542 : i32 to vector<16xi32>
      %parallel_loop3A_544 = vector.broadcast %parallel_loop3A_541 : i32 to vector<16xi32>
      %parallel_loop3A_545 = arith.addi %parallel_loop3A_543, %parallel_loop3A_544 : vector<16xi32>
      %parallel_loop3A_546 = arith.constant 0 : i32
      %parallel_loop3A_547 = arith.addi %parallel_loop3A_546, %parallel_loop3A_541 : i32
      %parallel_loop3A_548 = arith.index_cast %parallel_loop3A_547 : i32 to index
      %parallel_loop3A_549 = arith.constant 0 : index
      %parallel_loop3A_550 = tpu.vector_load %arg8[%parallel_loop3A_548, %parallel_loop3A_549] {strides = array<i32>} : memref<256x64xf32, #tpu.memory_space<vmem>>, vector<16xf32>,
      %parallel_loop3A_551 = arith.index_cast %parallel_loop3A_547 : i32 to index
      %parallel_loop3A_552 = arith.constant 16 : index
      %parallel_loop3A_553 = tpu.vector_load %arg8[%parallel_loop3A_551, %parallel_loop3A_552] {strides = array<i32>} : memref<256x64xf32, #tpu.memory_space<vmem>>, vector<16xf32>,
      %parallel_loop3A_554 = arith.index_cast %parallel_loop3A_547 : i32 to index
      %parallel_loop3A_555 = arith.constant 32 : index
      %parallel_loop3A_556 = tpu.vector_load %arg8[%parallel_loop3A_554, %parallel_loop3A_555] {strides = array<i32>} : memref<256x64xf32, #tpu.memory_space<vmem>>, vector<16xf32>,
      %parallel_loop3A_557 = arith.index_cast %parallel_loop3A_547 : i32 to index
      %parallel_loop3A_558 = arith.constant 48 : index
      %parallel_loop3A_559 = tpu.vector_load %arg8[%parallel_loop3A_557, %parallel_loop3A_558] {strides = array<i32>} : memref<256x64xf32, #tpu.memory_space<vmem>>, vector<16xf32>,
      tpu.vector_store_idx %arg11[%select_n3A, %select_n3A_176, %parallel_loop3A_545], %parallel_loop3A_550 : memref<8x8x129xf32, #tpu.memory_space<vmem>>[vector<16xi32>, vector<16xi32>, vector<16xi32>], vector<16xf32>,
      tpu.vector_store_idx %arg11[%select_n3A_94, %select_n3A_198, %parallel_loop3A_545], %parallel_loop3A_553 : memref<8x8x129xf32, #tpu.memory_space<vmem>>[vector<16xi32>, vector<16xi32>, vector<16xi32>], vector<16xf32>,
      tpu.vector_store_idx %arg11[%select_n3A_125, %select_n3A_220, %parallel_loop3A_545], %parallel_loop3A_556 : memref<8x8x129xf32, #tpu.memory_space<vmem>>[vector<16xi32>, vector<16xi32>, vector<16xi32>], vector<16xf32>,
      tpu.vector_store_idx %arg11[%select_n3A_156, %select_n3A_242, %parallel_loop3A_545], %parallel_loop3A_559 : memref<8x8x129xf32, #tpu.memory_space<vmem>>[vector<16xi32>, vector<16xi32>, vector<16xi32>], vector<16xf32>,
    } {sc.loop_unroll_factor = 4 : i64, sc.parallel_access}
    %dma_start3A_323 = arith.constant 3 : i32
    %dma_start3A_324 = arith.constant 0 : i32
    %dma_start3A_325 = tpu.memref_slice %arg6[%dma_start3A_323, %dma_start3A_324] : memref<25x256xi32, #tpu.memory_space<vmem>> -> memref<1x256xi32, #tpu.memory_space<vmem>>
    %dma_start3A_326 = tpu.memref_squeeze %dma_start3A_325 : memref<1x256xi32, #tpu.memory_space<vmem>> -> memref<256xi32, #tpu.memory_space<vmem>>
    %dma_start3A_327 = arith.constant 0 : i32
    %dma_start3A_328 = arith.constant 0 : i32
    %dma_start3A_329 = tpu.memref_slice %arg2[%dma_start3A_327, %dma_start3A_328] : memref<100001x64xf32, #tpu.memory_space<hbm>> -> memref<100001x64xf32, #tpu.memory_space<hbm>>
    tpu.enqueue_indirect_dma source(%dma_start3A_329 : memref<100001x64xf32, #tpu.memory_space<hbm>>) target(%arg8 : memref<256x64xf32, #tpu.memory_space<vmem>>) offsets(%dma_start3A_326 : memref<256xi32, #tpu.memory_space<vmem>>) semaphore(%arg14 : memref<!tpu.dma_semaphore, #tpu.memory_space<semaphore_mem>>)
    %dma_start3A_330 = arith.constant 2 : i32
    %dma_start3A_331 = arith.constant 0 : i32
    %dma_start3A_332 = arith.constant 0 : i32
    %dma_start3A_333 = arith.constant 0 : i32
    %dma_start3A_334 = tpu.memref_slice %arg11[%dma_start3A_331, %dma_start3A_332, %dma_start3A_333] : memref<8x8x129xf32, #tpu.memory_space<vmem>> -> memref<8x8x128xf32, #tpu.memory_space<vmem>>
    %dma_start3A_335 = arith.constant 0 : i32
    %dma_start3A_336 = arith.constant 0 : i32
    %dma_start3A_337 = arith.constant 0 : i32
    %dma_start3A_338 = tpu.memref_slice %arg4[%dma_start3A_330, %dma_start3A_335, %add3A, %dma_start3A_336, %dma_start3A_337] : memref<50x8x32x8x128xf32, #tpu.memory_space<hbm>> -> memref<1x8x1x8x128xf32, #tpu.memory_space<hbm>>
    %dma_start3A_339 = tpu.memref_squeeze %dma_start3A_338 : memref<1x8x1x8x128xf32, #tpu.memory_space<hbm>> -> memref<8x8x128xf32, #tpu.memory_space<hbm>>
    %dma_start3A_340 = arith.constant 0 : i32
    %dma_start3A_341 = arith.constant 0 : i32
    %dma_start3A_342 = arith.constant 0 : i32
    %dma_start3A_343 = tpu.memref_slice %arg4[%dma_start3A_330, %dma_start3A_340, %add3A, %dma_start3A_341, %dma_start3A_342] : memref<50x8x32x8x128xf32, #tpu.memory_space<hbm>> -> memref<1x8x1x8x128xf32, #tpu.memory_space<hbm>>
    %dma_start3A_344 = tpu.memref_squeeze %dma_start3A_343 : memref<1x8x1x8x128xf32, #tpu.memory_space<hbm>> -> memref<8x8x128xf32, #tpu.memory_space<hbm>>
    %dma_start3A_345 = arith.constant 0 : i32
    %dma_start3A_346 = arith.constant 0 : i32
    %dma_start3A_347 = arith.constant 0 : i32
    %dma_start3A_348 = tpu.memref_slice %arg11[%dma_start3A_345, %dma_start3A_346, %dma_start3A_347] : memref<8x8x129xf32, #tpu.memory_space<vmem>> -> memref<8x8x128xf32, #tpu.memory_space<vmem>>
    tpu.enqueue_dma source(%dma_start3A_348 : memref<8x8x128xf32, #tpu.memory_space<vmem>>) target(%dma_start3A_344 : memref<8x8x128xf32, #tpu.memory_space<hbm>>) target_semaphore(%arg17 : memref<!tpu.dma_semaphore, #tpu.memory_space<semaphore_mem>>)
    %parallel_loop3A_349 = arith.constant 0 : i32
    %parallel_loop3A_350 = arith.constant 128 : i32
    %parallel_loop3A_351 = arith.constant 1 : i32
    scf.for %parallel_loop3A_541 = %parallel_loop3A_349 to %parallel_loop3A_350 step %parallel_loop3A_351  : i32 {
      %parallel_loop3A_542 = arith.constant 0 : i32
      %parallel_loop3A_543 = vector.broadcast %parallel_loop3A_542 : i32 to vector<16xi32>
      %parallel_loop3A_544 = vector.broadcast %parallel_loop3A_541 : i32 to vector<16xi32>
      %parallel_loop3A_545 = arith.addi %parallel_loop3A_543, %parallel_loop3A_544 : vector<16xi32>
      %parallel_loop3A_546 = arith.constant 128 : i32
      %parallel_loop3A_547 = arith.addi %parallel_loop3A_546, %parallel_loop3A_541 : i32
      %parallel_loop3A_548 = arith.index_cast %parallel_loop3A_547 : i32 to index
      %parallel_loop3A_549 = arith.constant 0 : index
      %parallel_loop3A_550 = tpu.vector_load %arg8[%parallel_loop3A_548, %parallel_loop3A_549] {strides = array<i32>} : memref<256x64xf32, #tpu.memory_space<vmem>>, vector<16xf32>,
      %parallel_loop3A_551 = arith.index_cast %parallel_loop3A_547 : i32 to index
      %parallel_loop3A_552 = arith.constant 16 : index
      %parallel_loop3A_553 = tpu.vector_load %arg8[%parallel_loop3A_551, %parallel_loop3A_552] {strides = array<i32>} : memref<256x64xf32, #tpu.memory_space<vmem>>, vector<16xf32>,
      %parallel_loop3A_554 = arith.index_cast %parallel_loop3A_547 : i32 to index
      %parallel_loop3A_555 = arith.constant 32 : index
      %parallel_loop3A_556 = tpu.vector_load %arg8[%parallel_loop3A_554, %parallel_loop3A_555] {strides = array<i32>} : memref<256x64xf32, #tpu.memory_space<vmem>>, vector<16xf32>,
      %parallel_loop3A_557 = arith.index_cast %parallel_loop3A_547 : i32 to index
      %parallel_loop3A_558 = arith.constant 48 : index
      %parallel_loop3A_559 = tpu.vector_load %arg8[%parallel_loop3A_557, %parallel_loop3A_558] {strides = array<i32>} : memref<256x64xf32, #tpu.memory_space<vmem>>, vector<16xf32>,
      tpu.vector_store_idx %arg12[%select_n3A, %select_n3A_176, %parallel_loop3A_545], %parallel_loop3A_550 : memref<8x8x129xf32, #tpu.memory_space<vmem>>[vector<16xi32>, vector<16xi32>, vector<16xi32>], vector<16xf32>,
      tpu.vector_store_idx %arg12[%select_n3A_94, %select_n3A_198, %parallel_loop3A_545], %parallel_loop3A_553 : memref<8x8x129xf32, #tpu.memory_space<vmem>>[vector<16xi32>, vector<16xi32>, vector<16xi32>], vector<16xf32>,
      tpu.vector_store_idx %arg12[%select_n3A_125, %select_n3A_220, %parallel_loop3A_545], %parallel_loop3A_556 : memref<8x8x129xf32, #tpu.memory_space<vmem>>[vector<16xi32>, vector<16xi32>, vector<16xi32>], vector<16xf32>,
      tpu.vector_store_idx %arg12[%select_n3A_156, %select_n3A_242, %parallel_loop3A_545], %parallel_loop3A_559 : memref<8x8x129xf32, #tpu.memory_space<vmem>>[vector<16xi32>, vector<16xi32>, vector<16xi32>], vector<16xf32>,
    } {sc.loop_unroll_factor = 4 : i64, sc.parallel_access}
    %dma_start3A_352 = arith.constant 3 : i32
    %dma_start3A_353 = arith.constant 0 : i32
    %dma_start3A_354 = arith.constant 0 : i32
    %dma_start3A_355 = arith.constant 0 : i32
    %dma_start3A_356 = tpu.memref_slice %arg12[%dma_start3A_353, %dma_start3A_354, %dma_start3A_355] : memref<8x8x129xf32, #tpu.memory_space<vmem>> -> memref<8x8x128xf32, #tpu.memory_space<vmem>>
    %dma_start3A_357 = arith.constant 0 : i32
    %dma_start3A_358 = arith.constant 0 : i32
    %dma_start3A_359 = arith.constant 0 : i32
    %dma_start3A_360 = tpu.memref_slice %arg4[%dma_start3A_352, %dma_start3A_357, %add3A, %dma_start3A_358, %dma_start3A_359] : memref<50x8x32x8x128xf32, #tpu.memory_space<hbm>> -> memref<1x8x1x8x128xf32, #tpu.memory_space<hbm>>
    %dma_start3A_361 = tpu.memref_squeeze %dma_start3A_360 : memref<1x8x1x8x128xf32, #tpu.memory_space<hbm>> -> memref<8x8x128xf32, #tpu.memory_space<hbm>>
    %dma_start3A_362 = arith.constant 0 : i32
    %dma_start3A_363 = arith.constant 0 : i32
    %dma_start3A_364 = arith.constant 0 : i32
    %dma_start3A_365 = tpu.memref_slice %arg4[%dma_start3A_352, %dma_start3A_362, %add3A, %dma_start3A_363, %dma_start3A_364] : memref<50x8x32x8x128xf32, #tpu.memory_space<hbm>> -> memref<1x8x1x8x128xf32, #tpu.memory_space<hbm>>
    %dma_start3A_366 = tpu.memref_squeeze %dma_start3A_365 : memref<1x8x1x8x128xf32, #tpu.memory_space<hbm>> -> memref<8x8x128xf32, #tpu.memory_space<hbm>>
    %dma_start3A_367 = arith.constant 0 : i32
    %dma_start3A_368 = arith.constant 0 : i32
    %dma_start3A_369 = arith.constant 0 : i32
    %dma_start3A_370 = tpu.memref_slice %arg12[%dma_start3A_367, %dma_start3A_368, %dma_start3A_369] : memref<8x8x129xf32, #tpu.memory_space<vmem>> -> memref<8x8x128xf32, #tpu.memory_space<vmem>>
    tpu.enqueue_dma source(%dma_start3A_370 : memref<8x8x128xf32, #tpu.memory_space<vmem>>) target(%dma_start3A_366 : memref<8x8x128xf32, #tpu.memory_space<hbm>>) target_semaphore(%arg18 : memref<!tpu.dma_semaphore, #tpu.memory_space<semaphore_mem>>)
    %scan3A = arith.constant 0 : i32
    %scan3A_371 = arith.constant 1 : i32
    %scan3A_372 = arith.constant 11 : i32
    %scan3A_373 = arith.addi %scan3A_371, %scan3A_372 : i32
    %scan3A_374 = arith.constant 1 : i32
    scf.for %scan3A_541 = %scan3A_371 to %scan3A_373 step %scan3A_374  : i32 {
      %mul3A_542 = arith.constant 2 : i32
      %mul3A_543 = arith.muli %mul3A_542, %scan3A_541 : i32
      %dma_wait3A_544 = arith.constant 0 : i32
      %dma_wait3A_545 = arith.constant 0 : i32
      %dma_wait3A_546 = tpu.memref_slice %arg6[%dma_wait3A_544, %dma_wait3A_545] : memref<25x256xi32, #tpu.memory_space<vmem>> -> memref<1x256xi32, #tpu.memory_space<vmem>>
      %dma_wait3A_547 = tpu.memref_squeeze %dma_wait3A_546 : memref<1x256xi32, #tpu.memory_space<vmem>> -> memref<256xi32, #tpu.memory_space<vmem>>
      %dma_wait3A_548 = arith.constant 0 : i32
      %dma_wait3A_549 = arith.constant 0 : i32
      %dma_wait3A_550 = tpu.memref_slice %arg2[%dma_wait3A_548, %dma_wait3A_549] : memref<100001x64xf32, #tpu.memory_space<hbm>> -> memref<100001x64xf32, #tpu.memory_space<hbm>>
      tpu.wait_indirect_dma semaphore(%arg13 : memref<!tpu.dma_semaphore, #tpu.memory_space<semaphore_mem>>) src(%dma_wait3A_550 : memref<100001x64xf32, #tpu.memory_space<hbm>>) dst(%arg7 : memref<256x64xf32, #tpu.memory_space<vmem>>)
      %dma_wait3A_551 = arith.constant 0 : i32
      %dma_wait3A_552 = arith.constant 0 : i32
      %dma_wait3A_553 = arith.constant 0 : i32
      %dma_wait3A_554 = arith.constant 0 : i32
      %dma_wait3A_555 = tpu.memref_slice %arg9[%dma_wait3A_552, %dma_wait3A_553, %dma_wait3A_554] : memref<8x8x129xf32, #tpu.memory_space<vmem>> -> memref<8x8x128xf32, #tpu.memory_space<vmem>>
      %dma_wait3A_556 = arith.constant 0 : i32
      %dma_wait3A_557 = arith.constant 0 : i32
      %dma_wait3A_558 = arith.constant 0 : i32
      %dma_wait3A_559 = tpu.memref_slice %arg4[%dma_wait3A_551, %dma_wait3A_556, %add3A, %dma_wait3A_557, %dma_wait3A_558] : memref<50x8x32x8x128xf32, #tpu.memory_space<hbm>> -> memref<1x8x1x8x128xf32, #tpu.memory_space<hbm>>
      %dma_wait3A_560 = tpu.memref_squeeze %dma_wait3A_559 : memref<1x8x1x8x128xf32, #tpu.memory_space<hbm>> -> memref<8x8x128xf32, #tpu.memory_space<hbm>>
      %dma_wait3A_561 = arith.constant 0 : i32
      %dma_wait3A_562 = arith.constant 0 : i32
      %dma_wait3A_563 = arith.constant 0 : i32
      %dma_wait3A_564 = tpu.memref_slice %arg4[%dma_wait3A_551, %dma_wait3A_561, %add3A, %dma_wait3A_562, %dma_wait3A_563] : memref<50x8x32x8x128xf32, #tpu.memory_space<hbm>> -> memref<1x8x1x8x128xf32, #tpu.memory_space<hbm>>
      %dma_wait3A_565 = tpu.memref_squeeze %dma_wait3A_564 : memref<1x8x1x8x128xf32, #tpu.memory_space<hbm>> -> memref<8x8x128xf32, #tpu.memory_space<hbm>>
      %dma_wait3A_566 = arith.constant 0 : i32
      %dma_wait3A_567 = arith.constant 0 : i32
      %dma_wait3A_568 = arith.constant 0 : i32
      %dma_wait3A_569 = tpu.memref_slice %arg9[%dma_wait3A_566, %dma_wait3A_567, %dma_wait3A_568] : memref<8x8x129xf32, #tpu.memory_space<vmem>> -> memref<8x8x128xf32, #tpu.memory_space<vmem>>
      tpu.wait_dma2 semaphore(%arg15 : memref<!tpu.dma_semaphore, #tpu.memory_space<semaphore_mem>>) src(%dma_wait3A_569 : memref<8x8x128xf32, #tpu.memory_space<vmem>>) dst(%dma_wait3A_565 : memref<8x8x128xf32, #tpu.memory_space<hbm>>)
      %parallel_loop3A_570 = arith.constant 0 : i32
      %parallel_loop3A_571 = arith.constant 128 : i32
      %parallel_loop3A_572 = arith.constant 1 : i32
      scf.for %parallel_loop3A_750 = %parallel_loop3A_570 to %parallel_loop3A_571 step %parallel_loop3A_572  : i32 {
        %parallel_loop3A_751 = arith.constant 0 : i32
        %parallel_loop3A_752 = vector.broadcast %parallel_loop3A_751 : i32 to vector<16xi32>
        %parallel_loop3A_753 = vector.broadcast %parallel_loop3A_750 : i32 to vector<16xi32>
        %parallel_loop3A_754 = arith.addi %parallel_loop3A_752, %parallel_loop3A_753 : vector<16xi32>
        %parallel_loop3A_755 = arith.constant 0 : i32
        %parallel_loop3A_756 = arith.addi %parallel_loop3A_755, %parallel_loop3A_750 : i32
        %parallel_loop3A_757 = arith.index_cast %parallel_loop3A_756 : i32 to index
        %parallel_loop3A_758 = arith.constant 0 : index
        %parallel_loop3A_759 = tpu.vector_load %arg7[%parallel_loop3A_757, %parallel_loop3A_758] {strides = array<i32>} : memref<256x64xf32, #tpu.memory_space<vmem>>, vector<16xf32>,
        %parallel_loop3A_760 = arith.index_cast %parallel_loop3A_756 : i32 to index
        %parallel_loop3A_761 = arith.constant 16 : index
        %parallel_loop3A_762 = tpu.vector_load %arg7[%parallel_loop3A_760, %parallel_loop3A_761] {strides = array<i32>} : memref<256x64xf32, #tpu.memory_space<vmem>>, vector<16xf32>,
        %parallel_loop3A_763 = arith.index_cast %parallel_loop3A_756 : i32 to index
        %parallel_loop3A_764 = arith.constant 32 : index
        %parallel_loop3A_765 = tpu.vector_load %arg7[%parallel_loop3A_763, %parallel_loop3A_764] {strides = array<i32>} : memref<256x64xf32, #tpu.memory_space<vmem>>, vector<16xf32>,
        %parallel_loop3A_766 = arith.index_cast %parallel_loop3A_756 : i32 to index
        %parallel_loop3A_767 = arith.constant 48 : index
        %parallel_loop3A_768 = tpu.vector_load %arg7[%parallel_loop3A_766, %parallel_loop3A_767] {strides = array<i32>} : memref<256x64xf32, #tpu.memory_space<vmem>>, vector<16xf32>,
        tpu.vector_store_idx %arg9[%select_n3A, %select_n3A_176, %parallel_loop3A_754], %parallel_loop3A_759 : memref<8x8x129xf32, #tpu.memory_space<vmem>>[vector<16xi32>, vector<16xi32>, vector<16xi32>], vector<16xf32>,
        tpu.vector_store_idx %arg9[%select_n3A_94, %select_n3A_198, %parallel_loop3A_754], %parallel_loop3A_762 : memref<8x8x129xf32, #tpu.memory_space<vmem>>[vector<16xi32>, vector<16xi32>, vector<16xi32>], vector<16xf32>,
        tpu.vector_store_idx %arg9[%select_n3A_125, %select_n3A_220, %parallel_loop3A_754], %parallel_loop3A_765 : memref<8x8x129xf32, #tpu.memory_space<vmem>>[vector<16xi32>, vector<16xi32>, vector<16xi32>], vector<16xf32>,
        tpu.vector_store_idx %arg9[%select_n3A_156, %select_n3A_242, %parallel_loop3A_754], %parallel_loop3A_768 : memref<8x8x129xf32, #tpu.memory_space<vmem>>[vector<16xi32>, vector<16xi32>, vector<16xi32>], vector<16xf32>,
      } {sc.loop_unroll_factor = 4 : i64, sc.parallel_access}
      %add3A_573 = arith.constant 2 : i32
      %add3A_574 = arith.addi %mul3A_543, %add3A_573 : i32
      %lt3A_575 = arith.constant 25 : i32
      %lt3A_576 = arith.cmpi slt, %add3A_574, %lt3A_575 : i32
      %convert_element_type3A = arith.extui %lt3A_576 : i1 to i32
      %cond3A = arith.constant 0 : i32
      %cond3A_577 = arith.cmpi ne, %convert_element_type3A, %cond3A : i32
      scf.if %cond3A_577 {
        %add3A_750 = arith.constant 2 : i32
        %add3A_751 = arith.addi %mul3A_543, %add3A_750 : i32
        %dma_start3A_752 = arith.constant 0 : i32
        %dma_start3A_753 = tpu.memref_slice %arg6[%add3A_751, %dma_start3A_752] : memref<25x256xi32, #tpu.memory_space<vmem>> -> memref<1x256xi32, #tpu.memory_space<vmem>>
        %dma_start3A_754 = tpu.memref_squeeze %dma_start3A_753 : memref<1x256xi32, #tpu.memory_space<vmem>> -> memref<256xi32, #tpu.memory_space<vmem>>
        %dma_start3A_755 = arith.constant 0 : i32
        %dma_start3A_756 = arith.constant 0 : i32
        %dma_start3A_757 = tpu.memref_slice %arg2[%dma_start3A_755, %dma_start3A_756] : memref<100001x64xf32, #tpu.memory_space<hbm>> -> memref<100001x64xf32, #tpu.memory_space<hbm>>
        tpu.enqueue_indirect_dma source(%dma_start3A_757 : memref<100001x64xf32, #tpu.memory_space<hbm>>) target(%arg7 : memref<256x64xf32, #tpu.memory_space<vmem>>) offsets(%dma_start3A_754 : memref<256xi32, #tpu.memory_space<vmem>>) semaphore(%arg13 : memref<!tpu.dma_semaphore, #tpu.memory_space<semaphore_mem>>)
      } else {
      }
      %mul3A_578 = arith.constant 2 : i32
      %mul3A_579 = arith.muli %mul3A_578, %mul3A_543 : i32
      %add3A_580 = arith.constant 0 : i32
      %add3A_581 = arith.addi %mul3A_579, %add3A_580 : i32
      %dma_start3A_582 = arith.constant 0 : i32
      %dma_start3A_583 = arith.constant 0 : i32
      %dma_start3A_584 = arith.constant 0 : i32
      %dma_start3A_585 = tpu.memref_slice %arg9[%dma_start3A_582, %dma_start3A_583, %dma_start3A_584] : memref<8x8x129xf32, #tpu.memory_space<vmem>> -> memref<8x8x128xf32, #tpu.memory_space<vmem>>
      %dma_start3A_586 = arith.constant 0 : i32
      %dma_start3A_587 = arith.constant 0 : i32
      %dma_start3A_588 = arith.constant 0 : i32
      %dma_start3A_589 = tpu.memref_slice %arg4[%add3A_581, %dma_start3A_586, %add3A, %dma_start3A_587, %dma_start3A_588] : memref<50x8x32x8x128xf32, #tpu.memory_space<hbm>> -> memref<1x8x1x8x128xf32, #tpu.memory_space<hbm>>
      %dma_start3A_590 = tpu.memref_squeeze %dma_start3A_589 : memref<1x8x1x8x128xf32, #tpu.memory_space<hbm>> -> memref<8x8x128xf32, #tpu.memory_space<hbm>>
      %dma_start3A_591 = arith.constant 0 : i32
      %dma_start3A_592 = arith.constant 0 : i32
      %dma_start3A_593 = arith.constant 0 : i32
      %dma_start3A_594 = tpu.memref_slice %arg4[%add3A_581, %dma_start3A_591, %add3A, %dma_start3A_592, %dma_start3A_593] : memref<50x8x32x8x128xf32, #tpu.memory_space<hbm>> -> memref<1x8x1x8x128xf32, #tpu.memory_space<hbm>>
      %dma_start3A_595 = tpu.memref_squeeze %dma_start3A_594 : memref<1x8x1x8x128xf32, #tpu.memory_space<hbm>> -> memref<8x8x128xf32, #tpu.memory_space<hbm>>
      %dma_start3A_596 = arith.constant 0 : i32
      %dma_start3A_597 = arith.constant 0 : i32
      %dma_start3A_598 = arith.constant 0 : i32
      %dma_start3A_599 = tpu.memref_slice %arg9[%dma_start3A_596, %dma_start3A_597, %dma_start3A_598] : memref<8x8x129xf32, #tpu.memory_space<vmem>> -> memref<8x8x128xf32, #tpu.memory_space<vmem>>
      tpu.enqueue_dma source(%dma_start3A_599 : memref<8x8x128xf32, #tpu.memory_space<vmem>>) target(%dma_start3A_595 : memref<8x8x128xf32, #tpu.memory_space<hbm>>) target_semaphore(%arg15 : memref<!tpu.dma_semaphore, #tpu.memory_space<semaphore_mem>>)
      %dma_wait3A_600 = arith.constant 0 : i32
      %dma_wait3A_601 = arith.constant 0 : i32
      %dma_wait3A_602 = arith.constant 0 : i32
      %dma_wait3A_603 = arith.constant 0 : i32
      %dma_wait3A_604 = tpu.memref_slice %arg10[%dma_wait3A_601, %dma_wait3A_602, %dma_wait3A_603] : memref<8x8x129xf32, #tpu.memory_space<vmem>> -> memref<8x8x128xf32, #tpu.memory_space<vmem>>
      %dma_wait3A_605 = arith.constant 0 : i32
      %dma_wait3A_606 = arith.constant 0 : i32
      %dma_wait3A_607 = arith.constant 0 : i32
      %dma_wait3A_608 = tpu.memref_slice %arg4[%dma_wait3A_600, %dma_wait3A_605, %add3A, %dma_wait3A_606, %dma_wait3A_607] : memref<50x8x32x8x128xf32, #tpu.memory_space<hbm>> -> memref<1x8x1x8x128xf32, #tpu.memory_space<hbm>>
      %dma_wait3A_609 = tpu.memref_squeeze %dma_wait3A_608 : memref<1x8x1x8x128xf32, #tpu.memory_space<hbm>> -> memref<8x8x128xf32, #tpu.memory_space<hbm>>
      %dma_wait3A_610 = arith.constant 0 : i32
      %dma_wait3A_611 = arith.constant 0 : i32
      %dma_wait3A_612 = arith.constant 0 : i32
      %dma_wait3A_613 = tpu.memref_slice %arg4[%dma_wait3A_600, %dma_wait3A_610, %add3A, %dma_wait3A_611, %dma_wait3A_612] : memref<50x8x32x8x128xf32, #tpu.memory_space<hbm>> -> memref<1x8x1x8x128xf32, #tpu.memory_space<hbm>>
      %dma_wait3A_614 = tpu.memref_squeeze %dma_wait3A_613 : memref<1x8x1x8x128xf32, #tpu.memory_space<hbm>> -> memref<8x8x128xf32, #tpu.memory_space<hbm>>
      %dma_wait3A_615 = arith.constant 0 : i32
      %dma_wait3A_616 = arith.constant 0 : i32
      %dma_wait3A_617 = arith.constant 0 : i32
      %dma_wait3A_618 = tpu.memref_slice %arg10[%dma_wait3A_615, %dma_wait3A_616, %dma_wait3A_617] : memref<8x8x129xf32, #tpu.memory_space<vmem>> -> memref<8x8x128xf32, #tpu.memory_space<vmem>>
      tpu.wait_dma2 semaphore(%arg16 : memref<!tpu.dma_semaphore, #tpu.memory_space<semaphore_mem>>) src(%dma_wait3A_618 : memref<8x8x128xf32, #tpu.memory_space<vmem>>) dst(%dma_wait3A_614 : memref<8x8x128xf32, #tpu.memory_space<hbm>>)
      %parallel_loop3A_619 = arith.constant 0 : i32
      %parallel_loop3A_620 = arith.constant 128 : i32
      %parallel_loop3A_621 = arith.constant 1 : i32
      scf.for %parallel_loop3A_750 = %parallel_loop3A_619 to %parallel_loop3A_620 step %parallel_loop3A_621  : i32 {
        %parallel_loop3A_751 = arith.constant 0 : i32
        %parallel_loop3A_752 = vector.broadcast %parallel_loop3A_751 : i32 to vector<16xi32>
        %parallel_loop3A_753 = vector.broadcast %parallel_loop3A_750 : i32 to vector<16xi32>
        %parallel_loop3A_754 = arith.addi %parallel_loop3A_752, %parallel_loop3A_753 : vector<16xi32>
        %parallel_loop3A_755 = arith.constant 128 : i32
        %parallel_loop3A_756 = arith.addi %parallel_loop3A_755, %parallel_loop3A_750 : i32
        %parallel_loop3A_757 = arith.index_cast %parallel_loop3A_756 : i32 to index
        %parallel_loop3A_758 = arith.constant 0 : index
        %parallel_loop3A_759 = tpu.vector_load %arg7[%parallel_loop3A_757, %parallel_loop3A_758] {strides = array<i32>} : memref<256x64xf32, #tpu.memory_space<vmem>>, vector<16xf32>,
        %parallel_loop3A_760 = arith.index_cast %parallel_loop3A_756 : i32 to index
        %parallel_loop3A_761 = arith.constant 16 : index
        %parallel_loop3A_762 = tpu.vector_load %arg7[%parallel_loop3A_760, %parallel_loop3A_761] {strides = array<i32>} : memref<256x64xf32, #tpu.memory_space<vmem>>, vector<16xf32>,
        %parallel_loop3A_763 = arith.index_cast %parallel_loop3A_756 : i32 to index
        %parallel_loop3A_764 = arith.constant 32 : index
        %parallel_loop3A_765 = tpu.vector_load %arg7[%parallel_loop3A_763, %parallel_loop3A_764] {strides = array<i32>} : memref<256x64xf32, #tpu.memory_space<vmem>>, vector<16xf32>,
        %parallel_loop3A_766 = arith.index_cast %parallel_loop3A_756 : i32 to index
        %parallel_loop3A_767 = arith.constant 48 : index
        %parallel_loop3A_768 = tpu.vector_load %arg7[%parallel_loop3A_766, %parallel_loop3A_767] {strides = array<i32>} : memref<256x64xf32, #tpu.memory_space<vmem>>, vector<16xf32>,
        tpu.vector_store_idx %arg10[%select_n3A, %select_n3A_176, %parallel_loop3A_754], %parallel_loop3A_759 : memref<8x8x129xf32, #tpu.memory_space<vmem>>[vector<16xi32>, vector<16xi32>, vector<16xi32>], vector<16xf32>,
        tpu.vector_store_idx %arg10[%select_n3A_94, %select_n3A_198, %parallel_loop3A_754], %parallel_loop3A_762 : memref<8x8x129xf32, #tpu.memory_space<vmem>>[vector<16xi32>, vector<16xi32>, vector<16xi32>], vector<16xf32>,
        tpu.vector_store_idx %arg10[%select_n3A_125, %select_n3A_220, %parallel_loop3A_754], %parallel_loop3A_765 : memref<8x8x129xf32, #tpu.memory_space<vmem>>[vector<16xi32>, vector<16xi32>, vector<16xi32>], vector<16xf32>,
        tpu.vector_store_idx %arg10[%select_n3A_156, %select_n3A_242, %parallel_loop3A_754], %parallel_loop3A_768 : memref<8x8x129xf32, #tpu.memory_space<vmem>>[vector<16xi32>, vector<16xi32>, vector<16xi32>], vector<16xf32>,
      } {sc.loop_unroll_factor = 4 : i64, sc.parallel_access}
      %mul3A_622 = arith.constant 2 : i32
      %mul3A_623 = arith.muli %mul3A_622, %mul3A_543 : i32
      %add3A_624 = arith.constant 1 : i32
      %add3A_625 = arith.addi %mul3A_623, %add3A_624 : i32
      %dma_start3A_626 = arith.constant 0 : i32
      %dma_start3A_627 = arith.constant 0 : i32
      %dma_start3A_628 = arith.constant 0 : i32
      %dma_start3A_629 = tpu.memref_slice %arg10[%dma_start3A_626, %dma_start3A_627, %dma_start3A_628] : memref<8x8x129xf32, #tpu.memory_space<vmem>> -> memref<8x8x128xf32, #tpu.memory_space<vmem>>
      %dma_start3A_630 = arith.constant 0 : i32
      %dma_start3A_631 = arith.constant 0 : i32
      %dma_start3A_632 = arith.constant 0 : i32
      %dma_start3A_633 = tpu.memref_slice %arg4[%add3A_625, %dma_start3A_630, %add3A, %dma_start3A_631, %dma_start3A_632] : memref<50x8x32x8x128xf32, #tpu.memory_space<hbm>> -> memref<1x8x1x8x128xf32, #tpu.memory_space<hbm>>
      %dma_start3A_634 = tpu.memref_squeeze %dma_start3A_633 : memref<1x8x1x8x128xf32, #tpu.memory_space<hbm>> -> memref<8x8x128xf32, #tpu.memory_space<hbm>>
      %dma_start3A_635 = arith.constant 0 : i32
      %dma_start3A_636 = arith.constant 0 : i32
      %dma_start3A_637 = arith.constant 0 : i32
      %dma_start3A_638 = tpu.memref_slice %arg4[%add3A_625, %dma_start3A_635, %add3A, %dma_start3A_636, %dma_start3A_637] : memref<50x8x32x8x128xf32, #tpu.memory_space<hbm>> -> memref<1x8x1x8x128xf32, #tpu.memory_space<hbm>>
      %dma_start3A_639 = tpu.memref_squeeze %dma_start3A_638 : memref<1x8x1x8x128xf32, #tpu.memory_space<hbm>> -> memref<8x8x128xf32, #tpu.memory_space<hbm>>
      %dma_start3A_640 = arith.constant 0 : i32
      %dma_start3A_641 = arith.constant 0 : i32
      %dma_start3A_642 = arith.constant 0 : i32
      %dma_start3A_643 = tpu.memref_slice %arg10[%dma_start3A_640, %dma_start3A_641, %dma_start3A_642] : memref<8x8x129xf32, #tpu.memory_space<vmem>> -> memref<8x8x128xf32, #tpu.memory_space<vmem>>
      tpu.enqueue_dma source(%dma_start3A_643 : memref<8x8x128xf32, #tpu.memory_space<vmem>>) target(%dma_start3A_639 : memref<8x8x128xf32, #tpu.memory_space<hbm>>) target_semaphore(%arg16 : memref<!tpu.dma_semaphore, #tpu.memory_space<semaphore_mem>>)
      %mul3A_644 = arith.constant 2 : i32
      %mul3A_645 = arith.muli %mul3A_644, %scan3A_541 : i32
      %add3A_646 = arith.constant 1 : i32
      %add3A_647 = arith.addi %mul3A_645, %add3A_646 : i32
      %dma_wait3A_648 = arith.constant 0 : i32
      %dma_wait3A_649 = arith.constant 0 : i32
      %dma_wait3A_650 = tpu.memref_slice %arg6[%dma_wait3A_648, %dma_wait3A_649] : memref<25x256xi32, #tpu.memory_space<vmem>> -> memref<1x256xi32, #tpu.memory_space<vmem>>
      %dma_wait3A_651 = tpu.memref_squeeze %dma_wait3A_650 : memref<1x256xi32, #tpu.memory_space<vmem>> -> memref<256xi32, #tpu.memory_space<vmem>>
      %dma_wait3A_652 = arith.constant 0 : i32
      %dma_wait3A_653 = arith.constant 0 : i32
      %dma_wait3A_654 = tpu.memref_slice %arg2[%dma_wait3A_652, %dma_wait3A_653] : memref<100001x64xf32, #tpu.memory_space<hbm>> -> memref<100001x64xf32, #tpu.memory_space<hbm>>
      tpu.wait_indirect_dma semaphore(%arg14 : memref<!tpu.dma_semaphore, #tpu.memory_space<semaphore_mem>>) src(%dma_wait3A_654 : memref<100001x64xf32, #tpu.memory_space<hbm>>) dst(%arg8 : memref<256x64xf32, #tpu.memory_space<vmem>>)
      %dma_wait3A_655 = arith.constant 0 : i32
      %dma_wait3A_656 = arith.constant 0 : i32
      %dma_wait3A_657 = arith.constant 0 : i32
      %dma_wait3A_658 = arith.constant 0 : i32
      %dma_wait3A_659 = tpu.memref_slice %arg11[%dma_wait3A_656, %dma_wait3A_657, %dma_wait3A_658] : memref<8x8x129xf32, #tpu.memory_space<vmem>> -> memref<8x8x128xf32, #tpu.memory_space<vmem>>
      %dma_wait3A_660 = arith.constant 0 : i32
      %dma_wait3A_661 = arith.constant 0 : i32
      %dma_wait3A_662 = arith.constant 0 : i32
      %dma_wait3A_663 = tpu.memref_slice %arg4[%dma_wait3A_655, %dma_wait3A_660, %add3A, %dma_wait3A_661, %dma_wait3A_662] : memref<50x8x32x8x128xf32, #tpu.memory_space<hbm>> -> memref<1x8x1x8x128xf32, #tpu.memory_space<hbm>>
      %dma_wait3A_664 = tpu.memref_squeeze %dma_wait3A_663 : memref<1x8x1x8x128xf32, #tpu.memory_space<hbm>> -> memref<8x8x128xf32, #tpu.memory_space<hbm>>
      %dma_wait3A_665 = arith.constant 0 : i32
      %dma_wait3A_666 = arith.constant 0 : i32
      %dma_wait3A_667 = arith.constant 0 : i32
      %dma_wait3A_668 = tpu.memref_slice %arg4[%dma_wait3A_655, %dma_wait3A_665, %add3A, %dma_wait3A_666, %dma_wait3A_667] : memref<50x8x32x8x128xf32, #tpu.memory_space<hbm>> -> memref<1x8x1x8x128xf32, #tpu.memory_space<hbm>>
      %dma_wait3A_669 = tpu.memref_squeeze %dma_wait3A_668 : memref<1x8x1x8x128xf32, #tpu.memory_space<hbm>> -> memref<8x8x128xf32, #tpu.memory_space<hbm>>
      %dma_wait3A_670 = arith.constant 0 : i32
      %dma_wait3A_671 = arith.constant 0 : i32
      %dma_wait3A_672 = arith.constant 0 : i32
      %dma_wait3A_673 = tpu.memref_slice %arg11[%dma_wait3A_670, %dma_wait3A_671, %dma_wait3A_672] : memref<8x8x129xf32, #tpu.memory_space<vmem>> -> memref<8x8x128xf32, #tpu.memory_space<vmem>>
      tpu.wait_dma2 semaphore(%arg17 : memref<!tpu.dma_semaphore, #tpu.memory_space<semaphore_mem>>) src(%dma_wait3A_673 : memref<8x8x128xf32, #tpu.memory_space<vmem>>) dst(%dma_wait3A_669 : memref<8x8x128xf32, #tpu.memory_space<hbm>>)
      %parallel_loop3A_674 = arith.constant 0 : i32
      %parallel_loop3A_675 = arith.constant 128 : i32
      %parallel_loop3A_676 = arith.constant 1 : i32
      scf.for %parallel_loop3A_750 = %parallel_loop3A_674 to %parallel_loop3A_675 step %parallel_loop3A_676  : i32 {
        %parallel_loop3A_751 = arith.constant 0 : i32
        %parallel_loop3A_752 = vector.broadcast %parallel_loop3A_751 : i32 to vector<16xi32>
        %parallel_loop3A_753 = vector.broadcast %parallel_loop3A_750 : i32 to vector<16xi32>
        %parallel_loop3A_754 = arith.addi %parallel_loop3A_752, %parallel_loop3A_753 : vector<16xi32>
        %parallel_loop3A_755 = arith.constant 0 : i32
        %parallel_loop3A_756 = arith.addi %parallel_loop3A_755, %parallel_loop3A_750 : i32
        %parallel_loop3A_757 = arith.index_cast %parallel_loop3A_756 : i32 to index
        %parallel_loop3A_758 = arith.constant 0 : index
        %parallel_loop3A_759 = tpu.vector_load %arg8[%parallel_loop3A_757, %parallel_loop3A_758] {strides = array<i32>} : memref<256x64xf32, #tpu.memory_space<vmem>>, vector<16xf32>,
        %parallel_loop3A_760 = arith.index_cast %parallel_loop3A_756 : i32 to index
        %parallel_loop3A_761 = arith.constant 16 : index
        %parallel_loop3A_762 = tpu.vector_load %arg8[%parallel_loop3A_760, %parallel_loop3A_761] {strides = array<i32>} : memref<256x64xf32, #tpu.memory_space<vmem>>, vector<16xf32>,
        %parallel_loop3A_763 = arith.index_cast %parallel_loop3A_756 : i32 to index
        %parallel_loop3A_764 = arith.constant 32 : index
        %parallel_loop3A_765 = tpu.vector_load %arg8[%parallel_loop3A_763, %parallel_loop3A_764] {strides = array<i32>} : memref<256x64xf32, #tpu.memory_space<vmem>>, vector<16xf32>,
        %parallel_loop3A_766 = arith.index_cast %parallel_loop3A_756 : i32 to index
        %parallel_loop3A_767 = arith.constant 48 : index
        %parallel_loop3A_768 = tpu.vector_load %arg8[%parallel_loop3A_766, %parallel_loop3A_767] {strides = array<i32>} : memref<256x64xf32, #tpu.memory_space<vmem>>, vector<16xf32>,
        tpu.vector_store_idx %arg11[%select_n3A, %select_n3A_176, %parallel_loop3A_754], %parallel_loop3A_759 : memref<8x8x129xf32, #tpu.memory_space<vmem>>[vector<16xi32>, vector<16xi32>, vector<16xi32>], vector<16xf32>,
        tpu.vector_store_idx %arg11[%select_n3A_94, %select_n3A_198, %parallel_loop3A_754], %parallel_loop3A_762 : memref<8x8x129xf32, #tpu.memory_space<vmem>>[vector<16xi32>, vector<16xi32>, vector<16xi32>], vector<16xf32>,
        tpu.vector_store_idx %arg11[%select_n3A_125, %select_n3A_220, %parallel_loop3A_754], %parallel_loop3A_765 : memref<8x8x129xf32, #tpu.memory_space<vmem>>[vector<16xi32>, vector<16xi32>, vector<16xi32>], vector<16xf32>,
        tpu.vector_store_idx %arg11[%select_n3A_156, %select_n3A_242, %parallel_loop3A_754], %parallel_loop3A_768 : memref<8x8x129xf32, #tpu.memory_space<vmem>>[vector<16xi32>, vector<16xi32>, vector<16xi32>], vector<16xf32>,
      } {sc.loop_unroll_factor = 4 : i64, sc.parallel_access}
      %add3A_677 = arith.constant 2 : i32
      %add3A_678 = arith.addi %add3A_647, %add3A_677 : i32
      %lt3A_679 = arith.constant 25 : i32
      %lt3A_680 = arith.cmpi slt, %add3A_678, %lt3A_679 : i32
      %convert_element_type3A_681 = arith.extui %lt3A_680 : i1 to i32
      %cond3A_682 = arith.constant 0 : i32
      %cond3A_683 = arith.cmpi ne, %convert_element_type3A_681, %cond3A_682 : i32
      scf.if %cond3A_683 {
        %add3A_750 = arith.constant 2 : i32
        %add3A_751 = arith.addi %add3A_647, %add3A_750 : i32
        %dma_start3A_752 = arith.constant 0 : i32
        %dma_start3A_753 = tpu.memref_slice %arg6[%add3A_751, %dma_start3A_752] : memref<25x256xi32, #tpu.memory_space<vmem>> -> memref<1x256xi32, #tpu.memory_space<vmem>>
        %dma_start3A_754 = tpu.memref_squeeze %dma_start3A_753 : memref<1x256xi32, #tpu.memory_space<vmem>> -> memref<256xi32, #tpu.memory_space<vmem>>
        %dma_start3A_755 = arith.constant 0 : i32
        %dma_start3A_756 = arith.constant 0 : i32
        %dma_start3A_757 = tpu.memref_slice %arg2[%dma_start3A_755, %dma_start3A_756] : memref<100001x64xf32, #tpu.memory_space<hbm>> -> memref<100001x64xf32, #tpu.memory_space<hbm>>
        tpu.enqueue_indirect_dma source(%dma_start3A_757 : memref<100001x64xf32, #tpu.memory_space<hbm>>) target(%arg8 : memref<256x64xf32, #tpu.memory_space<vmem>>) offsets(%dma_start3A_754 : memref<256xi32, #tpu.memory_space<vmem>>) semaphore(%arg14 : memref<!tpu.dma_semaphore, #tpu.memory_space<semaphore_mem>>)
      } else {
      }
      %mul3A_684 = arith.constant 2 : i32
      %mul3A_685 = arith.muli %mul3A_684, %add3A_647 : i32
      %add3A_686 = arith.constant 0 : i32
      %add3A_687 = arith.addi %mul3A_685, %add3A_686 : i32
      %dma_start3A_688 = arith.constant 0 : i32
      %dma_start3A_689 = arith.constant 0 : i32
      %dma_start3A_690 = arith.constant 0 : i32
      %dma_start3A_691 = tpu.memref_slice %arg11[%dma_start3A_688, %dma_start3A_689, %dma_start3A_690] : memref<8x8x129xf32, #tpu.memory_space<vmem>> -> memref<8x8x128xf32, #tpu.memory_space<vmem>>
      %dma_start3A_692 = arith.constant 0 : i32
      %dma_start3A_693 = arith.constant 0 : i32
      %dma_start3A_694 = arith.constant 0 : i32
      %dma_start3A_695 = tpu.memref_slice %arg4[%add3A_687, %dma_start3A_692, %add3A, %dma_start3A_693, %dma_start3A_694] : memref<50x8x32x8x128xf32, #tpu.memory_space<hbm>> -> memref<1x8x1x8x128xf32, #tpu.memory_space<hbm>>
      %dma_start3A_696 = tpu.memref_squeeze %dma_start3A_695 : memref<1x8x1x8x128xf32, #tpu.memory_space<hbm>> -> memref<8x8x128xf32, #tpu.memory_space<hbm>>
      %dma_start3A_697 = arith.constant 0 : i32
      %dma_start3A_698 = arith.constant 0 : i32
      %dma_start3A_699 = arith.constant 0 : i32
      %dma_start3A_700 = tpu.memref_slice %arg4[%add3A_687, %dma_start3A_697, %add3A, %dma_start3A_698, %dma_start3A_699] : memref<50x8x32x8x128xf32, #tpu.memory_space<hbm>> -> memref<1x8x1x8x128xf32, #tpu.memory_space<hbm>>
      %dma_start3A_701 = tpu.memref_squeeze %dma_start3A_700 : memref<1x8x1x8x128xf32, #tpu.memory_space<hbm>> -> memref<8x8x128xf32, #tpu.memory_space<hbm>>
      %dma_start3A_702 = arith.constant 0 : i32
      %dma_start3A_703 = arith.constant 0 : i32
      %dma_start3A_704 = arith.constant 0 : i32
      %dma_start3A_705 = tpu.memref_slice %arg11[%dma_start3A_702, %dma_start3A_703, %dma_start3A_704] : memref<8x8x129xf32, #tpu.memory_space<vmem>> -> memref<8x8x128xf32, #tpu.memory_space<vmem>>
      tpu.enqueue_dma source(%dma_start3A_705 : memref<8x8x128xf32, #tpu.memory_space<vmem>>) target(%dma_start3A_701 : memref<8x8x128xf32, #tpu.memory_space<hbm>>) target_semaphore(%arg17 : memref<!tpu.dma_semaphore, #tpu.memory_space<semaphore_mem>>)
      %dma_wait3A_706 = arith.constant 0 : i32
      %dma_wait3A_707 = arith.constant 0 : i32
      %dma_wait3A_708 = arith.constant 0 : i32
      %dma_wait3A_709 = arith.constant 0 : i32
      %dma_wait3A_710 = tpu.memref_slice %arg12[%dma_wait3A_707, %dma_wait3A_708, %dma_wait3A_709] : memref<8x8x129xf32, #tpu.memory_space<vmem>> -> memref<8x8x128xf32, #tpu.memory_space<vmem>>
      %dma_wait3A_711 = arith.constant 0 : i32
      %dma_wait3A_712 = arith.constant 0 : i32
      %dma_wait3A_713 = arith.constant 0 : i32
      %dma_wait3A_714 = tpu.memref_slice %arg4[%dma_wait3A_706, %dma_wait3A_711, %add3A, %dma_wait3A_712, %dma_wait3A_713] : memref<50x8x32x8x128xf32, #tpu.memory_space<hbm>> -> memref<1x8x1x8x128xf32, #tpu.memory_space<hbm>>
      %dma_wait3A_715 = tpu.memref_squeeze %dma_wait3A_714 : memref<1x8x1x8x128xf32, #tpu.memory_space<hbm>> -> memref<8x8x128xf32, #tpu.memory_space<hbm>>
      %dma_wait3A_716 = arith.constant 0 : i32
      %dma_wait3A_717 = arith.constant 0 : i32
      %dma_wait3A_718 = arith.constant 0 : i32
      %dma_wait3A_719 = tpu.memref_slice %arg4[%dma_wait3A_706, %dma_wait3A_716, %add3A, %dma_wait3A_717, %dma_wait3A_718] : memref<50x8x32x8x128xf32, #tpu.memory_space<hbm>> -> memref<1x8x1x8x128xf32, #tpu.memory_space<hbm>>
      %dma_wait3A_720 = tpu.memref_squeeze %dma_wait3A_719 : memref<1x8x1x8x128xf32, #tpu.memory_space<hbm>> -> memref<8x8x128xf32, #tpu.memory_space<hbm>>
      %dma_wait3A_721 = arith.constant 0 : i32
      %dma_wait3A_722 = arith.constant 0 : i32
      %dma_wait3A_723 = arith.constant 0 : i32
      %dma_wait3A_724 = tpu.memref_slice %arg12[%dma_wait3A_721, %dma_wait3A_722, %dma_wait3A_723] : memref<8x8x129xf32, #tpu.memory_space<vmem>> -> memref<8x8x128xf32, #tpu.memory_space<vmem>>
      tpu.wait_dma2 semaphore(%arg18 : memref<!tpu.dma_semaphore, #tpu.memory_space<semaphore_mem>>) src(%dma_wait3A_724 : memref<8x8x128xf32, #tpu.memory_space<vmem>>) dst(%dma_wait3A_720 : memref<8x8x128xf32, #tpu.memory_space<hbm>>)
      %parallel_loop3A_725 = arith.constant 0 : i32
      %parallel_loop3A_726 = arith.constant 128 : i32
      %parallel_loop3A_727 = arith.constant 1 : i32
      scf.for %parallel_loop3A_750 = %parallel_loop3A_725 to %parallel_loop3A_726 step %parallel_loop3A_727  : i32 {
        %parallel_loop3A_751 = arith.constant 0 : i32
        %parallel_loop3A_752 = vector.broadcast %parallel_loop3A_751 : i32 to vector<16xi32>
        %parallel_loop3A_753 = vector.broadcast %parallel_loop3A_750 : i32 to vector<16xi32>
        %parallel_loop3A_754 = arith.addi %parallel_loop3A_752, %parallel_loop3A_753 : vector<16xi32>
        %parallel_loop3A_755 = arith.constant 128 : i32
        %parallel_loop3A_756 = arith.addi %parallel_loop3A_755, %parallel_loop3A_750 : i32
        %parallel_loop3A_757 = arith.index_cast %parallel_loop3A_756 : i32 to index
        %parallel_loop3A_758 = arith.constant 0 : index
        %parallel_loop3A_759 = tpu.vector_load %arg8[%parallel_loop3A_757, %parallel_loop3A_758] {strides = array<i32>} : memref<256x64xf32, #tpu.memory_space<vmem>>, vector<16xf32>,
        %parallel_loop3A_760 = arith.index_cast %parallel_loop3A_756 : i32 to index
        %parallel_loop3A_761 = arith.constant 16 : index
        %parallel_loop3A_762 = tpu.vector_load %arg8[%parallel_loop3A_760, %parallel_loop3A_761] {strides = array<i32>} : memref<256x64xf32, #tpu.memory_space<vmem>>, vector<16xf32>,
        %parallel_loop3A_763 = arith.index_cast %parallel_loop3A_756 : i32 to index
        %parallel_loop3A_764 = arith.constant 32 : index
        %parallel_loop3A_765 = tpu.vector_load %arg8[%parallel_loop3A_763, %parallel_loop3A_764] {strides = array<i32>} : memref<256x64xf32, #tpu.memory_space<vmem>>, vector<16xf32>,
        %parallel_loop3A_766 = arith.index_cast %parallel_loop3A_756 : i32 to index
        %parallel_loop3A_767 = arith.constant 48 : index
        %parallel_loop3A_768 = tpu.vector_load %arg8[%parallel_loop3A_766, %parallel_loop3A_767] {strides = array<i32>} : memref<256x64xf32, #tpu.memory_space<vmem>>, vector<16xf32>,
        tpu.vector_store_idx %arg12[%select_n3A, %select_n3A_176, %parallel_loop3A_754], %parallel_loop3A_759 : memref<8x8x129xf32, #tpu.memory_space<vmem>>[vector<16xi32>, vector<16xi32>, vector<16xi32>], vector<16xf32>,
        tpu.vector_store_idx %arg12[%select_n3A_94, %select_n3A_198, %parallel_loop3A_754], %parallel_loop3A_762 : memref<8x8x129xf32, #tpu.memory_space<vmem>>[vector<16xi32>, vector<16xi32>, vector<16xi32>], vector<16xf32>,
        tpu.vector_store_idx %arg12[%select_n3A_125, %select_n3A_220, %parallel_loop3A_754], %parallel_loop3A_765 : memref<8x8x129xf32, #tpu.memory_space<vmem>>[vector<16xi32>, vector<16xi32>, vector<16xi32>], vector<16xf32>,
        tpu.vector_store_idx %arg12[%select_n3A_156, %select_n3A_242, %parallel_loop3A_754], %parallel_loop3A_768 : memref<8x8x129xf32, #tpu.memory_space<vmem>>[vector<16xi32>, vector<16xi32>, vector<16xi32>], vector<16xf32>,
      } {sc.loop_unroll_factor = 4 : i64, sc.parallel_access}
      %mul3A_728 = arith.constant 2 : i32
      %mul3A_729 = arith.muli %mul3A_728, %add3A_647 : i32
      %add3A_730 = arith.constant 1 : i32
      %add3A_731 = arith.addi %mul3A_729, %add3A_730 : i32
      %dma_start3A_732 = arith.constant 0 : i32
      %dma_start3A_733 = arith.constant 0 : i32
      %dma_start3A_734 = arith.constant 0 : i32
      %dma_start3A_735 = tpu.memref_slice %arg12[%dma_start3A_732, %dma_start3A_733, %dma_start3A_734] : memref<8x8x129xf32, #tpu.memory_space<vmem>> -> memref<8x8x128xf32, #tpu.memory_space<vmem>>
      %dma_start3A_736 = arith.constant 0 : i32
      %dma_start3A_737 = arith.constant 0 : i32
      %dma_start3A_738 = arith.constant 0 : i32
      %dma_start3A_739 = tpu.memref_slice %arg4[%add3A_731, %dma_start3A_736, %add3A, %dma_start3A_737, %dma_start3A_738] : memref<50x8x32x8x128xf32, #tpu.memory_space<hbm>> -> memref<1x8x1x8x128xf32, #tpu.memory_space<hbm>>
      %dma_start3A_740 = tpu.memref_squeeze %dma_start3A_739 : memref<1x8x1x8x128xf32, #tpu.memory_space<hbm>> -> memref<8x8x128xf32, #tpu.memory_space<hbm>>
      %dma_start3A_741 = arith.constant 0 : i32
      %dma_start3A_742 = arith.constant 0 : i32
      %dma_start3A_743 = arith.constant 0 : i32
      %dma_start3A_744 = tpu.memref_slice %arg4[%add3A_731, %dma_start3A_741, %add3A, %dma_start3A_742, %dma_start3A_743] : memref<50x8x32x8x128xf32, #tpu.memory_space<hbm>> -> memref<1x8x1x8x128xf32, #tpu.memory_space<hbm>>
      %dma_start3A_745 = tpu.memref_squeeze %dma_start3A_744 : memref<1x8x1x8x128xf32, #tpu.memory_space<hbm>> -> memref<8x8x128xf32, #tpu.memory_space<hbm>>
      %dma_start3A_746 = arith.constant 0 : i32
      %dma_start3A_747 = arith.constant 0 : i32
      %dma_start3A_748 = arith.constant 0 : i32
      %dma_start3A_749 = tpu.memref_slice %arg12[%dma_start3A_746, %dma_start3A_747, %dma_start3A_748] : memref<8x8x129xf32, #tpu.memory_space<vmem>> -> memref<8x8x128xf32, #tpu.memory_space<vmem>>
      tpu.enqueue_dma source(%dma_start3A_749 : memref<8x8x128xf32, #tpu.memory_space<vmem>>) target(%dma_start3A_745 : memref<8x8x128xf32, #tpu.memory_space<hbm>>) target_semaphore(%arg18 : memref<!tpu.dma_semaphore, #tpu.memory_space<semaphore_mem>>)
    }
    %scan3A_375 = arith.constant 11 : i32
    %dma_wait3A_376 = arith.constant 0 : i32
    %dma_wait3A_377 = arith.constant 0 : i32
    %dma_wait3A_378 = tpu.memref_slice %arg6[%dma_wait3A_376, %dma_wait3A_377] : memref<25x256xi32, #tpu.memory_space<vmem>> -> memref<1x256xi32, #tpu.memory_space<vmem>>
    %dma_wait3A_379 = tpu.memref_squeeze %dma_wait3A_378 : memref<1x256xi32, #tpu.memory_space<vmem>> -> memref<256xi32, #tpu.memory_space<vmem>>
    %dma_wait3A_380 = arith.constant 0 : i32
    %dma_wait3A_381 = arith.constant 0 : i32
    %dma_wait3A_382 = tpu.memref_slice %arg2[%dma_wait3A_380, %dma_wait3A_381] : memref<100001x64xf32, #tpu.memory_space<hbm>> -> memref<100001x64xf32, #tpu.memory_space<hbm>>
    tpu.wait_indirect_dma semaphore(%arg13 : memref<!tpu.dma_semaphore, #tpu.memory_space<semaphore_mem>>) src(%dma_wait3A_382 : memref<100001x64xf32, #tpu.memory_space<hbm>>) dst(%arg7 : memref<256x64xf32, #tpu.memory_space<vmem>>)
    %dma_wait3A_383 = arith.constant 0 : i32
    %dma_wait3A_384 = arith.constant 0 : i32
    %dma_wait3A_385 = arith.constant 0 : i32
    %dma_wait3A_386 = arith.constant 0 : i32
    %dma_wait3A_387 = tpu.memref_slice %arg9[%dma_wait3A_384, %dma_wait3A_385, %dma_wait3A_386] : memref<8x8x129xf32, #tpu.memory_space<vmem>> -> memref<8x8x128xf32, #tpu.memory_space<vmem>>
    %dma_wait3A_388 = arith.constant 0 : i32
    %dma_wait3A_389 = arith.constant 0 : i32
    %dma_wait3A_390 = arith.constant 0 : i32
    %dma_wait3A_391 = tpu.memref_slice %arg4[%dma_wait3A_383, %dma_wait3A_388, %add3A, %dma_wait3A_389, %dma_wait3A_390] : memref<50x8x32x8x128xf32, #tpu.memory_space<hbm>> -> memref<1x8x1x8x128xf32, #tpu.memory_space<hbm>>
    %dma_wait3A_392 = tpu.memref_squeeze %dma_wait3A_391 : memref<1x8x1x8x128xf32, #tpu.memory_space<hbm>> -> memref<8x8x128xf32, #tpu.memory_space<hbm>>
    %dma_wait3A_393 = arith.constant 0 : i32
    %dma_wait3A_394 = arith.constant 0 : i32
    %dma_wait3A_395 = arith.constant 0 : i32
    %dma_wait3A_396 = tpu.memref_slice %arg4[%dma_wait3A_383, %dma_wait3A_393, %add3A, %dma_wait3A_394, %dma_wait3A_395] : memref<50x8x32x8x128xf32, #tpu.memory_space<hbm>> -> memref<1x8x1x8x128xf32, #tpu.memory_space<hbm>>
    %dma_wait3A_397 = tpu.memref_squeeze %dma_wait3A_396 : memref<1x8x1x8x128xf32, #tpu.memory_space<hbm>> -> memref<8x8x128xf32, #tpu.memory_space<hbm>>
    %dma_wait3A_398 = arith.constant 0 : i32
    %dma_wait3A_399 = arith.constant 0 : i32
    %dma_wait3A_400 = arith.constant 0 : i32
    %dma_wait3A_401 = tpu.memref_slice %arg9[%dma_wait3A_398, %dma_wait3A_399, %dma_wait3A_400] : memref<8x8x129xf32, #tpu.memory_space<vmem>> -> memref<8x8x128xf32, #tpu.memory_space<vmem>>
    tpu.wait_dma2 semaphore(%arg15 : memref<!tpu.dma_semaphore, #tpu.memory_space<semaphore_mem>>) src(%dma_wait3A_401 : memref<8x8x128xf32, #tpu.memory_space<vmem>>) dst(%dma_wait3A_397 : memref<8x8x128xf32, #tpu.memory_space<hbm>>)
    %parallel_loop3A_402 = arith.constant 0 : i32
    %parallel_loop3A_403 = arith.constant 128 : i32
    %parallel_loop3A_404 = arith.constant 1 : i32
    scf.for %parallel_loop3A_541 = %parallel_loop3A_402 to %parallel_loop3A_403 step %parallel_loop3A_404  : i32 {
      %parallel_loop3A_542 = arith.constant 0 : i32
      %parallel_loop3A_543 = vector.broadcast %parallel_loop3A_542 : i32 to vector<16xi32>
      %parallel_loop3A_544 = vector.broadcast %parallel_loop3A_541 : i32 to vector<16xi32>
      %parallel_loop3A_545 = arith.addi %parallel_loop3A_543, %parallel_loop3A_544 : vector<16xi32>
      %parallel_loop3A_546 = arith.constant 0 : i32
      %parallel_loop3A_547 = arith.addi %parallel_loop3A_546, %parallel_loop3A_541 : i32
      %parallel_loop3A_548 = arith.index_cast %parallel_loop3A_547 : i32 to index
      %parallel_loop3A_549 = arith.constant 0 : index
      %parallel_loop3A_550 = tpu.vector_load %arg7[%parallel_loop3A_548, %parallel_loop3A_549] {strides = array<i32>} : memref<256x64xf32, #tpu.memory_space<vmem>>, vector<16xf32>,
      %parallel_loop3A_551 = arith.index_cast %parallel_loop3A_547 : i32 to index
      %parallel_loop3A_552 = arith.constant 16 : index
      %parallel_loop3A_553 = tpu.vector_load %arg7[%parallel_loop3A_551, %parallel_loop3A_552] {strides = array<i32>} : memref<256x64xf32, #tpu.memory_space<vmem>>, vector<16xf32>,
      %parallel_loop3A_554 = arith.index_cast %parallel_loop3A_547 : i32 to index
      %parallel_loop3A_555 = arith.constant 32 : index
      %parallel_loop3A_556 = tpu.vector_load %arg7[%parallel_loop3A_554, %parallel_loop3A_555] {strides = array<i32>} : memref<256x64xf32, #tpu.memory_space<vmem>>, vector<16xf32>,
      %parallel_loop3A_557 = arith.index_cast %parallel_loop3A_547 : i32 to index
      %parallel_loop3A_558 = arith.constant 48 : index
      %parallel_loop3A_559 = tpu.vector_load %arg7[%parallel_loop3A_557, %parallel_loop3A_558] {strides = array<i32>} : memref<256x64xf32, #tpu.memory_space<vmem>>, vector<16xf32>,
      tpu.vector_store_idx %arg9[%select_n3A, %select_n3A_176, %parallel_loop3A_545], %parallel_loop3A_550 : memref<8x8x129xf32, #tpu.memory_space<vmem>>[vector<16xi32>, vector<16xi32>, vector<16xi32>], vector<16xf32>,
      tpu.vector_store_idx %arg9[%select_n3A_94, %select_n3A_198, %parallel_loop3A_545], %parallel_loop3A_553 : memref<8x8x129xf32, #tpu.memory_space<vmem>>[vector<16xi32>, vector<16xi32>, vector<16xi32>], vector<16xf32>,
      tpu.vector_store_idx %arg9[%select_n3A_125, %select_n3A_220, %parallel_loop3A_545], %parallel_loop3A_556 : memref<8x8x129xf32, #tpu.memory_space<vmem>>[vector<16xi32>, vector<16xi32>, vector<16xi32>], vector<16xf32>,
      tpu.vector_store_idx %arg9[%select_n3A_156, %select_n3A_242, %parallel_loop3A_545], %parallel_loop3A_559 : memref<8x8x129xf32, #tpu.memory_space<vmem>>[vector<16xi32>, vector<16xi32>, vector<16xi32>], vector<16xf32>,
    } {sc.loop_unroll_factor = 4 : i64, sc.parallel_access}
    %dma_start3A_405 = arith.constant 48 : i32
    %dma_start3A_406 = arith.constant 0 : i32
    %dma_start3A_407 = arith.constant 0 : i32
    %dma_start3A_408 = arith.constant 0 : i32
    %dma_start3A_409 = tpu.memref_slice %arg9[%dma_start3A_406, %dma_start3A_407, %dma_start3A_408] : memref<8x8x129xf32, #tpu.memory_space<vmem>> -> memref<8x8x128xf32, #tpu.memory_space<vmem>>
    %dma_start3A_410 = arith.constant 0 : i32
    %dma_start3A_411 = arith.constant 0 : i32
    %dma_start3A_412 = arith.constant 0 : i32
    %dma_start3A_413 = tpu.memref_slice %arg4[%dma_start3A_405, %dma_start3A_410, %add3A, %dma_start3A_411, %dma_start3A_412] : memref<50x8x32x8x128xf32, #tpu.memory_space<hbm>> -> memref<1x8x1x8x128xf32, #tpu.memory_space<hbm>>
    %dma_start3A_414 = tpu.memref_squeeze %dma_start3A_413 : memref<1x8x1x8x128xf32, #tpu.memory_space<hbm>> -> memref<8x8x128xf32, #tpu.memory_space<hbm>>
    %dma_start3A_415 = arith.constant 0 : i32
    %dma_start3A_416 = arith.constant 0 : i32
    %dma_start3A_417 = arith.constant 0 : i32
    %dma_start3A_418 = tpu.memref_slice %arg4[%dma_start3A_405, %dma_start3A_415, %add3A, %dma_start3A_416, %dma_start3A_417] : memref<50x8x32x8x128xf32, #tpu.memory_space<hbm>> -> memref<1x8x1x8x128xf32, #tpu.memory_space<hbm>>
    %dma_start3A_419 = tpu.memref_squeeze %dma_start3A_418 : memref<1x8x1x8x128xf32, #tpu.memory_space<hbm>> -> memref<8x8x128xf32, #tpu.memory_space<hbm>>
    %dma_start3A_420 = arith.constant 0 : i32
    %dma_start3A_421 = arith.constant 0 : i32
    %dma_start3A_422 = arith.constant 0 : i32
    %dma_start3A_423 = tpu.memref_slice %arg9[%dma_start3A_420, %dma_start3A_421, %dma_start3A_422] : memref<8x8x129xf32, #tpu.memory_space<vmem>> -> memref<8x8x128xf32, #tpu.memory_space<vmem>>
    tpu.enqueue_dma source(%dma_start3A_423 : memref<8x8x128xf32, #tpu.memory_space<vmem>>) target(%dma_start3A_419 : memref<8x8x128xf32, #tpu.memory_space<hbm>>) target_semaphore(%arg15 : memref<!tpu.dma_semaphore, #tpu.memory_space<semaphore_mem>>)
    %dma_wait3A_424 = arith.constant 0 : i32
    %dma_wait3A_425 = arith.constant 0 : i32
    %dma_wait3A_426 = arith.constant 0 : i32
    %dma_wait3A_427 = arith.constant 0 : i32
    %dma_wait3A_428 = tpu.memref_slice %arg10[%dma_wait3A_425, %dma_wait3A_426, %dma_wait3A_427] : memref<8x8x129xf32, #tpu.memory_space<vmem>> -> memref<8x8x128xf32, #tpu.memory_space<vmem>>
    %dma_wait3A_429 = arith.constant 0 : i32
    %dma_wait3A_430 = arith.constant 0 : i32
    %dma_wait3A_431 = arith.constant 0 : i32
    %dma_wait3A_432 = tpu.memref_slice %arg4[%dma_wait3A_424, %dma_wait3A_429, %add3A, %dma_wait3A_430, %dma_wait3A_431] : memref<50x8x32x8x128xf32, #tpu.memory_space<hbm>> -> memref<1x8x1x8x128xf32, #tpu.memory_space<hbm>>
    %dma_wait3A_433 = tpu.memref_squeeze %dma_wait3A_432 : memref<1x8x1x8x128xf32, #tpu.memory_space<hbm>> -> memref<8x8x128xf32, #tpu.memory_space<hbm>>
    %dma_wait3A_434 = arith.constant 0 : i32
    %dma_wait3A_435 = arith.constant 0 : i32
    %dma_wait3A_436 = arith.constant 0 : i32
    %dma_wait3A_437 = tpu.memref_slice %arg4[%dma_wait3A_424, %dma_wait3A_434, %add3A, %dma_wait3A_435, %dma_wait3A_436] : memref<50x8x32x8x128xf32, #tpu.memory_space<hbm>> -> memref<1x8x1x8x128xf32, #tpu.memory_space<hbm>>
    %dma_wait3A_438 = tpu.memref_squeeze %dma_wait3A_437 : memref<1x8x1x8x128xf32, #tpu.memory_space<hbm>> -> memref<8x8x128xf32, #tpu.memory_space<hbm>>
    %dma_wait3A_439 = arith.constant 0 : i32
    %dma_wait3A_440 = arith.constant 0 : i32
    %dma_wait3A_441 = arith.constant 0 : i32
    %dma_wait3A_442 = tpu.memref_slice %arg10[%dma_wait3A_439, %dma_wait3A_440, %dma_wait3A_441] : memref<8x8x129xf32, #tpu.memory_space<vmem>> -> memref<8x8x128xf32, #tpu.memory_space<vmem>>
    tpu.wait_dma2 semaphore(%arg16 : memref<!tpu.dma_semaphore, #tpu.memory_space<semaphore_mem>>) src(%dma_wait3A_442 : memref<8x8x128xf32, #tpu.memory_space<vmem>>) dst(%dma_wait3A_438 : memref<8x8x128xf32, #tpu.memory_space<hbm>>)
    %parallel_loop3A_443 = arith.constant 0 : i32
    %parallel_loop3A_444 = arith.constant 128 : i32
    %parallel_loop3A_445 = arith.constant 1 : i32
    scf.for %parallel_loop3A_541 = %parallel_loop3A_443 to %parallel_loop3A_444 step %parallel_loop3A_445  : i32 {
      %parallel_loop3A_542 = arith.constant 0 : i32
      %parallel_loop3A_543 = vector.broadcast %parallel_loop3A_542 : i32 to vector<16xi32>
      %parallel_loop3A_544 = vector.broadcast %parallel_loop3A_541 : i32 to vector<16xi32>
      %parallel_loop3A_545 = arith.addi %parallel_loop3A_543, %parallel_loop3A_544 : vector<16xi32>
      %parallel_loop3A_546 = arith.constant 128 : i32
      %parallel_loop3A_547 = arith.addi %parallel_loop3A_546, %parallel_loop3A_541 : i32
      %parallel_loop3A_548 = arith.index_cast %parallel_loop3A_547 : i32 to index
      %parallel_loop3A_549 = arith.constant 0 : index
      %parallel_loop3A_550 = tpu.vector_load %arg7[%parallel_loop3A_548, %parallel_loop3A_549] {strides = array<i32>} : memref<256x64xf32, #tpu.memory_space<vmem>>, vector<16xf32>,
      %parallel_loop3A_551 = arith.index_cast %parallel_loop3A_547 : i32 to index
      %parallel_loop3A_552 = arith.constant 16 : index
      %parallel_loop3A_553 = tpu.vector_load %arg7[%parallel_loop3A_551, %parallel_loop3A_552] {strides = array<i32>} : memref<256x64xf32, #tpu.memory_space<vmem>>, vector<16xf32>,
      %parallel_loop3A_554 = arith.index_cast %parallel_loop3A_547 : i32 to index
      %parallel_loop3A_555 = arith.constant 32 : index
      %parallel_loop3A_556 = tpu.vector_load %arg7[%parallel_loop3A_554, %parallel_loop3A_555] {strides = array<i32>} : memref<256x64xf32, #tpu.memory_space<vmem>>, vector<16xf32>,
      %parallel_loop3A_557 = arith.index_cast %parallel_loop3A_547 : i32 to index
      %parallel_loop3A_558 = arith.constant 48 : index
      %parallel_loop3A_559 = tpu.vector_load %arg7[%parallel_loop3A_557, %parallel_loop3A_558] {strides = array<i32>} : memref<256x64xf32, #tpu.memory_space<vmem>>, vector<16xf32>,
      tpu.vector_store_idx %arg10[%select_n3A, %select_n3A_176, %parallel_loop3A_545], %parallel_loop3A_550 : memref<8x8x129xf32, #tpu.memory_space<vmem>>[vector<16xi32>, vector<16xi32>, vector<16xi32>], vector<16xf32>,
      tpu.vector_store_idx %arg10[%select_n3A_94, %select_n3A_198, %parallel_loop3A_545], %parallel_loop3A_553 : memref<8x8x129xf32, #tpu.memory_space<vmem>>[vector<16xi32>, vector<16xi32>, vector<16xi32>], vector<16xf32>,
      tpu.vector_store_idx %arg10[%select_n3A_125, %select_n3A_220, %parallel_loop3A_545], %parallel_loop3A_556 : memref<8x8x129xf32, #tpu.memory_space<vmem>>[vector<16xi32>, vector<16xi32>, vector<16xi32>], vector<16xf32>,
      tpu.vector_store_idx %arg10[%select_n3A_156, %select_n3A_242, %parallel_loop3A_545], %parallel_loop3A_559 : memref<8x8x129xf32, #tpu.memory_space<vmem>>[vector<16xi32>, vector<16xi32>, vector<16xi32>], vector<16xf32>,
    } {sc.loop_unroll_factor = 4 : i64, sc.parallel_access}
    %dma_start3A_446 = arith.constant 49 : i32
    %dma_start3A_447 = arith.constant 0 : i32
    %dma_start3A_448 = arith.constant 0 : i32
    %dma_start3A_449 = arith.constant 0 : i32
    %dma_start3A_450 = tpu.memref_slice %arg10[%dma_start3A_447, %dma_start3A_448, %dma_start3A_449] : memref<8x8x129xf32, #tpu.memory_space<vmem>> -> memref<8x8x128xf32, #tpu.memory_space<vmem>>
    %dma_start3A_451 = arith.constant 0 : i32
    %dma_start3A_452 = arith.constant 0 : i32
    %dma_start3A_453 = arith.constant 0 : i32
    %dma_start3A_454 = tpu.memref_slice %arg4[%dma_start3A_446, %dma_start3A_451, %add3A, %dma_start3A_452, %dma_start3A_453] : memref<50x8x32x8x128xf32, #tpu.memory_space<hbm>> -> memref<1x8x1x8x128xf32, #tpu.memory_space<hbm>>
    %dma_start3A_455 = tpu.memref_squeeze %dma_start3A_454 : memref<1x8x1x8x128xf32, #tpu.memory_space<hbm>> -> memref<8x8x128xf32, #tpu.memory_space<hbm>>
    %dma_start3A_456 = arith.constant 0 : i32
    %dma_start3A_457 = arith.constant 0 : i32
    %dma_start3A_458 = arith.constant 0 : i32
    %dma_start3A_459 = tpu.memref_slice %arg4[%dma_start3A_446, %dma_start3A_456, %add3A, %dma_start3A_457, %dma_start3A_458] : memref<50x8x32x8x128xf32, #tpu.memory_space<hbm>> -> memref<1x8x1x8x128xf32, #tpu.memory_space<hbm>>
    %dma_start3A_460 = tpu.memref_squeeze %dma_start3A_459 : memref<1x8x1x8x128xf32, #tpu.memory_space<hbm>> -> memref<8x8x128xf32, #tpu.memory_space<hbm>>
    %dma_start3A_461 = arith.constant 0 : i32
    %dma_start3A_462 = arith.constant 0 : i32
    %dma_start3A_463 = arith.constant 0 : i32
    %dma_start3A_464 = tpu.memref_slice %arg10[%dma_start3A_461, %dma_start3A_462, %dma_start3A_463] : memref<8x8x129xf32, #tpu.memory_space<vmem>> -> memref<8x8x128xf32, #tpu.memory_space<vmem>>
    tpu.enqueue_dma source(%dma_start3A_464 : memref<8x8x128xf32, #tpu.memory_space<vmem>>) target(%dma_start3A_460 : memref<8x8x128xf32, #tpu.memory_space<hbm>>) target_semaphore(%arg16 : memref<!tpu.dma_semaphore, #tpu.memory_space<semaphore_mem>>)
    %dma_wait3A_465 = arith.constant 0 : i32
    %dma_wait3A_466 = arith.constant 0 : i32
    %dma_wait3A_467 = arith.constant 0 : i32
    %dma_wait3A_468 = arith.constant 0 : i32
    %dma_wait3A_469 = tpu.memref_slice %arg9[%dma_wait3A_466, %dma_wait3A_467, %dma_wait3A_468] : memref<8x8x129xf32, #tpu.memory_space<vmem>> -> memref<8x8x128xf32, #tpu.memory_space<vmem>>
    %dma_wait3A_470 = arith.constant 0 : i32
    %dma_wait3A_471 = arith.constant 0 : i32
    %dma_wait3A_472 = arith.constant 0 : i32
    %dma_wait3A_473 = tpu.memref_slice %arg4[%dma_wait3A_465, %dma_wait3A_470, %add3A, %dma_wait3A_471, %dma_wait3A_472] : memref<50x8x32x8x128xf32, #tpu.memory_space<hbm>> -> memref<1x8x1x8x128xf32, #tpu.memory_space<hbm>>
    %dma_wait3A_474 = tpu.memref_squeeze %dma_wait3A_473 : memref<1x8x1x8x128xf32, #tpu.memory_space<hbm>> -> memref<8x8x128xf32, #tpu.memory_space<hbm>>
    %dma_wait3A_475 = arith.constant 0 : i32
    %dma_wait3A_476 = arith.constant 0 : i32
    %dma_wait3A_477 = arith.constant 0 : i32
    %dma_wait3A_478 = tpu.memref_slice %arg4[%dma_wait3A_465, %dma_wait3A_475, %add3A, %dma_wait3A_476, %dma_wait3A_477] : memref<50x8x32x8x128xf32, #tpu.memory_space<hbm>> -> memref<1x8x1x8x128xf32, #tpu.memory_space<hbm>>
    %dma_wait3A_479 = tpu.memref_squeeze %dma_wait3A_478 : memref<1x8x1x8x128xf32, #tpu.memory_space<hbm>> -> memref<8x8x128xf32, #tpu.memory_space<hbm>>
    %dma_wait3A_480 = arith.constant 0 : i32
    %dma_wait3A_481 = arith.constant 0 : i32
    %dma_wait3A_482 = arith.constant 0 : i32
    %dma_wait3A_483 = tpu.memref_slice %arg9[%dma_wait3A_480, %dma_wait3A_481, %dma_wait3A_482] : memref<8x8x129xf32, #tpu.memory_space<vmem>> -> memref<8x8x128xf32, #tpu.memory_space<vmem>>
    tpu.wait_dma2 semaphore(%arg15 : memref<!tpu.dma_semaphore, #tpu.memory_space<semaphore_mem>>) src(%dma_wait3A_483 : memref<8x8x128xf32, #tpu.memory_space<vmem>>) dst(%dma_wait3A_479 : memref<8x8x128xf32, #tpu.memory_space<hbm>>)
    %dma_wait3A_484 = arith.constant 0 : i32
    %dma_wait3A_485 = arith.constant 0 : i32
    %dma_wait3A_486 = arith.constant 0 : i32
    %dma_wait3A_487 = arith.constant 0 : i32
    %dma_wait3A_488 = tpu.memref_slice %arg10[%dma_wait3A_485, %dma_wait3A_486, %dma_wait3A_487] : memref<8x8x129xf32, #tpu.memory_space<vmem>> -> memref<8x8x128xf32, #tpu.memory_space<vmem>>
    %dma_wait3A_489 = arith.constant 0 : i32
    %dma_wait3A_490 = arith.constant 0 : i32
    %dma_wait3A_491 = arith.constant 0 : i32
    %dma_wait3A_492 = tpu.memref_slice %arg4[%dma_wait3A_484, %dma_wait3A_489, %add3A, %dma_wait3A_490, %dma_wait3A_491] : memref<50x8x32x8x128xf32, #tpu.memory_space<hbm>> -> memref<1x8x1x8x128xf32, #tpu.memory_space<hbm>>
    %dma_wait3A_493 = tpu.memref_squeeze %dma_wait3A_492 : memref<1x8x1x8x128xf32, #tpu.memory_space<hbm>> -> memref<8x8x128xf32, #tpu.memory_space<hbm>>
    %dma_wait3A_494 = arith.constant 0 : i32
    %dma_wait3A_495 = arith.constant 0 : i32
    %dma_wait3A_496 = arith.constant 0 : i32
    %dma_wait3A_497 = tpu.memref_slice %arg4[%dma_wait3A_484, %dma_wait3A_494, %add3A, %dma_wait3A_495, %dma_wait3A_496] : memref<50x8x32x8x128xf32, #tpu.memory_space<hbm>> -> memref<1x8x1x8x128xf32, #tpu.memory_space<hbm>>
    %dma_wait3A_498 = tpu.memref_squeeze %dma_wait3A_497 : memref<1x8x1x8x128xf32, #tpu.memory_space<hbm>> -> memref<8x8x128xf32, #tpu.memory_space<hbm>>
    %dma_wait3A_499 = arith.constant 0 : i32
    %dma_wait3A_500 = arith.constant 0 : i32
    %dma_wait3A_501 = arith.constant 0 : i32
    %dma_wait3A_502 = tpu.memref_slice %arg10[%dma_wait3A_499, %dma_wait3A_500, %dma_wait3A_501] : memref<8x8x129xf32, #tpu.memory_space<vmem>> -> memref<8x8x128xf32, #tpu.memory_space<vmem>>
    tpu.wait_dma2 semaphore(%arg16 : memref<!tpu.dma_semaphore, #tpu.memory_space<semaphore_mem>>) src(%dma_wait3A_502 : memref<8x8x128xf32, #tpu.memory_space<vmem>>) dst(%dma_wait3A_498 : memref<8x8x128xf32, #tpu.memory_space<hbm>>)
    %dma_wait3A_503 = arith.constant 0 : i32
    %dma_wait3A_504 = arith.constant 0 : i32
    %dma_wait3A_505 = arith.constant 0 : i32
    %dma_wait3A_506 = arith.constant 0 : i32
    %dma_wait3A_507 = tpu.memref_slice %arg11[%dma_wait3A_504, %dma_wait3A_505, %dma_wait3A_506] : memref<8x8x129xf32, #tpu.memory_space<vmem>> -> memref<8x8x128xf32, #tpu.memory_space<vmem>>
    %dma_wait3A_508 = arith.constant 0 : i32
    %dma_wait3A_509 = arith.constant 0 : i32
    %dma_wait3A_510 = arith.constant 0 : i32
    %dma_wait3A_511 = tpu.memref_slice %arg4[%dma_wait3A_503, %dma_wait3A_508, %add3A, %dma_wait3A_509, %dma_wait3A_510] : memref<50x8x32x8x128xf32, #tpu.memory_space<hbm>> -> memref<1x8x1x8x128xf32, #tpu.memory_space<hbm>>
    %dma_wait3A_512 = tpu.memref_squeeze %dma_wait3A_511 : memref<1x8x1x8x128xf32, #tpu.memory_space<hbm>> -> memref<8x8x128xf32, #tpu.memory_space<hbm>>
    %dma_wait3A_513 = arith.constant 0 : i32
    %dma_wait3A_514 = arith.constant 0 : i32
    %dma_wait3A_515 = arith.constant 0 : i32
    %dma_wait3A_516 = tpu.memref_slice %arg4[%dma_wait3A_503, %dma_wait3A_513, %add3A, %dma_wait3A_514, %dma_wait3A_515] : memref<50x8x32x8x128xf32, #tpu.memory_space<hbm>> -> memref<1x8x1x8x128xf32, #tpu.memory_space<hbm>>
    %dma_wait3A_517 = tpu.memref_squeeze %dma_wait3A_516 : memref<1x8x1x8x128xf32, #tpu.memory_space<hbm>> -> memref<8x8x128xf32, #tpu.memory_space<hbm>>
    %dma_wait3A_518 = arith.constant 0 : i32
    %dma_wait3A_519 = arith.constant 0 : i32
    %dma_wait3A_520 = arith.constant 0 : i32
    %dma_wait3A_521 = tpu.memref_slice %arg11[%dma_wait3A_518, %dma_wait3A_519, %dma_wait3A_520] : memref<8x8x129xf32, #tpu.memory_space<vmem>> -> memref<8x8x128xf32, #tpu.memory_space<vmem>>
    tpu.wait_dma2 semaphore(%arg17 : memref<!tpu.dma_semaphore, #tpu.memory_space<semaphore_mem>>) src(%dma_wait3A_521 : memref<8x8x128xf32, #tpu.memory_space<vmem>>) dst(%dma_wait3A_517 : memref<8x8x128xf32, #tpu.memory_space<hbm>>)
    %dma_wait3A_522 = arith.constant 0 : i32
    %dma_wait3A_523 = arith.constant 0 : i32
    %dma_wait3A_524 = arith.constant 0 : i32
    %dma_wait3A_525 = arith.constant 0 : i32
    %dma_wait3A_526 = tpu.memref_slice %arg12[%dma_wait3A_523, %dma_wait3A_524, %dma_wait3A_525] : memref<8x8x129xf32, #tpu.memory_space<vmem>> -> memref<8x8x128xf32, #tpu.memory_space<vmem>>
    %dma_wait3A_527 = arith.constant 0 : i32
    %dma_wait3A_528 = arith.constant 0 : i32
    %dma_wait3A_529 = arith.constant 0 : i32
    %dma_wait3A_530 = tpu.memref_slice %arg4[%dma_wait3A_522, %dma_wait3A_527, %add3A, %dma_wait3A_528, %dma_wait3A_529] : memref<50x8x32x8x128xf32, #tpu.memory_space<hbm>> -> memref<1x8x1x8x128xf32, #tpu.memory_space<hbm>>
    %dma_wait3A_531 = tpu.memref_squeeze %dma_wait3A_530 : memref<1x8x1x8x128xf32, #tpu.memory_space<hbm>> -> memref<8x8x128xf32, #tpu.memory_space<hbm>>
    %dma_wait3A_532 = arith.constant 0 : i32
    %dma_wait3A_533 = arith.constant 0 : i32
    %dma_wait3A_534 = arith.constant 0 : i32
    %dma_wait3A_535 = tpu.memref_slice %arg4[%dma_wait3A_522, %dma_wait3A_532, %add3A, %dma_wait3A_533, %dma_wait3A_534] : memref<50x8x32x8x128xf32, #tpu.memory_space<hbm>> -> memref<1x8x1x8x128xf32, #tpu.memory_space<hbm>>
    %dma_wait3A_536 = tpu.memref_squeeze %dma_wait3A_535 : memref<1x8x1x8x128xf32, #tpu.memory_space<hbm>> -> memref<8x8x128xf32, #tpu.memory_space<hbm>>
    %dma_wait3A_537 = arith.constant 0 : i32
    %dma_wait3A_538 = arith.constant 0 : i32
    %dma_wait3A_539 = arith.constant 0 : i32
    %dma_wait3A_540 = tpu.memref_slice %arg12[%dma_wait3A_537, %dma_wait3A_538, %dma_wait3A_539] : memref<8x8x129xf32, #tpu.memory_space<vmem>> -> memref<8x8x128xf32, #tpu.memory_space<vmem>>
    tpu.wait_dma2 semaphore(%arg18 : memref<!tpu.dma_semaphore, #tpu.memory_space<semaphore_mem>>) src(%dma_wait3A_540 : memref<8x8x128xf32, #tpu.memory_space<vmem>>) dst(%dma_wait3A_536 : memref<8x8x128xf32, #tpu.memory_space<hbm>>)
    return
  }
}

</mosaic_0001>

<sc_bundles>
// kernel: _emb_lookup.3.cloned.1.call-start
scs
__scs_entry_jumppad:
0x0: {  	(pc) =	sbr.rel $0x88, $3  }
0x1: {  	(tag) =	ssettag $0x0;
	lr =	simm.s32 $0x1  }
0x2: {  	[smem:$0x3F9F] =	sst lr;
	_ =	strace $0xD0000000  }
0x3: {  	_ = 	snop  }
0x4: {  	_ = 	snop  }
0x5: {  	_ = 	snop  }
0x6: {  	_ = 	snop  }
0x7: {  	_ = 	snop  }
__scs_overlays_trampoline_lowered:
0x8: {  	[smem:$0x3FAE] =	sst s0  }
0x9: {  	[smem:$0x3FAF] =	sst s1  }
0xa: {  	[smem:$0x3FB0] =	sst s2  }
0xb: {  	[smem:$0x3FB1] =	sst s3  }
0xc: {  	[smem:$0x3FB2] =	sst s4  }
0xd: {  	[smem:$0x3FB3] =	sst s5  }
0xe: {  	[smem:$0x3FB4] =	sst s6  }
0xf: {  	[smem:$0x3FB5] =	sst s7  }
0x10: {  	[smem:$0x3FB6] =	sst s8  }
0x11: {  	[smem:$0x3FB7] =	sst s9;
	s0 =	simm.s32 @!p0 $0x0  }
0x12: {  	s1 =	sld [smem:$0x3F9D];
	s0 =	simm.s32 @p0 $0x1  }
0x13: {  	[smem:$0x3FB8] =	sst s0;
	s0 =	simm.s32 @!p1 $0x0  }
0x14: {  	s2 =	sld [smem:$0x3F9C];
	s0 =	simm.s32 @p1 $0x1  }
0x15: {  	[smem:$0x3FB9] =	sst s0;
	s0 =	simm.s32 @!p2 $0x0  }
0x16: {  	s3 =	sld [smem:$0x3FDB];
	s0 =	simm.s32 @p2 $0x1  }
0x17: {  	s4 =	simm.s32 $0x1BF5;
	[smem:$0x3FBB] =	sst s0  }
0x18: {  	s0 =	sld [smem:$0x3F9E];
	_ =	swait.ge [sflag:s4], $0x0  }
0x19: {  	s7 =	sld [smem:$0x3F9F]  }
0x1a: {  	s8 =	sadd.s32 $0xFFFFE003, lr  }
0x1b: {  	s9 =	sadd.s32 $0xFFFFFEF7, lr;
	s5 =	simm.s32 $0xFFFFFFFF;
	p2 =	slt.u32 s8, $0xFFFFF086  }
0x1c: {  	p1 =	slt.u32 s9, $0xF7A;
	s5 =	simm.s32 @!p2 $0x0  }
0x1d: {  	s5 =	simm.s32 @p1 $0x1;
	p0 =	seq.s32 s7, s2  }
0x1e: {  	s7 =	smul.u32 @!p0 $0xF7A, s2;
	p2 =	seq.s32 @!p0 s5, $0x0  }
0x1f: {  	s9 =	smul.u32 $0xF7A, s1;
	s8 =	simm.s32 @!p0 $0x1BF5;
	p2 =	por !p2, p0  }
0x20: {  	[sflag:s8] =	ssyncset.s32 @!p0 $0xFFFFF086;
	s6 =	sadd.s32 @!p0 s3, s7;
	s7 =	simm.s32 @!p0 $0x108  }
0x21: {  	s3 =	sadd.s32 s3, s9;
	s6 =	sadd.s32 @!p0 $0x88, s6;
	s7 =	simm.s32 @p2 $0x1082  }
0x22: {  	[simem:s7], [sflag:s8] =	dma.local @!p0 [hbm:s6], $0xF7A  }
0x23: {  	s9 =	sor.u32 $0xD0000000, s2;
	s6 =	simm.s32 $0x108;
	_ =	swait.ge @!p0 [sflag:s8], $0x0  }
0x24: {  	s3 =	sadd.s32 $0x88, s3;
	s6 =	simm.s32 @!p1 $0x1082;
	[sflag:s4] =	ssyncset.s32 $0xFFFFF086  }
0x25: {  	[simem:s6], [sflag:s4] =	dma.local [hbm:s3], $0xF7A  }
0x26: {  	[smem:$0x3F9F] =	sst s1;
	(tag) =	ssettag s2;
	_ =	strace s9  }
0x27: {  	s1 =	sld [smem:$0x3FAF]  }
0x28: {  	s2 =	sld [smem:$0x3FB0]  }
0x29: {  	s4 =	sld [smem:$0x3FB2]  }
0x2a: {  	p0 =	seq.s32 s5, $0x0;
	s5 =	sld [smem:$0x3FB3]  }
0x2b: {  	s6 =	sld [smem:$0x3FB4]  }
0x2c: {  	s7 =	sld [smem:$0x3FB5]  }
0x2d: {  	s3 =	simm.s32 $0x108;
	s8 =	sld [smem:$0x3FB6]  }
0x2e: {  	s3 =	simm.s32 @!p0 $0x1082;
	s9 =	sld [smem:$0x3FB7]  }
0x2f: {  	lr =	sadd.s32 s0, s3;
	s0 =	sld [smem:$0x3FAE]  }
0x30: {  	s3 =	sld [smem:$0x3FB1]  }
0x31: {  	[smem:$0x3FBA] =	sst s10  }
0x32: {  	s10 =	sld [smem:$0x3FB8];
	_ =	sdelay $0x3  }
0x33: {  	p0 =	seq.s32 s10, $0x1;
	s10 =	sld [smem:$0x3FBA];
	_ =	sdelay $0x3  }
0x34: {  	[smem:$0x3FBA] =	sst s10  }
0x35: {  	s10 =	sld [smem:$0x3FB9];
	_ =	sdelay $0x3  }
0x36: {  	p1 =	seq.s32 s10, $0x1;
	s10 =	sld [smem:$0x3FBA];
	_ =	sdelay $0x3  }
0x37: {  	[smem:$0x3FBA] =	sst s10  }
0x38: {  	s10 =	sld [smem:$0x3FBB]  }
0x39: {  	_ = 	snop;
	(pc) =	sbr.ind lr, $3  }
0x3a: {  	_ = 	snop  }
0x3b: {  	_ = 	snop  }
0x3c: {  	p2 =	seq.s32 s10, $0x1;
	s10 =	sld [smem:$0x3FBA]  }
0x3d: {  	_ =	shalt  }
0x3e: {  	_ =	shalt  }
0x3f: {  	_ =	shalt  }
0x40: {  	_ =	shalt  }
0x41: {  	_ =	shalt  }
0x42: {  	_ =	shalt  }
0x43: {  	_ =	shalt  }
0x44: {  	_ =	shalt  }
0x45: {  	_ =	shalt  }
0x46: {  	_ =	shalt  }
0x47: {  	_ =	shalt  }
0x48: {  	_ =	shalt  }
0x49: {  	_ =	shalt  }
0x4a: {  	_ =	shalt  }
0x4b: {  	_ =	shalt  }
0x4c: {  	_ =	shalt  }
0x4d: {  	_ =	shalt  }
0x4e: {  	_ =	shalt  }
0x4f: {  	_ =	shalt  }
0x50: {  	_ =	shalt  }
0x51: {  	_ =	shalt  }
0x52: {  	_ =	shalt  }
0x53: {  	_ =	shalt  }
0x54: {  	_ =	shalt  }
0x55: {  	_ =	shalt  }
0x56: {  	_ =	shalt  }
0x57: {  	_ =	shalt  }
0x58: {  	_ =	shalt  }
0x59: {  	_ =	shalt  }
0x5a: {  	_ =	shalt  }
0x5b: {  	_ =	shalt  }
0x5c: {  	_ =	shalt  }
0x5d: {  	_ =	shalt  }
0x5e: {  	_ =	shalt  }
0x5f: {  	_ =	shalt  }
0x60: {  	_ =	shalt  }
0x61: {  	_ =	shalt  }
0x62: {  	_ =	shalt  }
0x63: {  	_ =	shalt  }
0x64: {  	_ =	shalt  }
0x65: {  	_ =	shalt  }
0x66: {  	_ =	shalt  }
0x67: {  	_ =	shalt  }
0x68: {  	_ =	shalt  }
0x69: {  	_ =	shalt  }
0x6a: {  	_ =	shalt  }
0x6b: {  	_ =	shalt  }
0x6c: {  	_ =	shalt  }
0x6d: {  	_ =	shalt  }
0x6e: {  	_ =	shalt  }
0x6f: {  	_ =	shalt  }
0x70: {  	_ =	shalt  }
0x71: {  	_ =	shalt  }
0x72: {  	_ =	shalt  }
0x73: {  	_ =	shalt  }
0x74: {  	_ =	shalt  }
0x75: {  	_ =	shalt  }
0x76: {  	_ =	shalt  }
0x77: {  	_ =	shalt  }
0x78: {  	_ =	shalt  }
0x79: {  	_ =	shalt  }
0x7a: {  	_ =	shalt  }
0x7b: {  	_ =	shalt  }
0x7c: {  	_ =	shalt  }
0x7d: {  	_ =	shalt  }
0x7e: {  	_ =	shalt  }
0x7f: {  	_ =	shalt  }
0x80: {  	_ =	shalt  }
0x81: {  	_ =	shalt  }
0x82: {  	_ =	shalt  }
0x83: {  	_ =	shalt  }
0x84: {  	_ =	shalt  }
0x85: {  	_ =	shalt  }
0x86: {  	_ =	shalt  }
0x87: {  	_ =	shalt  }
.Lfunc_end0:
.L_simem_size_0:
called_computation_lowered:
.L_overlay_start_0:
0x88: {  	s2 =	sld [smem:$0x3FD9]  }
0x89: {  	s3 =	sld [smem:$0x3FFE];
	_ =	sdelay $0x1  }
0x8a: {  	s1 =	srdreg.scid  }
0x8b: {  	s0 =	sand.u32 $0x1, s1  }
0x8c: {  	s17 =	sshll.u32 s0, $0xA;
	s2 =	sadd.s32 s3, s2  }
0x8d: {  	s2 =	sadd.s32 s2, s17  }
0x8e: {  	[smem:$0x3FC6] =	sst s2  }
0x8f: {  	_ = 	snop  }
0x90: {  	s2 =	sld [smem:$0x3FD0];
	(tm) =	ssettm $0x1  }
0x91: {  	s18 =	sld [smem:$0x3FFB];
	_ =	sdelay $0x3  }
0x92: {  	_ =	strace s18  }
0x93: {  	s3 =	sld [smem:$0x3FFC];
	_ =	sdelay $0x3  }
0x94: {  	_ =	strace s3  }
0x95: {  	s3 =	sld [smem:$0x3FFD];
	_ =	sdelay $0x3  }
0x96: {  	_ =	strace s3  }
0x97: {  	_ =	strace $0x8FFFFFFF  }
0x98: {  	s19 =	sld [smem:$0x3FDB];
	_ =	sdelay $0x1  }
0x99: {  	s4 =	simm.s32 $_scs_section_size  }
0x9a: {  	s5 =	simm.s32 $_size__tile_overlayer_lowered;
	s6 =	simm.s32 $_tile_overlayer_lowered  }
0x9b: {  	s22 =	simm.s32 $0x1BFF;
	s21 =	sshll.u32 s6, $0x1;
	s3 =	sadd.s32 s4, s19  }
0x9c: {  	s7 =	simm.s32 $0x0;
	s20 =	sshll.u32 s5, $0x1;
	s5 =	sadd.s32 s21, s3  }
0x9d: {  	[timem:s7], [sflag:s22] =	dma.local [hbm:s5], s20  }
0x9e: {  	_ =	swait.ge [sflag:s22], s20  }
0x9f: {  	s4 =	ssub.s32 $0x0, s20;
	[sflag:s22] =	ssyncset.done $0x0  }
0xa0: {  	[sflag:s22] =	ssyncadd.s32 s4;
	_ =	sdelay $0x1  }
0xa1: {  	s23 =	simm.s32 $0x1B8B  }
0xa2: {  	_ =	swait.ge [sflag:s23], $0x1  }
0xa3: {  	[sflag:s23] =	ssyncset.done $0x0  }
0xa4: {  	s25 =	simm.s32 $0x1B8E;
	s24 =	sld [smem:$0x3FFE];
	[sflag:s23] =	ssyncadd.s32 $0xFFFFFFFF  }
0xa5: {  	s26 =	simm.s32 $execute0_lowered;
	[smem:$0x3FD2] =	sst s25  }
0xa6: {  	s5 =	sshll.u32 s26, $0x1;
	_ =	strace $0x80000046;
	[dreg:$0x1] =	wrdreg $0xFFFFFFFF  }
0xa7: {  	s28 =	simm.s32 $_size_execute0_lowered;
	s3 =	sadd.s32 s3, s5;
	[dreg:$0x0] =	wrdreg $0x0  }
0xa8: {  	s5 =	sshll.u32 s28, $0x1;
	[dreg:$0x2] =	wrdreg s3  }
0xa9: {  	[dreg:$0x3] =	wrdreg s5  }
0xaa: {  	[dreg:$0x4] =	wrdreg $0xC0  }
0xab: {  	_ =	task [dreg:s7], $0x5FFFF  }
0xac: {  	[dreg:$0x1] =	wrdreg $0xFFFFFFFF  }
0xad: {  	[dreg:$0x0] =	wrdreg $0x60  }
0xae: {  	[dreg:$0x2] =	wrdreg s24  }
0xaf: {  	[dreg:$0x3] =	wrdreg s2  }
0xb0: {  	[dreg:$0x4] =	wrdreg $0x9  }
0xb1: {  	_ =	task.clear_ibuf [dreg:s7], $0x5FFFF;
	_ =	strace $0x90000046  }
0xb2: {  	s29 =	simm.s32 $0x9;
	_ =	strace $0x80000048  }
0xb3: {  	_ =	swait.ge [sflag:s29], $0x1  }
0xb4: {  	[sflag:s29] =	ssyncadd.s32 $0xFFFFFFFF  }
0xb5: {  	_ =	strace $0x90000048  }
0xb6: {  	_ =	sfence  }
0xb7: {  	s30 =	sld [smem:$0x0];
	_ =	sdelay $0x2  }
0xb8: {  	s31 =	sshll.u32 s1, $0xD;
	s1 =	sshrl.u32 s1, $0x2  }
0xb9: {  	s3 =	sand.u32 $0x4000, s31;
	s1 =	sadd.s32 s1, s30  }
0xba: {  	s0 =	sor.u32 s3, s0;
	s1 =	sshll.u32 s1, $0x11  }
0xbb: {  	s0 =	sor.u32 s1, s0  }
0xbc: {  	s0 =	sadd.s32 $0x8F2B, s0  }
0xbd: {  	[sflag:s0] =	ssyncadd.remote.s32 $0x1  }
0xbe: {  	_ =	sfence.sel $0xFFFF  }
0xbf: {  	[dreg:$0x0] =	wrdreg $0xFFFFFFFF;
	(pc) =	sbr.abs _section_cstart, $3  }
0xc0: {  	[dreg:$0x1] =	wrdreg $0xFFFFFFFF  }
0xc1: {  	_ =	task.clear_ibuf [dreg:s7], $0x2FFFF;
	_ =	strace $0x9FFFFFFF  }
0xc2: {  	(tm) =	ssettm $0x7FFFFFFF  }
0xc3: {  	_ =	shalt  }
tec
execute0_lowered:
.L_overlay_start_1:
0x0: {  	(tag) =	ssettag $0x1  }
0x1: {  	s0 =	rddreg [dreg:$0x0];
	s1 =	srdreg.scid  }
0x2: {  	s3 =	stileid.u32;
	s2 =	rddreg [dreg:$0x1];
	s18 =	simm.s32 $0x100  }
0x3: {  	s20 =	simm.s32 $0x3500;
	s13 =	simm.s32 $0x7500;
	s23 =	simm.s32 $0x1  }
0x4: {  	s28 =	simm.s32 $0x2;
	s29 =	simm.s32 $0xF900;
	s31 =	simm.s32 $0x11B00  }
0x5: {  	s19 =	simm.s32 $0x5;
	s21 =	simm.s32 $0x6;
	s9 =	simm.s32 $0x0  }
0x6: {  	s1 =	sand.u32 $0x1, s1;
	s4 =	sshll.u32 s3, $0x1;
	s3 =	simm.s32 $0x0  }
0x7: {  	s8 =	sadd.s32 $0x8000, s2;
	s10 =	sadd.s32 $0x10000, s2;
	s11 =	sadd.s32 $0x18000, s2  }
0x8: {  	s5 =	sor.u32 s1, s4;
	[smem:$0x7FF] =	sst s3;
	s1 =	ssub.s32 $0x2, s1  }
0x9: {  	s4 =	sadd.s32 $0x7400, s0;
	s6 =	smul.u32 $0x380, s5;
	s5 =	sshll.u32 s5, $0x7  }
0xa: {  	v5 =	vlaneseq.u32;
	_ =	strace $0x80000047;
	s7 =	sshrl.u32 s1, $0x1;
	s24 =	sadd.s32 s5, s8  }
0xb: {  	v0 =	vmul.u32 $0x38, v5;
	s1 =	ssub.s32 s1, s7;
	s25 =	sadd.s32 s5, s10;
	[dreg:$0x4] =	wrdreg s24  }
0xc: {  	s7 =	sadd.s32 s2, s5;
	s26 =	sadd.s32 s5, s11;
	[dreg:$0x5] =	wrdreg s25  }
0xd: {  	v5 =	vmul.u32 $0x88, v5;
	v1 =	vadd.s32 $0x380, v0;
	s0 =	sadd.s32 s6, s0;
	[dreg:$0x6] =	wrdreg s26;
	s14 =	sadd.s32 $0x180000, s7  }
0xe: {  	v2 =	vadd.s32 $0x700, v0;
	v3 =	vadd.s32 $0xA80, v0;
	v4 =	vadd.s32 $0xE00, v0;
	s15 =	sadd.s32 $0x188000, s7;
	s30 =	smax.u32 s1, $0x1;
	s24 =	simm.s32 $0xB500  }
0xf: {  	v6 =	vadd.s32 $0x1180, v0;
	v7 =	vadd.s32 $0x1500, v0;
	v8 =	vadd.s32 $0x1880, v0;
	s26 =	simm.s32 $0xD700;
	s0 =	sadd.s32 $0x400, s0;
	[dreg:$0x7] =	wrdreg s30  }
0x10: {  	v9 =	vadd.s32 $0x880, v5;
	v10 =	vadd.s32 $0x1100, v5;
	v11 =	vadd.s32 $0x1980, v5;
	s1 =	simm.s32 $0x3;
	[dreg:$0x3] =	wrdreg s0;
	s0 =	simm.s32 $0x4  }
.LBB2_1:
0x11: {  	s6 =	simm.s32 $0x1  }
0x12: {  	v12 =	vmov s6  }
0x13: {  	[dreg:$0x8] =	wrdreg s9;
	v12 =	vand.u32 $0x3F, v12  }
0x14: {  	s22 =	rddreg [dreg:$0x3];
	s25 =	simm.s32 $0x7;
	v13 =	vadd.s32 v0, v12  }
0x15: {  	[tilespmem:s3], [sflag:$0x7] =	stream.linear.gather [hbm4b:s22+s3], $0x1C00, $0x38;
	v14 =	vadd.s32 v8, v12;
	[tilespmem:$0x13D00] =	vst v63  }
0x16: {  	_ =	swait.ge [sflag:s25], $0x1C00;
	v15 =	vadd.s32 v1, v12  }
0x17: {  	[sflag:s25] =	ssyncset.done $0x0;
	v16 =	vadd.s32 v2, v12  }
0x18: {  	v17 =	vadd.s32 v3, v12;
	[sflag:s25] =	ssyncadd.s32 $0xFFFFE400  }
0x19: {  	v22 =	vadd.s32 v7, v12;
	v19 =	vld.idx.msk [tilespmem:v13+s3+$0x0], $0xffff  }
0x1a: {  	v13 =	vadd.s32 v4, v12;
	v21 =	vld.idx.msk [tilespmem:v14+s3+$0x0], $0xffff  }
0x1b: {  	v20 =	vadd.s32 v6, v12;
	v14 =	vmov s3;
	v26 =	vld.idx.msk [tilespmem:v15+s3+$0x0], $0xffff  }
0x1c: {  	v18 =	vld.idx.msk [tilespmem:v16+s3+$0x0], $0xffff;
	v12 =	vand.u32 $0x3E, v14  }
0x1d: {  	v16 =	vld.idx.msk [tilespmem:v17+s3+$0x0], $0xffff;
	v23 =	vadd.s32 v0, v12  }
0x1e: {  	v14 =	vld.idx.msk [tilespmem:v22+s3+$0x0], $0xffff;
	v24 =	vadd.s32 v1, v12  }
0x1f: {  	s6 =	simm.s32 $0x1C80;
	v22 =	vadd.s32 v2, v12;
	v15 =	vld.idx.msk [tilespmem:v13+s3+$0x0], $0xffff  }
0x20: {  	v13 =	vld.idx.msk [tilespmem:v20+s3+$0x0], $0xffff;
	[tilespmem:s6+$0x70] =	vst v21;
	v21 =	vadd.s32 v3, v12  }
0x21: {  	v20 =	vadd.s32 v4, v12  }
0x22: {  	s30 =	simm.s32 $0x3;
	[tilespmem:s6+$0x0] =	vst v19;
	v17 =	vld.idx.msk [tilespmem:v23+s3+$0x0], $0xffff;
	v23 =	vadd.s32 v6, v12  }
0x23: {  	s16 =	simm.s32 $0x2;
	s17 =	simm.s32 $0x4;
	v25 =	vmov s30;
	[tilespmem:s6+$0x10] =	vst v26;
	v19 =	vld.idx.msk [tilespmem:v24+s3+$0x0], $0xffff;
	v24 =	vadd.s32 v7, v12  }
.LBB2_2:
0x24: {  	p0 =	slt.u32 s17, $0x30;
	v25 =	vand.u32 $0x3F, v25;
	v22 =	vld.idx.msk [tilespmem:v22+s3+$0x0], $0xffff;
	v12 =	vadd.s32 v8, v12;
	[tilespmem:s6+$0x20] =	vst v18  }
0x25: {  	v18 =	vadd.s32 v0, v25;
	v21 =	vld.idx.msk [tilespmem:v21+s3+$0x0], $0xffff;
	[tilespmem:s6+$0x30] =	vst v16  }
0x26: {  	v16 =	vadd.s32 v8, v25;
	v20 =	vld.idx.msk [tilespmem:v20+s3+$0x0], $0xffff;
	[tilespmem:s6+$0x40] =	vst v15  }
0x27: {  	v15 =	vadd.s32 v1, v25;
	v23 =	vld.idx.msk [tilespmem:v23+s3+$0x0], $0xffff;
	[tilespmem:s6+$0x50] =	vst v13  }
0x28: {  	v13 =	vadd.s32 v2, v25;
	v24 =	vld.idx.msk [tilespmem:v24+s3+$0x0], $0xffff;
	[tilespmem:s6+$0x60] =	vst v14  }
0x29: {  	v14 =	vadd.s32 v3, v25;
	v26 =	vld.idx.msk [tilespmem:v12+s3+$0x0], $0xffff;
	[tilespmem:s6+$0xFFFFFF80] =	vst v17  }
0x2a: {  	v17 =	vadd.s32 v4, v25;
	v27 =	vld.idx.msk [tilespmem:v18+s3+$0x0], $0xffff;
	[tilespmem:s6+$0xFFFFFF90] =	vst v19  }
0x2b: {  	v12 =	vmov s16;
	s16 =	smov.u32 s17;
	v19 =	vadd.s32 v6, v25;
	v28 =	vld.idx.msk [tilespmem:v16+s3+$0x0], $0xffff;
	[tilespmem:s6+$0xFFFFFFA0] =	vst v22  }
0x2c: {  	v12 =	vand.u32 $0x3E, v12;
	v25 =	vadd.s32 v7, v25;
	v29 =	vld.idx.msk [tilespmem:v15+s3+$0x0], $0xffff;
	[tilespmem:s6+$0xFFFFFFB0] =	vst v21  }
0x2d: {  	v30 =	vadd.s32 v0, v12;
	v18 =	vld.idx.msk [tilespmem:v13+s3+$0x0], $0xffff;
	[tilespmem:s6+$0xFFFFFFC0] =	vst v20  }
0x2e: {  	v31 =	vadd.s32 v1, v12;
	v16 =	vld.idx.msk [tilespmem:v14+s3+$0x0], $0xffff;
	[tilespmem:s6+$0xFFFFFFD0] =	vst v23  }
.Ltmp0:
0x2f: {  	v22 =	vadd.s32 v2, v12;
	v15 =	vld.idx.msk [tilespmem:v17+s3+$0x0], $0xffff;
	[tilespmem:s6+$0xFFFFFFE0] =	vst v24;
	(pc) =	sbr.rel @p0 .LBB2_2-.Ltmp0, $4  }
0x30: {  	v21 =	vadd.s32 v3, v12;
	v13 =	vld.idx.msk [tilespmem:v19+s3+$0x0], $0xffff;
	[tilespmem:s6+$0xFFFFFFF0] =	vst v26;
	s6 =	sadd.s32 $0x100, s6  }
0x31: {  	v20 =	vadd.s32 v4, v12;
	v14 =	vld.idx.msk [tilespmem:v25+s3+$0x0], $0xffff;
	[tilespmem:s6+$0x70] =	vst v28  }
0x32: {  	s9 =	sadd.s32 $0x1, s17;
	v23 =	vadd.s32 v6, v12;
	v17 =	vld.idx.msk [tilespmem:v30+s3+$0x0], $0xffff;
	[tilespmem:s6+$0x0] =	vst v27  }
0x33: {  	s17 =	sadd.s32 $0x2, s17;
	v24 =	vadd.s32 v7, v12;
	v25 =	vmov s9;
	v19 =	vld.idx.msk [tilespmem:v31+s3+$0x0], $0xffff;
	[tilespmem:s6+$0x10] =	vst v29  }
0x34: {  	_ =	sdelay $0x3  }
0x35: {  	v25 =	vand.u32 $0x3F, v25;
	v22 =	vld.idx.msk [tilespmem:v22+s3+$0x0], $0xffff;
	v12 =	vadd.s32 v8, v12;
	[tilespmem:s6+$0x20] =	vst v18  }
0x36: {  	v21 =	vld.idx.msk [tilespmem:v21+s3+$0x0], $0xffff;
	[tilespmem:s6+$0x30] =	vst v16;
	v18 =	vadd.s32 v0, v25  }
0x37: {  	v20 =	vld.idx.msk [tilespmem:v20+s3+$0x0], $0xffff;
	[tilespmem:s6+$0x40] =	vst v15;
	v16 =	vadd.s32 v8, v25  }
0x38: {  	v23 =	vld.idx.msk [tilespmem:v23+s3+$0x0], $0xffff;
	v15 =	vadd.s32 v1, v25;
	[tilespmem:s6+$0x50] =	vst v13  }
0x39: {  	v24 =	vld.idx.msk [tilespmem:v24+s3+$0x0], $0xffff;
	v13 =	vadd.s32 v2, v25;
	[tilespmem:s6+$0x60] =	vst v14  }
0x3a: {  	v26 =	vadd.s32 v6, v25;
	v12 =	vld.idx.msk [tilespmem:v12+s3+$0x0], $0xffff;
	[tilespmem:s6+$0xFFFFFF80] =	vst v17  }
0x3b: {  	v14 =	vadd.s32 v3, v25;
	[tilespmem:s6+$0xFFFFFF90] =	vst v19;
	v17 =	vld.idx.msk [tilespmem:v18+s3+$0x0], $0xffff  }
0x3c: {  	v19 =	vmov s16;
	[tilespmem:s6+$0xFFFFFFA0] =	vst v22;
	v22 =	vadd.s32 v7, v25;
	v16 =	vld.idx.msk [tilespmem:v16+s3+$0x0], $0xffff  }
0x3d: {  	[tilespmem:s6+$0xFFFFFFB0] =	vst v21;
	v18 =	vadd.s32 v4, v25;
	v19 =	vand.u32 $0x3E, v19;
	v15 =	vld.idx.msk [tilespmem:v15+s3+$0x0], $0xffff  }
0x3e: {  	[tilespmem:s6+$0xFFFFFFC0] =	vst v20;
	v13 =	vld.idx.msk [tilespmem:v13+s3+$0x0], $0xffff;
	v21 =	vadd.s32 v0, v19  }
0x3f: {  	[tilespmem:s6+$0xFFFFFFD0] =	vst v23;
	v58 =	vld.idx.msk [tilespmem:v26+s3+$0x0], $0xffff;
	v20 =	vadd.s32 v1, v19  }
0x40: {  	[tilespmem:s6+$0xFFFFFFE0] =	vst v24;
	v14 =	vld.idx.msk [tilespmem:v14+s3+$0x0], $0xffff;
	v23 =	vadd.s32 v2, v19  }
0x41: {  	s30 =	sadd.s32 $0x100, s6;
	v57 =	vadd.s32 v3, v19;
	[tilespmem:s6+$0xFFFFFFF0] =	vst v12;
	v22 =	vld.idx.msk [tilespmem:v22+s3+$0x0], $0xffff  }
0x42: {  	v12 =	vadd.s32 v4, v19;
	v18 =	vld.idx.msk [tilespmem:v18+s3+$0x0], $0xffff;
	[tilespmem:s30+$0x70] =	vst v16  }
0x43: {  	[tilespmem:s30+$0x0] =	vst v17;
	v16 =	vld.idx.msk [tilespmem:v21+s3+$0x0], $0xffff;
	v21 =	vadd.s32 v6, v19  }
0x44: {  	[tilespmem:s30+$0x10] =	vst v15;
	v17 =	vld.idx.msk [tilespmem:v20+s3+$0x0], $0xffff;
	v20 =	vadd.s32 v7, v19  }
0x45: {  	[tilespmem:s30+$0x20] =	vst v13;
	v15 =	vld.idx.msk [tilespmem:v23+s3+$0x0], $0xffff;
	v19 =	vadd.s32 v8, v19  }
0x46: {  	[tilespmem:s30+$0x50] =	vst v58;
	v13 =	vld.idx.msk [tilespmem:v57+s3+$0x0], $0xffff  }
0x47: {  	[tilespmem:s30+$0x30] =	vst v14;
	v12 =	vld.idx.msk [tilespmem:v12+s3+$0x0], $0xffff  }
0x48: {  	[tilespmem:s30+$0x60] =	vst v22;
	v14 =	vld.idx.msk [tilespmem:v21+s3+$0x0], $0xffff  }
0x49: {  	[tilespmem:s30+$0x40] =	vst v18;
	v18 =	vld.idx.msk [tilespmem:v20+s3+$0x0], $0xffff  }
0x4a: {  	v19 =	vld.idx.msk [tilespmem:v19+s3+$0x0], $0xffff;
	[tilespmem:s30+$0xFFFFFF80] =	vst v16  }
0x4b: {  	[tilespmem:s30+$0xFFFFFF90] =	vst v17  }
0x4c: {  	[tilespmem:s30+$0xFFFFFFA0] =	vst v15  }
0x4d: {  	[tilespmem:s30+$0xFFFFFFB0] =	vst v13  }
0x4e: {  	[tilespmem:s30+$0xFFFFFFC0] =	vst v12  }
0x4f: {  	[tilespmem:s30+$0xFFFFFFD0] =	vst v14  }
0x50: {  	[tilespmem:s30+$0xFFFFFFE0] =	vst v18  }
0x51: {  	s9 =	simm.s32 $0x1C00;
	[tilespmem:s30+$0xFFFFFFF0] =	vst v19  }
0x52: {  	[tilespmem:s20], [sflag:$0x1] =	stream.indirect.gather [hbm4b:s4+s18], $0x40, s9, s18, $0xb8;
	[tilespmem:$0x13D00] =	vst v63  }
0x53: {  	s12 =	simm.s32 $0x1D00  }
0x54: {  	[tilespmem:s13], [sflag:$0x2] =	stream.indirect.gather [hbm4b:s4+s18], $0x40, s12, s18, $0xb8;
	[tilespmem:$0x13D00] =	vst v63  }
0x55: {  	s16 =	simm.s32 $0x3;
	_ =	swait.ge [sflag:s23], $0x4000  }
0x56: {  	v12 =	vmov s16;
	[sflag:s23] =	ssyncset.done $0x0  }
0x57: {  	s17 =	simm.s32 $0x3580;
	v12 =	vand.u32 $0x7F, v12;
	s9 =	simm.s32 $0x0;
	[sflag:s23] =	ssyncadd.s32 $0xFFFFC000  }
0x58: {  	v14 =	vadd.s32 v5, v12;
	v17 =	vmov s9;
	v13 =	vld [tilespmem:s17+$0x40]  }
0x59: {  	v16 =	vadd.s32 v9, v12;
	v17 =	vand.u32 $0x7C, v17;
	v15 =	vld [tilespmem:s17+$0x50]  }
0x5a: {  	v22 =	vadd.s32 v5, v17;
	v21 =	vld [tilespmem:s17+$0xFFFFFF80]  }
0x5b: {  	v19 =	vadd.s32 v10, v12;
	v18 =	vld [tilespmem:s17+$0x60]  }
0x5c: {  	v12 =	vadd.s32 v11, v12;
	v20 =	vld [tilespmem:s17+$0x70]  }
0x5d: {  	s22 =	simm.s32 $0x1;
	v59 =	vadd.s32 v9, v17;
	v23 =	vld [tilespmem:s17+$0xFFFFFF90];
	[tilespmem:v14+s24+$0x0] =	vst.idx.msk $0xffff, v13  }
0x5e: {  	v60 =	vmov s22;
	v13 =	vld [tilespmem:s17+$0xFFFFFFA0];
	v14 =	vadd.s32 v10, v17;
	[tilespmem:v16+s24+$0x0] =	vst.idx.msk $0xffff, v15  }
0x5f: {  	v15 =	vld [tilespmem:s17+$0xFFFFFFB0];
	v16 =	vadd.s32 v11, v17;
	v17 =	vand.u32 $0x7D, v60;
	[tilespmem:v22+s24+$0x0] =	vst.idx.msk $0xffff, v21  }
0x60: {  	[tilespmem:v19+s24+$0x0] =	vst.idx.msk $0xffff, v18;
	v18 =	vld [tilespmem:s17+$0xFFFFFFC0];
	v19 =	vadd.s32 v5, v17  }
0x61: {  	v21 =	vadd.s32 v9, v17;
	[tilespmem:v12+s24+$0x0] =	vst.idx.msk $0xffff, v20;
	v20 =	vld [tilespmem:s17+$0xFFFFFFD0]  }
0x62: {  	s25 =	simm.s32 $0x2;
	[tilespmem:v59+s24+$0x0] =	vst.idx.msk $0xffff, v23  }
0x63: {  	v23 =	vld [tilespmem:s17+$0xFFFFFFE0];
	v61 =	vadd.s32 v10, v17;
	[tilespmem:v14+s24+$0x0] =	vst.idx.msk $0xffff, v13;
	v13 =	vmov s25  }
0x64: {  	v62 =	vld [tilespmem:s17+$0xFFFFFFF0];
	v63 =	vadd.s32 v11, v17;
	[tilespmem:v16+s24+$0x0] =	vst.idx.msk $0xffff, v15;
	v15 =	vand.u32 $0x7E, v13  }
0x65: {  	v12 =	vld [tilespmem:s17+$0x0];
	[tilespmem:v19+s24+$0x0] =	vst.idx.msk $0xffff, v18;
	v19 =	vadd.s32 v5, v15  }
0x66: {  	s30 =	simm.s32 $0x7;
	v13 =	vld [tilespmem:s17+$0x10];
	[tilespmem:v21+s24+$0x0] =	vst.idx.msk $0xffff, v20;
	v20 =	vadd.s32 v9, v15  }
0x67: {  	v17 =	vmov s30;
	v14 =	vld [tilespmem:s17+$0x20];
	v16 =	vadd.s32 v10, v15  }
0x68: {  	s6 =	simm.s32 $0x3680;
	v22 =	vand.u32 $0x7F, v17;
	v17 =	vld [tilespmem:s17+$0x30];
	v21 =	vadd.s32 v11, v15;
	[tilespmem:v61+s24+$0x0] =	vst.idx.msk $0xffff, v23  }
0x69: {  	s16 =	simm.s32 $0x4;
	s17 =	simm.s32 $0x8;
	v18 =	vadd.s32 v5, v22;
	v15 =	vld [tilespmem:s6+$0x40];
	[tilespmem:v63+s24+$0x0] =	vst.idx.msk $0xffff, v62  }
.LBB2_4:
0x6a: {  	p0 =	slt.u32 s17, $0x7C;
	v23 =	vld [tilespmem:s6+$0x50];
	v24 =	vadd.s32 v9, v22;
	[tilespmem:v19+s24+$0x0] =	vst.idx.msk $0xffff, v12  }
0x6b: {  	v12 =	vmov s16;
	v25 =	vadd.s32 v10, v22;
	v19 =	vld [tilespmem:s6+$0x60];
	[tilespmem:v20+s24+$0x0] =	vst.idx.msk $0xffff, v13  }
0x6c: {  	v12 =	vand.u32 $0x7C, v12;
	v20 =	vadd.s32 v11, v22;
	v13 =	vld [tilespmem:s6+$0x70];
	[tilespmem:v16+s24+$0x0] =	vst.idx.msk $0xffff, v14  }
0x6d: {  	v16 =	vadd.s32 v5, v12;
	v14 =	vld [tilespmem:s6+$0xFFFFFF80];
	[tilespmem:v21+s24+$0x0] =	vst.idx.msk $0xffff, v17  }
0x6e: {  	s9 =	sadd.s32 $0x1, s16;
	v21 =	vadd.s32 v9, v12;
	v17 =	vld [tilespmem:s6+$0xFFFFFF90];
	[tilespmem:v18+s24+$0x0] =	vst.idx.msk $0xffff, v15  }
0x6f: {  	v22 =	vmov s9;
	v18 =	vadd.s32 v10, v12;
	v15 =	vld [tilespmem:s6+$0xFFFFFFA0];
	[tilespmem:v24+s24+$0x0] =	vst.idx.msk $0xffff, v23  }
0x70: {  	v22 =	vand.u32 $0x7D, v22;
	v12 =	vadd.s32 v11, v12;
	v23 =	vld [tilespmem:s6+$0xFFFFFFB0];
	[tilespmem:v25+s24+$0x0] =	vst.idx.msk $0xffff, v19  }
0x71: {  	v25 =	vadd.s32 v5, v22;
	v24 =	vld [tilespmem:s6+$0xFFFFFFC0];
	[tilespmem:v20+s24+$0x0] =	vst.idx.msk $0xffff, v13  }
0x72: {  	s9 =	sadd.s32 $0x2, s16;
	s16 =	smov.u32 s17;
	[tilespmem:v16+s24+$0x0] =	vst.idx.msk $0xffff, v14;
	v14 =	vld [tilespmem:s6+$0xFFFFFFD0];
	v16 =	vadd.s32 v9, v22  }
0x73: {  	v13 =	vmov s9;
	[tilespmem:v21+s24+$0x0] =	vst.idx.msk $0xffff, v17;
	v17 =	vld [tilespmem:s6+$0xFFFFFFE0];
	v21 =	vadd.s32 v10, v22  }
0x74: {  	v27 =	vadd.s32 v11, v22;
	[tilespmem:v18+s24+$0x0] =	vst.idx.msk $0xffff, v15;
	v26 =	vld [tilespmem:s6+$0xFFFFFFF0];
	v15 =	vand.u32 $0x7E, v13  }
.Ltmp1:
0x75: {  	[tilespmem:v12+s24+$0x0] =	vst.idx.msk $0xffff, v23;
	v12 =	vld [tilespmem:s6+$0x0];
	v19 =	vadd.s32 v5, v15;
	(pc) =	sbr.rel @p0 .LBB2_4-.Ltmp1, $4  }
0x76: {  	s9 =	sadd.s32 $0x3, s17;
	v20 =	vadd.s32 v9, v15;
	[tilespmem:v25+s24+$0x0] =	vst.idx.msk $0xffff, v24;
	v13 =	vld [tilespmem:s6+$0x10]  }
0x77: {  	v18 =	vmov s9;
	[tilespmem:v16+s24+$0x0] =	vst.idx.msk $0xffff, v14;
	v14 =	vld [tilespmem:s6+$0x20];
	v16 =	vadd.s32 v10, v15  }
0x78: {  	v22 =	vand.u32 $0x7F, v18;
	[tilespmem:v21+s24+$0x0] =	vst.idx.msk $0xffff, v17;
	v17 =	vld [tilespmem:s6+$0x30];
	v21 =	vadd.s32 v11, v15;
	s6 =	sadd.s32 $0x100, s6  }
0x79: {  	s17 =	sadd.s32 $0x4, s17;
	v18 =	vadd.s32 v5, v22;
	v15 =	vld [tilespmem:s6+$0x40];
	[tilespmem:v27+s24+$0x0] =	vst.idx.msk $0xffff, v26  }
0x7a: {  	_ = 	snop  }
0x7b: {  	v23 =	vld [tilespmem:s6+$0x50]  }
0x7c: {  	v36 =	vld [tilespmem:s6+$0x60]  }
0x7d: {  	v37 =	vld [tilespmem:s6+$0x70]  }
0x7e: {  	v24 =	vadd.s32 v9, v22;
	[tilespmem:v19+s24+$0x0] =	vst.idx.msk $0xffff, v12;
	v39 =	vld [tilespmem:s6+$0xFFFFFF80]  }
0x7f: {  	v35 =	vmov s16;
	v25 =	vadd.s32 v10, v22;
	v41 =	vld [tilespmem:s6+$0xFFFFFF90];
	[tilespmem:v20+s24+$0x0] =	vst.idx.msk $0xffff, v13  }
0x80: {  	v38 =	vadd.s32 v11, v22;
	s9 =	sadd.s32 $0x1, s16;
	v43 =	vld [tilespmem:s6+$0xFFFFFFA0];
	v12 =	vand.u32 $0x7C, v35;
	[tilespmem:v16+s24+$0x0] =	vst.idx.msk $0xffff, v14  }
0x81: {  	v46 =	vld [tilespmem:s6+$0xFFFFFFB0];
	s30 =	sadd.s32 $0x2, s16;
	v45 =	vmov s9;
	v40 =	vadd.s32 v5, v12;
	[tilespmem:v21+s24+$0x0] =	vst.idx.msk $0xffff, v17  }
0x82: {  	v47 =	vld [tilespmem:s6+$0xFFFFFFC0];
	v53 =	vmov s30;
	v42 =	vadd.s32 v9, v12;
	v22 =	vand.u32 $0x7D, v45;
	[tilespmem:v18+s24+$0x0] =	vst.idx.msk $0xffff, v15  }
0x83: {  	v49 =	vld [tilespmem:s6+$0xFFFFFFD0];
	v20 =	vand.u32 $0x7E, v53;
	v48 =	vadd.s32 v5, v22;
	[tilespmem:v24+s24+$0x0] =	vst.idx.msk $0xffff, v23  }
0x84: {  	v56 =	vld [tilespmem:s6+$0x0];
	v57 =	vadd.s32 v5, v20;
	[tilespmem:v25+s24+$0x0] =	vst.idx.msk $0xffff, v36  }
0x85: {  	v51 =	vld [tilespmem:s6+$0xFFFFFFE0];
	v44 =	vadd.s32 v10, v12;
	[tilespmem:v38+s24+$0x0] =	vst.idx.msk $0xffff, v37  }
0x86: {  	v54 =	vld [tilespmem:s6+$0xFFFFFFF0];
	v50 =	vadd.s32 v9, v22;
	[tilespmem:v40+s24+$0x0] =	vst.idx.msk $0xffff, v39  }
0x87: {  	v58 =	vld [tilespmem:s6+$0x10];
	v59 =	vadd.s32 v9, v20;
	[tilespmem:v42+s24+$0x0] =	vst.idx.msk $0xffff, v41  }
0x88: {  	v60 =	vld [tilespmem:s6+$0x20];
	v12 =	vadd.s32 v11, v12;
	[tilespmem:v48+s24+$0x0] =	vst.idx.msk $0xffff, v47  }
0x89: {  	v62 =	vld [tilespmem:s6+$0x30];
	v52 =	vadd.s32 v10, v22;
	[tilespmem:v57+s24+$0x0] =	vst.idx.msk $0xffff, v56  }
0x8a: {  	v61 =	vadd.s32 v10, v20;
	[tilespmem:v44+s24+$0x0] =	vst.idx.msk $0xffff, v43  }
0x8b: {  	v55 =	vadd.s32 v11, v22;
	[tilespmem:v50+s24+$0x0] =	vst.idx.msk $0xffff, v49  }
0x8c: {  	v63 =	vadd.s32 v11, v20;
	[tilespmem:v59+s24+$0x0] =	vst.idx.msk $0xffff, v58  }
0x8d: {  	[tilespmem:v12+s24+$0x0] =	vst.idx.msk $0xffff, v46  }
0x8e: {  	[tilespmem:v52+s24+$0x0] =	vst.idx.msk $0xffff, v51  }
0x8f: {  	[tilespmem:v61+s24+$0x0] =	vst.idx.msk $0xffff, v60  }
0x90: {  	[tilespmem:v55+s24+$0x0] =	vst.idx.msk $0xffff, v54  }
0x91: {  	s9 =	simm.s32 $0x1E00;
	[tilespmem:v63+s24+$0x0] =	vst.idx.msk $0xffff, v62  }
0x92: {  	[tilespmem:s20], [sflag:$0x1] =	stream.indirect.gather [hbm4b:s4+s18], $0x40, s9, s18, $0xb8;
	[tilespmem:$0x13D00] =	vst v63  }
0x93: {  	s6 =	simm.s32 $0x0;
	s12 =	simm.s32 $0xB500  }
0x94: {  	[hbm4b:s7+s6] =	stream.linear.scatter [tilespmem:s12], [sflag:$0x3], $0x80, $0x38;
	[tilespmem:$0x13D00] =	vst v63  }
0x95: {  	s16 =	simm.s32 $0xB588;
	s12 =	sadd.s32 $0x10, s7  }
0x96: {  	[hbm4b:s12+s6] =	stream.linear.scatter [tilespmem:s16], [sflag:$0x3], $0x80, $0x38;
	[tilespmem:$0x13D00] =	vst v63  }
0x97: {  	s17 =	simm.s32 $0xB610;
	s22 =	sadd.s32 $0x20, s7;
	s25 =	simm.s32 $0xB698  }
0x98: {  	[hbm4b:s22+s6] =	stream.linear.scatter [tilespmem:s17], [sflag:$0x3], $0x80, $0x38;
	[tilespmem:$0x13D00] =	vst v63  }
0x99: {  	s30 =	sadd.s32 $0x30, s7;
	s9 =	simm.s32 $0xB8B8;
	s12 =	simm.s32 $0xB720  }
0x9a: {  	[hbm4b:s30+s6] =	stream.linear.scatter [tilespmem:s25], [sflag:$0x3], $0x80, $0x38;
	[tilespmem:$0x13D00] =	vst v63  }
0x9b: {  	s16 =	sadd.s32 $0x40, s7;
	s17 =	simm.s32 $0xB7A8;
	s22 =	sadd.s32 $0x50, s7  }
0x9c: {  	[hbm4b:s16+s6] =	stream.linear.scatter [tilespmem:s12], [sflag:$0x3], $0x80, $0x38;
	[tilespmem:$0x13D00] =	vst v63  }
0x9d: {  	s25 =	simm.s32 $0xB830;
	s30 =	sadd.s32 $0x60, s7;
	s16 =	simm.s32 $0x440  }
0x9e: {  	[hbm4b:s22+s6] =	stream.linear.scatter [tilespmem:s17], [sflag:$0x3], $0x80, $0x38;
	[tilespmem:$0x13D00] =	vst v63  }
0x9f: {  	s12 =	sadd.s32 $0x70, s7;
	s22 =	simm.s32 $0x2200;
	s17 =	sadd.s32 $0x1000, s7  }
0xa0: {  	[hbm4b:s30+s6] =	stream.linear.scatter [tilespmem:s25], [sflag:$0x3], $0x80, $0x38;
	[tilespmem:$0x13D00] =	vst v63  }
.LBB2_6:
0xa1: {  	[hbm4b:s12+s6] =	stream.linear.scatter [tilespmem:s9], [sflag:$0x3], $0x80, $0x38;
	[tilespmem:$0x13D00] =	vst v63  }
0xa2: {  	s9 =	smov.u32 s16;
	s12 =	smov.u32 s22  }
0xa3: {  	s25 =	sadd.s32 $0x1100, s22;
	s16 =	sshra.s32 s12, $0x2;
	s12 =	sadd.s32 $0xB500, s9  }
0xa4: {  	[hbm4b:s17+s6] =	stream.linear.scatter [tilespmem:s12], [sflag:$0x3], $0x80, $0x38;
	[tilespmem:$0x13D00] =	vst v63  }
0xa5: {  	p0 =	sne.s32 s22, $0x7700;
	s22 =	sadd.s32 $0x10, s17;
	s12 =	sadd.s32 $0xB588, s9  }
0xa6: {  	[hbm4b:s22+s6] =	stream.linear.scatter [tilespmem:s12], [sflag:$0x3], $0x80, $0x38;
	[tilespmem:$0x13D00] =	vst v63  }
0xa7: {  	s12 =	sadd.s32 $0xB610, s9;
	s22 =	sadd.s32 $0x20, s17  }
0xa8: {  	[hbm4b:s22+s6] =	stream.linear.scatter [tilespmem:s12], [sflag:$0x3], $0x80, $0x38;
	[tilespmem:$0x13D00] =	vst v63  }
0xa9: {  	s12 =	sadd.s32 $0xB698, s9;
	s22 =	sadd.s32 $0x30, s17  }
0xaa: {  	[hbm4b:s22+s6] =	stream.linear.scatter [tilespmem:s12], [sflag:$0x3], $0x80, $0x38;
	[tilespmem:$0x13D00] =	vst v63  }
0xab: {  	s12 =	sadd.s32 $0xB720, s9;
	s22 =	sadd.s32 $0x40, s17  }
0xac: {  	[hbm4b:s22+s6] =	stream.linear.scatter [tilespmem:s12], [sflag:$0x3], $0x80, $0x38;
	[tilespmem:$0x13D00] =	vst v63  }
.Ltmp2:
0xad: {  	s12 =	sadd.s32 $0xB7A8, s9;
	s22 =	sadd.s32 $0x50, s17;
	(pc) =	sbr.rel @p0 .LBB2_6-.Ltmp2, $4  }
0xae: {  	[hbm4b:s22+s6] =	stream.linear.scatter [tilespmem:s12], [sflag:$0x3], $0x80, $0x38;
	[tilespmem:$0x13D00] =	vst v63  }
0xaf: {  	s12 =	sadd.s32 $0xB830, s9;
	s22 =	sadd.s32 $0x60, s17;
	s9 =	sadd.s32 $0xB8B8, s9  }
0xb0: {  	[hbm4b:s22+s6] =	stream.linear.scatter [tilespmem:s12], [sflag:$0x3], $0x80, $0x38;
	[tilespmem:$0x13D00] =	vst v63  }
0xb1: {  	s12 =	sadd.s32 $0x70, s17;
	s17 =	sadd.s32 $0x1000, s17;
	s22 =	smov.u32 s25  }
0xb2: {  	[hbm4b:s12+s6] =	stream.linear.scatter [tilespmem:s9], [sflag:$0x3], $0x80, $0x38;
	[tilespmem:$0x13D00] =	vst v63  }
0xb3: {  	s30 =	sadd.s32 $0xB500, s16  }
0xb4: {  	[hbm4b:s17+s6] =	stream.linear.scatter [tilespmem:s30], [sflag:$0x3], $0x80, $0x38;
	[tilespmem:$0x13D00] =	vst v63  }
0xb5: {  	s12 =	sadd.s32 $0xB588, s16;
	s22 =	sadd.s32 $0x10, s17  }
0xb6: {  	[hbm4b:s22+s6] =	stream.linear.scatter [tilespmem:s12], [sflag:$0x3], $0x80, $0x38;
	[tilespmem:$0x13D00] =	vst v63  }
0xb7: {  	s25 =	sadd.s32 $0xB610, s16;
	s30 =	sadd.s32 $0x20, s17  }
0xb8: {  	[hbm4b:s30+s6] =	stream.linear.scatter [tilespmem:s25], [sflag:$0x3], $0x80, $0x38;
	[tilespmem:$0x13D00] =	vst v63  }
0xb9: {  	s12 =	sadd.s32 $0xB698, s16;
	s22 =	sadd.s32 $0x30, s17  }
0xba: {  	[hbm4b:s22+s6] =	stream.linear.scatter [tilespmem:s12], [sflag:$0x3], $0x80, $0x38;
	[tilespmem:$0x13D00] =	vst v63  }
0xbb: {  	s25 =	sadd.s32 $0xB720, s16;
	s30 =	sadd.s32 $0x40, s17  }
0xbc: {  	[hbm4b:s30+s6] =	stream.linear.scatter [tilespmem:s25], [sflag:$0x3], $0x80, $0x38;
	[tilespmem:$0x13D00] =	vst v63  }
0xbd: {  	s12 =	sadd.s32 $0xB7A8, s16;
	s22 =	sadd.s32 $0x50, s17  }
0xbe: {  	[hbm4b:s22+s6] =	stream.linear.scatter [tilespmem:s12], [sflag:$0x3], $0x80, $0x38;
	[tilespmem:$0x13D00] =	vst v63  }
0xbf: {  	s25 =	sadd.s32 $0xB830, s16;
	s30 =	sadd.s32 $0x60, s17  }
0xc0: {  	[hbm4b:s30+s6] =	stream.linear.scatter [tilespmem:s25], [sflag:$0x3], $0x80, $0x38;
	[tilespmem:$0x13D00] =	vst v63  }
0xc1: {  	s30 =	simm.s32 $0x3  }
0xc2: {  	s22 =	sadd.s32 $0xB8B8, s16;
	s25 =	sadd.s32 $0x70, s17;
	s17 =	simm.s32 $0x55F0;
	v12 =	vmov s30  }
0xc3: {  	[hbm4b:s25+s6] =	stream.linear.scatter [tilespmem:s22], [sflag:$0x3], $0x80, $0x38;
	v12 =	vand.u32 $0x7F, v12;
	[tilespmem:$0x13D00] =	vst v63  }
0xc4: {  	v17 =	vmov s6;
	v13 =	vld [tilespmem:s17+$0xFFFFFFD0];
	v14 =	vadd.s32 v5, v12  }
0xc5: {  	v17 =	vand.u32 $0x7C, v17;
	v15 =	vld [tilespmem:s17+$0xFFFFFFE0];
	v16 =	vadd.s32 v9, v12  }
0xc6: {  	v22 =	vadd.s32 v5, v17;
	v21 =	vld [tilespmem:s17+$0xFFFFFF10]  }
0xc7: {  	v18 =	vld [tilespmem:s17+$0xFFFFFFF0];
	v19 =	vadd.s32 v10, v12  }
0xc8: {  	v20 =	vld [tilespmem:s17+$0x0];
	v12 =	vadd.s32 v11, v12  }
0xc9: {  	v24 =	vadd.s32 v9, v17;
	s22 =	simm.s32 $0x1;
	v23 =	vld [tilespmem:s17+$0xFFFFFF20];
	[tilespmem:v14+s26+$0x0] =	vst.idx.msk $0xffff, v13  }
0xca: {  	v25 =	vmov s22;
	v13 =	vld [tilespmem:s17+$0xFFFFFF30];
	v14 =	vadd.s32 v10, v17;
	[tilespmem:v16+s26+$0x0] =	vst.idx.msk $0xffff, v15  }
0xcb: {  	v15 =	vld [tilespmem:s17+$0xFFFFFF40];
	v16 =	vadd.s32 v11, v17;
	v17 =	vand.u32 $0x7D, v25;
	[tilespmem:v22+s26+$0x0] =	vst.idx.msk $0xffff, v21  }
0xcc: {  	[tilespmem:v19+s26+$0x0] =	vst.idx.msk $0xffff, v18;
	v18 =	vld [tilespmem:s17+$0xFFFFFF50];
	v19 =	vadd.s32 v5, v17  }
0xcd: {  	v21 =	vadd.s32 v9, v17;
	[tilespmem:v12+s26+$0x0] =	vst.idx.msk $0xffff, v20;
	v20 =	vld [tilespmem:s17+$0xFFFFFF60]  }
0xce: {  	s25 =	simm.s32 $0x2;
	[tilespmem:v24+s26+$0x0] =	vst.idx.msk $0xffff, v23  }
0xcf: {  	v23 =	vld [tilespmem:s17+$0xFFFFFF70];
	v62 =	vadd.s32 v10, v17;
	[tilespmem:v14+s26+$0x0] =	vst.idx.msk $0xffff, v13;
	v13 =	vmov s25  }
0xd0: {  	v63 =	vld [tilespmem:s17+$0xFFFFFF80];
	v26 =	vadd.s32 v11, v17;
	[tilespmem:v16+s26+$0x0] =	vst.idx.msk $0xffff, v15;
	v15 =	vand.u32 $0x7E, v13  }
0xd1: {  	v12 =	vld [tilespmem:s17+$0xFFFFFF90];
	[tilespmem:v19+s26+$0x0] =	vst.idx.msk $0xffff, v18;
	v19 =	vadd.s32 v5, v15  }
0xd2: {  	s30 =	simm.s32 $0x7;
	v13 =	vld [tilespmem:s17+$0xFFFFFFA0];
	[tilespmem:v21+s26+$0x0] =	vst.idx.msk $0xffff, v20;
	v20 =	vadd.s32 v9, v15  }
0xd3: {  	v17 =	vmov s30;
	v14 =	vld [tilespmem:s17+$0xFFFFFFB0];
	v16 =	vadd.s32 v10, v15  }
0xd4: {  	s6 =	simm.s32 $0x56F0;
	v22 =	vand.u32 $0x7F, v17;
	v17 =	vld [tilespmem:s17+$0xFFFFFFC0];
	v21 =	vadd.s32 v11, v15;
	[tilespmem:v62+s26+$0x0] =	vst.idx.msk $0xffff, v23  }
0xd5: {  	s16 =	simm.s32 $0x4;
	s17 =	simm.s32 $0x8;
	v18 =	vadd.s32 v5, v22;
	v15 =	vld [tilespmem:s6+$0xFFFFFFD0];
	[tilespmem:v26+s26+$0x0] =	vst.idx.msk $0xffff, v63  }
.LBB2_8:
0xd6: {  	p0 =	slt.u32 s17, $0x7C;
	v23 =	vld [tilespmem:s6+$0xFFFFFFE0];
	v24 =	vadd.s32 v9, v22;
	[tilespmem:v19+s26+$0x0] =	vst.idx.msk $0xffff, v12  }
0xd7: {  	v12 =	vmov s16;
	v25 =	vadd.s32 v10, v22;
	v19 =	vld [tilespmem:s6+$0xFFFFFFF0];
	[tilespmem:v20+s26+$0x0] =	vst.idx.msk $0xffff, v13  }
0xd8: {  	v12 =	vand.u32 $0x7C, v12;
	v20 =	vadd.s32 v11, v22;
	v13 =	vld [tilespmem:s6+$0x0];
	[tilespmem:v16+s26+$0x0] =	vst.idx.msk $0xffff, v14  }
0xd9: {  	v16 =	vadd.s32 v5, v12;
	v14 =	vld [tilespmem:s6+$0xFFFFFF10];
	[tilespmem:v21+s26+$0x0] =	vst.idx.msk $0xffff, v17  }
0xda: {  	s9 =	sadd.s32 $0x1, s16;
	v21 =	vadd.s32 v9, v12;
	v17 =	vld [tilespmem:s6+$0xFFFFFF20];
	[tilespmem:v18+s26+$0x0] =	vst.idx.msk $0xffff, v15  }
0xdb: {  	v22 =	vmov s9;
	v18 =	vadd.s32 v10, v12;
	v15 =	vld [tilespmem:s6+$0xFFFFFF30];
	[tilespmem:v24+s26+$0x0] =	vst.idx.msk $0xffff, v23  }
0xdc: {  	v22 =	vand.u32 $0x7D, v22;
	v12 =	vadd.s32 v11, v12;
	v23 =	vld [tilespmem:s6+$0xFFFFFF40];
	[tilespmem:v25+s26+$0x0] =	vst.idx.msk $0xffff, v19  }
0xdd: {  	v25 =	vadd.s32 v5, v22;
	v24 =	vld [tilespmem:s6+$0xFFFFFF50];
	[tilespmem:v20+s26+$0x0] =	vst.idx.msk $0xffff, v13  }
0xde: {  	s9 =	sadd.s32 $0x2, s16;
	s16 =	smov.u32 s17;
	[tilespmem:v16+s26+$0x0] =	vst.idx.msk $0xffff, v14;
	v14 =	vld [tilespmem:s6+$0xFFFFFF60];
	v16 =	vadd.s32 v9, v22  }
0xdf: {  	v13 =	vmov s9;
	[tilespmem:v21+s26+$0x0] =	vst.idx.msk $0xffff, v17;
	v17 =	vld [tilespmem:s6+$0xFFFFFF70];
	v21 =	vadd.s32 v10, v22  }
0xe0: {  	v27 =	vadd.s32 v11, v22;
	[tilespmem:v18+s26+$0x0] =	vst.idx.msk $0xffff, v15;
	v26 =	vld [tilespmem:s6+$0xFFFFFF80];
	v15 =	vand.u32 $0x7E, v13  }
.Ltmp3:
0xe1: {  	[tilespmem:v12+s26+$0x0] =	vst.idx.msk $0xffff, v23;
	v12 =	vld [tilespmem:s6+$0xFFFFFF90];
	v19 =	vadd.s32 v5, v15;
	(pc) =	sbr.rel @p0 .LBB2_8-.Ltmp3, $4  }
0xe2: {  	s9 =	sadd.s32 $0x3, s17;
	v20 =	vadd.s32 v9, v15;
	[tilespmem:v25+s26+$0x0] =	vst.idx.msk $0xffff, v24;
	v13 =	vld [tilespmem:s6+$0xFFFFFFA0]  }
0xe3: {  	v18 =	vmov s9;
	[tilespmem:v16+s26+$0x0] =	vst.idx.msk $0xffff, v14;
	v14 =	vld [tilespmem:s6+$0xFFFFFFB0];
	v16 =	vadd.s32 v10, v15  }
0xe4: {  	v22 =	vand.u32 $0x7F, v18;
	[tilespmem:v21+s26+$0x0] =	vst.idx.msk $0xffff, v17;
	v17 =	vld [tilespmem:s6+$0xFFFFFFC0];
	v21 =	vadd.s32 v11, v15;
	s6 =	sadd.s32 $0x100, s6  }
0xe5: {  	s17 =	sadd.s32 $0x4, s17;
	v18 =	vadd.s32 v5, v22;
	v15 =	vld [tilespmem:s6+$0xFFFFFFD0];
	[tilespmem:v27+s26+$0x0] =	vst.idx.msk $0xffff, v26  }
0xe6: {  	_ = 	snop  }
0xe7: {  	v23 =	vld [tilespmem:s6+$0xFFFFFFE0]  }
0xe8: {  	v36 =	vld [tilespmem:s6+$0xFFFFFFF0]  }
0xe9: {  	v37 =	vld [tilespmem:s6+$0x0]  }
0xea: {  	v24 =	vadd.s32 v9, v22;
	[tilespmem:v19+s26+$0x0] =	vst.idx.msk $0xffff, v12;
	v39 =	vld [tilespmem:s6+$0xFFFFFF10]  }
0xeb: {  	v35 =	vmov s16;
	v25 =	vadd.s32 v10, v22;
	v41 =	vld [tilespmem:s6+$0xFFFFFF20];
	[tilespmem:v20+s26+$0x0] =	vst.idx.msk $0xffff, v13  }
0xec: {  	v38 =	vadd.s32 v11, v22;
	s9 =	sadd.s32 $0x1, s16;
	v43 =	vld [tilespmem:s6+$0xFFFFFF30];
	v12 =	vand.u32 $0x7C, v35;
	[tilespmem:v16+s26+$0x0] =	vst.idx.msk $0xffff, v14  }
0xed: {  	v46 =	vld [tilespmem:s6+$0xFFFFFF40];
	s25 =	sadd.s32 $0x2, s16;
	v45 =	vmov s9;
	v40 =	vadd.s32 v5, v12;
	[tilespmem:v21+s26+$0x0] =	vst.idx.msk $0xffff, v17  }
0xee: {  	v47 =	vld [tilespmem:s6+$0xFFFFFF50];
	v53 =	vmov s25;
	v42 =	vadd.s32 v9, v12;
	v22 =	vand.u32 $0x7D, v45;
	[tilespmem:v18+s26+$0x0] =	vst.idx.msk $0xffff, v15  }
0xef: {  	v49 =	vld [tilespmem:s6+$0xFFFFFF60];
	v20 =	vand.u32 $0x7E, v53;
	v48 =	vadd.s32 v5, v22;
	[tilespmem:v24+s26+$0x0] =	vst.idx.msk $0xffff, v23  }
0xf0: {  	v56 =	vld [tilespmem:s6+$0xFFFFFF90];
	v57 =	vadd.s32 v5, v20;
	[tilespmem:v25+s26+$0x0] =	vst.idx.msk $0xffff, v36  }
0xf1: {  	v51 =	vld [tilespmem:s6+$0xFFFFFF70];
	v44 =	vadd.s32 v10, v12;
	[tilespmem:v38+s26+$0x0] =	vst.idx.msk $0xffff, v37  }
0xf2: {  	v54 =	vld [tilespmem:s6+$0xFFFFFF80];
	v50 =	vadd.s32 v9, v22;
	[tilespmem:v40+s26+$0x0] =	vst.idx.msk $0xffff, v39  }
0xf3: {  	v58 =	vld [tilespmem:s6+$0xFFFFFFA0];
	v59 =	vadd.s32 v9, v20;
	[tilespmem:v42+s26+$0x0] =	vst.idx.msk $0xffff, v41  }
0xf4: {  	v60 =	vld [tilespmem:s6+$0xFFFFFFB0];
	v12 =	vadd.s32 v11, v12;
	[tilespmem:v48+s26+$0x0] =	vst.idx.msk $0xffff, v47  }
0xf5: {  	v62 =	vld [tilespmem:s6+$0xFFFFFFC0];
	v52 =	vadd.s32 v10, v22;
	[tilespmem:v57+s26+$0x0] =	vst.idx.msk $0xffff, v56  }
0xf6: {  	v61 =	vadd.s32 v10, v20;
	[tilespmem:v44+s26+$0x0] =	vst.idx.msk $0xffff, v43  }
0xf7: {  	v55 =	vadd.s32 v11, v22;
	[tilespmem:v50+s26+$0x0] =	vst.idx.msk $0xffff, v49  }
0xf8: {  	v63 =	vadd.s32 v11, v20;
	[tilespmem:v59+s26+$0x0] =	vst.idx.msk $0xffff, v58  }
0xf9: {  	[tilespmem:v12+s26+$0x0] =	vst.idx.msk $0xffff, v46  }
0xfa: {  	[tilespmem:v52+s26+$0x0] =	vst.idx.msk $0xffff, v51  }
0xfb: {  	[tilespmem:v61+s26+$0x0] =	vst.idx.msk $0xffff, v60  }
0xfc: {  	[tilespmem:v55+s26+$0x0] =	vst.idx.msk $0xffff, v54  }
0xfd: {  	[tilespmem:v63+s26+$0x0] =	vst.idx.msk $0xffff, v62  }
0xfe: {  	s30 =	simm.s32 $0xD700;
	s12 =	rddreg [dreg:$0x4]  }
0xff: {  	[hbm4b:s12+s3] =	stream.linear.scatter [tilespmem:s30], [sflag:$0x4], $0x80, $0x38;
	[tilespmem:$0x13D00] =	vst v63  }
0x100: {  	s9 =	simm.s32 $0xD788;
	s16 =	sadd.s32 $0x10, s12  }
0x101: {  	[hbm4b:s16+s3] =	stream.linear.scatter [tilespmem:s9], [sflag:$0x4], $0x80, $0x38;
	[tilespmem:$0x13D00] =	vst v63  }
0x102: {  	s17 =	simm.s32 $0xD810;
	s6 =	simm.s32 $0x440;
	s22 =	sadd.s32 $0x20, s12  }
0x103: {  	[hbm4b:s22+s3] =	stream.linear.scatter [tilespmem:s17], [sflag:$0x4], $0x80, $0x38;
	[tilespmem:$0x13D00] =	vst v63  }
0x104: {  	s25 =	simm.s32 $0xD898;
	s30 =	sadd.s32 $0x30, s12;
	s9 =	simm.s32 $0xD920  }
0x105: {  	[hbm4b:s30+s3] =	stream.linear.scatter [tilespmem:s25], [sflag:$0x4], $0x80, $0x38;
	[tilespmem:$0x13D00] =	vst v63  }
0x106: {  	s16 =	sadd.s32 $0x40, s12;
	s17 =	simm.s32 $0xD9A8;
	s22 =	sadd.s32 $0x50, s12  }
0x107: {  	[hbm4b:s16+s3] =	stream.linear.scatter [tilespmem:s9], [sflag:$0x4], $0x80, $0x38;
	[tilespmem:$0x13D00] =	vst v63  }
0x108: {  	s25 =	simm.s32 $0xDA30;
	s30 =	sadd.s32 $0x60, s12;
	s9 =	sadd.s32 $0x70, s12  }
0x109: {  	[hbm4b:s22+s3] =	stream.linear.scatter [tilespmem:s17], [sflag:$0x4], $0x80, $0x38;
	[tilespmem:$0x13D00] =	vst v63  }
0x10a: {  	s16 =	sadd.s32 $0x1000, s12;
	s17 =	simm.s32 $0x2200;
	s22 =	simm.s32 $0xDAB8  }
0x10b: {  	[hbm4b:s30+s3] =	stream.linear.scatter [tilespmem:s25], [sflag:$0x4], $0x80, $0x38;
	[tilespmem:$0x13D00] =	vst v63  }
.LBB2_10:
0x10c: {  	[hbm4b:s9+s3] =	stream.linear.scatter [tilespmem:s22], [sflag:$0x4], $0x80, $0x38;
	[tilespmem:$0x13D00] =	vst v63  }
0x10d: {  	s9 =	smov.u32 s6;
	s6 =	smov.u32 s17  }
0x10e: {  	s12 =	sadd.s32 $0x1100, s17;
	s6 =	sshra.s32 s6, $0x2;
	s22 =	sadd.s32 $0xD700, s9  }
0x10f: {  	[hbm4b:s16+s3] =	stream.linear.scatter [tilespmem:s22], [sflag:$0x4], $0x80, $0x38;
	[tilespmem:$0x13D00] =	vst v63  }
0x110: {  	p0 =	sne.s32 s17, $0x7700;
	s17 =	sadd.s32 $0xD788, s9;
	s22 =	sadd.s32 $0x10, s16  }
0x111: {  	[hbm4b:s22+s3] =	stream.linear.scatter [tilespmem:s17], [sflag:$0x4], $0x80, $0x38;
	[tilespmem:$0x13D00] =	vst v63  }
0x112: {  	s17 =	sadd.s32 $0xD810, s9;
	s22 =	sadd.s32 $0x20, s16  }
0x113: {  	[hbm4b:s22+s3] =	stream.linear.scatter [tilespmem:s17], [sflag:$0x4], $0x80, $0x38;
	[tilespmem:$0x13D00] =	vst v63  }
0x114: {  	s17 =	sadd.s32 $0xD898, s9;
	s22 =	sadd.s32 $0x30, s16  }
0x115: {  	[hbm4b:s22+s3] =	stream.linear.scatter [tilespmem:s17], [sflag:$0x4], $0x80, $0x38;
	[tilespmem:$0x13D00] =	vst v63  }
0x116: {  	s17 =	sadd.s32 $0xD920, s9;
	s22 =	sadd.s32 $0x40, s16  }
0x117: {  	[hbm4b:s22+s3] =	stream.linear.scatter [tilespmem:s17], [sflag:$0x4], $0x80, $0x38;
	[tilespmem:$0x13D00] =	vst v63  }
0x118: {  	s17 =	sadd.s32 $0xD9A8, s9;
	s22 =	sadd.s32 $0x50, s16  }
0x119: {  	[hbm4b:s22+s3] =	stream.linear.scatter [tilespmem:s17], [sflag:$0x4], $0x80, $0x38;
	[tilespmem:$0x13D00] =	vst v63  }
.Ltmp4:
0x11a: {  	_ = 	snop;
	(pc) =	sbr.rel @p0 .LBB2_10-.Ltmp4, $4  }
0x11b: {  	s17 =	sadd.s32 $0xDA30, s9;
	s22 =	sadd.s32 $0x60, s16  }
0x11c: {  	[hbm4b:s22+s3] =	stream.linear.scatter [tilespmem:s17], [sflag:$0x4], $0x80, $0x38;
	[tilespmem:$0x13D00] =	vst v63  }
0x11d: {  	s22 =	sadd.s32 $0xDAB8, s9  }
0x11e: {  	s9 =	sadd.s32 $0x70, s16;
	s16 =	sadd.s32 $0x1000, s16;
	s17 =	smov.u32 s12  }
0x11f: {  	[hbm4b:s9+s3] =	stream.linear.scatter [tilespmem:s22], [sflag:$0x4], $0x80, $0x38;
	[tilespmem:$0x13D00] =	vst v63  }
0x120: {  	s25 =	sadd.s32 $0xD700, s6  }
0x121: {  	[hbm4b:s16+s3] =	stream.linear.scatter [tilespmem:s25], [sflag:$0x4], $0x80, $0x38;
	[tilespmem:$0x13D00] =	vst v63  }
0x122: {  	s30 =	sadd.s32 $0xD788, s6;
	s12 =	sadd.s32 $0x10, s16  }
0x123: {  	[hbm4b:s12+s3] =	stream.linear.scatter [tilespmem:s30], [sflag:$0x4], $0x80, $0x38;
	[tilespmem:$0x13D00] =	vst v63  }
0x124: {  	s17 =	sadd.s32 $0xD810, s6;
	s22 =	sadd.s32 $0x20, s16  }
0x125: {  	[hbm4b:s22+s3] =	stream.linear.scatter [tilespmem:s17], [sflag:$0x4], $0x80, $0x38;
	[tilespmem:$0x13D00] =	vst v63  }
0x126: {  	s25 =	sadd.s32 $0xD898, s6;
	s30 =	sadd.s32 $0x30, s16  }
0x127: {  	[hbm4b:s30+s3] =	stream.linear.scatter [tilespmem:s25], [sflag:$0x4], $0x80, $0x38;
	[tilespmem:$0x13D00] =	vst v63  }
0x128: {  	s17 =	sadd.s32 $0xD920, s6;
	s22 =	sadd.s32 $0x40, s16  }
0x129: {  	[hbm4b:s22+s3] =	stream.linear.scatter [tilespmem:s17], [sflag:$0x4], $0x80, $0x38;
	[tilespmem:$0x13D00] =	vst v63  }
0x12a: {  	s25 =	sadd.s32 $0xD9A8, s6;
	s30 =	sadd.s32 $0x50, s16  }
0x12b: {  	[hbm4b:s30+s3] =	stream.linear.scatter [tilespmem:s25], [sflag:$0x4], $0x80, $0x38;
	[tilespmem:$0x13D00] =	vst v63  }
0x12c: {  	s17 =	sadd.s32 $0xDA30, s6;
	s22 =	sadd.s32 $0x60, s16  }
0x12d: {  	[hbm4b:s22+s3] =	stream.linear.scatter [tilespmem:s17], [sflag:$0x4], $0x80, $0x38;
	[tilespmem:$0x13D00] =	vst v63  }
0x12e: {  	s25 =	sadd.s32 $0xDAB8, s6;
	s30 =	sadd.s32 $0x70, s16  }
0x12f: {  	[hbm4b:s30+s3] =	stream.linear.scatter [tilespmem:s25], [sflag:$0x4], $0x80, $0x38;
	[tilespmem:$0x13D00] =	vst v63  }
0x130: {  	s12 =	simm.s32 $0x3;
	_ =	swait.ge [sflag:s28], $0x4000  }
0x131: {  	v12 =	vmov s12;
	[sflag:s28] =	ssyncset.done $0x0  }
0x132: {  	v12 =	vand.u32 $0x7F, v12;
	s16 =	simm.s32 $0x7580;
	s17 =	simm.s32 $0x0;
	[sflag:s28] =	ssyncadd.s32 $0xFFFFC000  }
0x133: {  	v14 =	vadd.s32 v5, v12;
	v17 =	vmov s17;
	v13 =	vld [tilespmem:s16+$0x40]  }
0x134: {  	v16 =	vadd.s32 v9, v12;
	v17 =	vand.u32 $0x7C, v17;
	v15 =	vld [tilespmem:s16+$0x50]  }
0x135: {  	v22 =	vadd.s32 v5, v17;
	v21 =	vld [tilespmem:s16+$0xFFFFFF80]  }
0x136: {  	v19 =	vadd.s32 v10, v12;
	v18 =	vld [tilespmem:s16+$0x60]  }
0x137: {  	v12 =	vadd.s32 v11, v12;
	v20 =	vld [tilespmem:s16+$0x70]  }
0x138: {  	s22 =	simm.s32 $0x1;
	v24 =	vadd.s32 v9, v17;
	v23 =	vld [tilespmem:s16+$0xFFFFFF90];
	[tilespmem:v14+s29+$0x0] =	vst.idx.msk $0xffff, v13  }
0x139: {  	v25 =	vmov s22;
	v13 =	vld [tilespmem:s16+$0xFFFFFFA0];
	v14 =	vadd.s32 v10, v17;
	[tilespmem:v16+s29+$0x0] =	vst.idx.msk $0xffff, v15  }
0x13a: {  	v15 =	vld [tilespmem:s16+$0xFFFFFFB0];
	v16 =	vadd.s32 v11, v17;
	v17 =	vand.u32 $0x7D, v25;
	[tilespmem:v22+s29+$0x0] =	vst.idx.msk $0xffff, v21  }
0x13b: {  	[tilespmem:v19+s29+$0x0] =	vst.idx.msk $0xffff, v18;
	v18 =	vld [tilespmem:s16+$0xFFFFFFC0];
	v19 =	vadd.s32 v5, v17  }
0x13c: {  	v21 =	vadd.s32 v9, v17;
	[tilespmem:v12+s29+$0x0] =	vst.idx.msk $0xffff, v20;
	v20 =	vld [tilespmem:s16+$0xFFFFFFD0]  }
0x13d: {  	s25 =	simm.s32 $0x2;
	[tilespmem:v24+s29+$0x0] =	vst.idx.msk $0xffff, v23  }
0x13e: {  	v23 =	vld [tilespmem:s16+$0xFFFFFFE0];
	v62 =	vadd.s32 v10, v17;
	[tilespmem:v14+s29+$0x0] =	vst.idx.msk $0xffff, v13;
	v13 =	vmov s25  }
0x13f: {  	v63 =	vld [tilespmem:s16+$0xFFFFFFF0];
	v26 =	vadd.s32 v11, v17;
	[tilespmem:v16+s29+$0x0] =	vst.idx.msk $0xffff, v15;
	v15 =	vand.u32 $0x7E, v13  }
0x140: {  	v12 =	vld [tilespmem:s16+$0x0];
	[tilespmem:v19+s29+$0x0] =	vst.idx.msk $0xffff, v18;
	v19 =	vadd.s32 v5, v15  }
0x141: {  	s30 =	simm.s32 $0x7;
	v13 =	vld [tilespmem:s16+$0x10];
	[tilespmem:v21+s29+$0x0] =	vst.idx.msk $0xffff, v20;
	v20 =	vadd.s32 v9, v15  }
0x142: {  	v17 =	vmov s30;
	v14 =	vld [tilespmem:s16+$0x20];
	v16 =	vadd.s32 v10, v15  }
0x143: {  	s6 =	simm.s32 $0x7680;
	v22 =	vand.u32 $0x7F, v17;
	v17 =	vld [tilespmem:s16+$0x30];
	v21 =	vadd.s32 v11, v15;
	[tilespmem:v62+s29+$0x0] =	vst.idx.msk $0xffff, v23  }
0x144: {  	s17 =	simm.s32 $0x8;
	s16 =	simm.s32 $0x4;
	v18 =	vadd.s32 v5, v22;
	v15 =	vld [tilespmem:s6+$0x40];
	[tilespmem:v26+s29+$0x0] =	vst.idx.msk $0xffff, v63  }
.LBB2_12:
0x145: {  	p0 =	slt.u32 s17, $0x7C;
	v23 =	vld [tilespmem:s6+$0x50];
	v24 =	vadd.s32 v9, v22;
	[tilespmem:v19+s29+$0x0] =	vst.idx.msk $0xffff, v12  }
0x146: {  	v12 =	vmov s16;
	v25 =	vadd.s32 v10, v22;
	v19 =	vld [tilespmem:s6+$0x60];
	[tilespmem:v20+s29+$0x0] =	vst.idx.msk $0xffff, v13  }
0x147: {  	v12 =	vand.u32 $0x7C, v12;
	v20 =	vadd.s32 v11, v22;
	v13 =	vld [tilespmem:s6+$0x70];
	[tilespmem:v16+s29+$0x0] =	vst.idx.msk $0xffff, v14  }
0x148: {  	v16 =	vadd.s32 v5, v12;
	v14 =	vld [tilespmem:s6+$0xFFFFFF80];
	[tilespmem:v21+s29+$0x0] =	vst.idx.msk $0xffff, v17  }
0x149: {  	s9 =	sadd.s32 $0x1, s16;
	v21 =	vadd.s32 v9, v12;
	v17 =	vld [tilespmem:s6+$0xFFFFFF90];
	[tilespmem:v18+s29+$0x0] =	vst.idx.msk $0xffff, v15  }
0x14a: {  	v22 =	vmov s9;
	v18 =	vadd.s32 v10, v12;
	v15 =	vld [tilespmem:s6+$0xFFFFFFA0];
	[tilespmem:v24+s29+$0x0] =	vst.idx.msk $0xffff, v23  }
0x14b: {  	v22 =	vand.u32 $0x7D, v22;
	v12 =	vadd.s32 v11, v12;
	v23 =	vld [tilespmem:s6+$0xFFFFFFB0];
	[tilespmem:v25+s29+$0x0] =	vst.idx.msk $0xffff, v19  }
0x14c: {  	v25 =	vadd.s32 v5, v22;
	v24 =	vld [tilespmem:s6+$0xFFFFFFC0];
	[tilespmem:v20+s29+$0x0] =	vst.idx.msk $0xffff, v13  }
0x14d: {  	s9 =	sadd.s32 $0x2, s16;
	s16 =	smov.u32 s17;
	[tilespmem:v16+s29+$0x0] =	vst.idx.msk $0xffff, v14;
	v14 =	vld [tilespmem:s6+$0xFFFFFFD0];
	v16 =	vadd.s32 v9, v22  }
0x14e: {  	v13 =	vmov s9;
	[tilespmem:v21+s29+$0x0] =	vst.idx.msk $0xffff, v17;
	v17 =	vld [tilespmem:s6+$0xFFFFFFE0];
	v21 =	vadd.s32 v10, v22  }
0x14f: {  	v27 =	vadd.s32 v11, v22;
	[tilespmem:v18+s29+$0x0] =	vst.idx.msk $0xffff, v15;
	v26 =	vld [tilespmem:s6+$0xFFFFFFF0];
	v15 =	vand.u32 $0x7E, v13  }
.Ltmp5:
0x150: {  	[tilespmem:v12+s29+$0x0] =	vst.idx.msk $0xffff, v23;
	v12 =	vld [tilespmem:s6+$0x0];
	v19 =	vadd.s32 v5, v15;
	(pc) =	sbr.rel @p0 .LBB2_12-.Ltmp5, $4  }
0x151: {  	s9 =	sadd.s32 $0x3, s17;
	v20 =	vadd.s32 v9, v15;
	[tilespmem:v25+s29+$0x0] =	vst.idx.msk $0xffff, v24;
	v13 =	vld [tilespmem:s6+$0x10]  }
0x152: {  	v18 =	vmov s9;
	[tilespmem:v16+s29+$0x0] =	vst.idx.msk $0xffff, v14;
	v14 =	vld [tilespmem:s6+$0x20];
	v16 =	vadd.s32 v10, v15  }
0x153: {  	v22 =	vand.u32 $0x7F, v18;
	[tilespmem:v21+s29+$0x0] =	vst.idx.msk $0xffff, v17;
	v17 =	vld [tilespmem:s6+$0x30];
	v21 =	vadd.s32 v11, v15;
	s6 =	sadd.s32 $0x100, s6  }
0x154: {  	s17 =	sadd.s32 $0x4, s17;
	v18 =	vadd.s32 v5, v22;
	v15 =	vld [tilespmem:s6+$0x40];
	[tilespmem:v27+s29+$0x0] =	vst.idx.msk $0xffff, v26  }
0x155: {  	_ = 	snop  }
0x156: {  	v23 =	vld [tilespmem:s6+$0x50]  }
0x157: {  	v36 =	vld [tilespmem:s6+$0x60]  }
0x158: {  	v37 =	vld [tilespmem:s6+$0x70]  }
0x159: {  	v24 =	vadd.s32 v9, v22;
	[tilespmem:v19+s29+$0x0] =	vst.idx.msk $0xffff, v12;
	v39 =	vld [tilespmem:s6+$0xFFFFFF80]  }
0x15a: {  	v35 =	vmov s16;
	v25 =	vadd.s32 v10, v22;
	v41 =	vld [tilespmem:s6+$0xFFFFFF90];
	[tilespmem:v20+s29+$0x0] =	vst.idx.msk $0xffff, v13  }
0x15b: {  	v38 =	vadd.s32 v11, v22;
	s9 =	sadd.s32 $0x1, s16;
	v43 =	vld [tilespmem:s6+$0xFFFFFFA0];
	v12 =	vand.u32 $0x7C, v35;
	[tilespmem:v16+s29+$0x0] =	vst.idx.msk $0xffff, v14  }
0x15c: {  	v46 =	vld [tilespmem:s6+$0xFFFFFFB0];
	s30 =	sadd.s32 $0x2, s16;
	v45 =	vmov s9;
	v40 =	vadd.s32 v5, v12;
	[tilespmem:v21+s29+$0x0] =	vst.idx.msk $0xffff, v17  }
0x15d: {  	v47 =	vld [tilespmem:s6+$0xFFFFFFC0];
	v53 =	vmov s30;
	v42 =	vadd.s32 v9, v12;
	v22 =	vand.u32 $0x7D, v45;
	[tilespmem:v18+s29+$0x0] =	vst.idx.msk $0xffff, v15  }
0x15e: {  	v49 =	vld [tilespmem:s6+$0xFFFFFFD0];
	v20 =	vand.u32 $0x7E, v53;
	v48 =	vadd.s32 v5, v22;
	[tilespmem:v24+s29+$0x0] =	vst.idx.msk $0xffff, v23  }
0x15f: {  	v56 =	vld [tilespmem:s6+$0x0];
	v57 =	vadd.s32 v5, v20;
	[tilespmem:v25+s29+$0x0] =	vst.idx.msk $0xffff, v36  }
0x160: {  	v51 =	vld [tilespmem:s6+$0xFFFFFFE0];
	v44 =	vadd.s32 v10, v12;
	[tilespmem:v38+s29+$0x0] =	vst.idx.msk $0xffff, v37  }
0x161: {  	v54 =	vld [tilespmem:s6+$0xFFFFFFF0];
	v50 =	vadd.s32 v9, v22;
	[tilespmem:v40+s29+$0x0] =	vst.idx.msk $0xffff, v39  }
0x162: {  	v58 =	vld [tilespmem:s6+$0x10];
	v59 =	vadd.s32 v9, v20;
	[tilespmem:v42+s29+$0x0] =	vst.idx.msk $0xffff, v41  }
0x163: {  	v60 =	vld [tilespmem:s6+$0x20];
	v12 =	vadd.s32 v11, v12;
	[tilespmem:v48+s29+$0x0] =	vst.idx.msk $0xffff, v47  }
0x164: {  	v62 =	vld [tilespmem:s6+$0x30];
	v52 =	vadd.s32 v10, v22;
	[tilespmem:v57+s29+$0x0] =	vst.idx.msk $0xffff, v56  }
0x165: {  	v61 =	vadd.s32 v10, v20;
	[tilespmem:v44+s29+$0x0] =	vst.idx.msk $0xffff, v43  }
0x166: {  	v55 =	vadd.s32 v11, v22;
	[tilespmem:v50+s29+$0x0] =	vst.idx.msk $0xffff, v49  }
0x167: {  	v63 =	vadd.s32 v11, v20;
	[tilespmem:v59+s29+$0x0] =	vst.idx.msk $0xffff, v58  }
0x168: {  	[tilespmem:v12+s29+$0x0] =	vst.idx.msk $0xffff, v46  }
0x169: {  	[tilespmem:v52+s29+$0x0] =	vst.idx.msk $0xffff, v51  }
0x16a: {  	[tilespmem:v61+s29+$0x0] =	vst.idx.msk $0xffff, v60  }
0x16b: {  	[tilespmem:v55+s29+$0x0] =	vst.idx.msk $0xffff, v54  }
0x16c: {  	s9 =	simm.s32 $0x1F00;
	[tilespmem:v63+s29+$0x0] =	vst.idx.msk $0xffff, v62  }
0x16d: {  	[tilespmem:s13], [sflag:$0x2] =	stream.indirect.gather [hbm4b:s4+s18], $0x40, s9, s18, $0xb8;
	[tilespmem:$0x13D00] =	vst v63  }
0x16e: {  	s6 =	simm.s32 $0x0;
	s12 =	simm.s32 $0xF900;
	s13 =	rddreg [dreg:$0x5]  }
0x16f: {  	[hbm4b:s13+s6] =	stream.linear.scatter [tilespmem:s12], [sflag:$0x5], $0x80, $0x38;
	[tilespmem:$0x13D00] =	vst v63  }
0x170: {  	s16 =	simm.s32 $0xF988;
	s12 =	sadd.s32 $0x10, s13  }
0x171: {  	[hbm4b:s12+s6] =	stream.linear.scatter [tilespmem:s16], [sflag:$0x5], $0x80, $0x38;
	[tilespmem:$0x13D00] =	vst v63  }
0x172: {  	s17 =	simm.s32 $0xFA10;
	s25 =	simm.s32 $0xFA98;
	s22 =	sadd.s32 $0x20, s13  }
0x173: {  	[hbm4b:s22+s6] =	stream.linear.scatter [tilespmem:s17], [sflag:$0x5], $0x80, $0x38;
	[tilespmem:$0x13D00] =	vst v63  }
0x174: {  	s9 =	simm.s32 $0xFCB8;
	s30 =	sadd.s32 $0x30, s13;
	s12 =	simm.s32 $0xFB20  }
0x175: {  	[hbm4b:s30+s6] =	stream.linear.scatter [tilespmem:s25], [sflag:$0x5], $0x80, $0x38;
	[tilespmem:$0x13D00] =	vst v63  }
0x176: {  	s16 =	sadd.s32 $0x40, s13;
	s17 =	simm.s32 $0xFBA8;
	s22 =	sadd.s32 $0x50, s13  }
0x177: {  	[hbm4b:s16+s6] =	stream.linear.scatter [tilespmem:s12], [sflag:$0x5], $0x80, $0x38;
	[tilespmem:$0x13D00] =	vst v63  }
0x178: {  	s25 =	simm.s32 $0xFC30;
	s30 =	sadd.s32 $0x60, s13;
	s16 =	simm.s32 $0x440  }
0x179: {  	[hbm4b:s22+s6] =	stream.linear.scatter [tilespmem:s17], [sflag:$0x5], $0x80, $0x38;
	[tilespmem:$0x13D00] =	vst v63  }
0x17a: {  	s12 =	sadd.s32 $0x70, s13;
	s22 =	simm.s32 $0x2200;
	s17 =	sadd.s32 $0x1000, s13  }
0x17b: {  	[hbm4b:s30+s6] =	stream.linear.scatter [tilespmem:s25], [sflag:$0x5], $0x80, $0x38;
	[tilespmem:$0x13D00] =	vst v63  }
.LBB2_14:
0x17c: {  	[hbm4b:s12+s6] =	stream.linear.scatter [tilespmem:s9], [sflag:$0x5], $0x80, $0x38;
	[tilespmem:$0x13D00] =	vst v63  }
0x17d: {  	s9 =	smov.u32 s16;
	s12 =	smov.u32 s22  }
0x17e: {  	s25 =	sadd.s32 $0x1100, s22;
	s16 =	sshra.s32 s12, $0x2;
	s12 =	sadd.s32 $0xF900, s9  }
0x17f: {  	[hbm4b:s17+s6] =	stream.linear.scatter [tilespmem:s12], [sflag:$0x5], $0x80, $0x38;
	[tilespmem:$0x13D00] =	vst v63  }
0x180: {  	p0 =	sne.s32 s22, $0x7700;
	s22 =	sadd.s32 $0x10, s17;
	s12 =	sadd.s32 $0xF988, s9  }
0x181: {  	[hbm4b:s22+s6] =	stream.linear.scatter [tilespmem:s12], [sflag:$0x5], $0x80, $0x38;
	[tilespmem:$0x13D00] =	vst v63  }
0x182: {  	s12 =	sadd.s32 $0xFA10, s9;
	s22 =	sadd.s32 $0x20, s17  }
0x183: {  	[hbm4b:s22+s6] =	stream.linear.scatter [tilespmem:s12], [sflag:$0x5], $0x80, $0x38;
	[tilespmem:$0x13D00] =	vst v63  }
0x184: {  	s12 =	sadd.s32 $0xFA98, s9;
	s22 =	sadd.s32 $0x30, s17  }
0x185: {  	[hbm4b:s22+s6] =	stream.linear.scatter [tilespmem:s12], [sflag:$0x5], $0x80, $0x38;
	[tilespmem:$0x13D00] =	vst v63  }
0x186: {  	s12 =	sadd.s32 $0xFB20, s9;
	s22 =	sadd.s32 $0x40, s17  }
0x187: {  	[hbm4b:s22+s6] =	stream.linear.scatter [tilespmem:s12], [sflag:$0x5], $0x80, $0x38;
	[tilespmem:$0x13D00] =	vst v63  }
.Ltmp6:
0x188: {  	s12 =	sadd.s32 $0xFBA8, s9;
	s22 =	sadd.s32 $0x50, s17;
	(pc) =	sbr.rel @p0 .LBB2_14-.Ltmp6, $4  }
0x189: {  	[hbm4b:s22+s6] =	stream.linear.scatter [tilespmem:s12], [sflag:$0x5], $0x80, $0x38;
	[tilespmem:$0x13D00] =	vst v63  }
0x18a: {  	s12 =	sadd.s32 $0xFC30, s9;
	s22 =	sadd.s32 $0x60, s17;
	s9 =	sadd.s32 $0xFCB8, s9  }
0x18b: {  	[hbm4b:s22+s6] =	stream.linear.scatter [tilespmem:s12], [sflag:$0x5], $0x80, $0x38;
	[tilespmem:$0x13D00] =	vst v63  }
0x18c: {  	s12 =	sadd.s32 $0x70, s17;
	s17 =	sadd.s32 $0x1000, s17;
	s22 =	smov.u32 s25  }
0x18d: {  	[hbm4b:s12+s6] =	stream.linear.scatter [tilespmem:s9], [sflag:$0x5], $0x80, $0x38;
	[tilespmem:$0x13D00] =	vst v63  }
0x18e: {  	s22 =	sadd.s32 $0xF900, s16  }
0x18f: {  	[hbm4b:s17+s6] =	stream.linear.scatter [tilespmem:s22], [sflag:$0x5], $0x80, $0x38;
	[tilespmem:$0x13D00] =	vst v63  }
0x190: {  	s25 =	sadd.s32 $0xF988, s16;
	s30 =	sadd.s32 $0x10, s17  }
0x191: {  	[hbm4b:s30+s6] =	stream.linear.scatter [tilespmem:s25], [sflag:$0x5], $0x80, $0x38;
	[tilespmem:$0x13D00] =	vst v63  }
0x192: {  	s13 =	sadd.s32 $0xFA10, s16;
	s22 =	sadd.s32 $0x20, s17  }
0x193: {  	[hbm4b:s22+s6] =	stream.linear.scatter [tilespmem:s13], [sflag:$0x5], $0x80, $0x38;
	[tilespmem:$0x13D00] =	vst v63  }
0x194: {  	s25 =	sadd.s32 $0xFA98, s16;
	s30 =	sadd.s32 $0x30, s17  }
0x195: {  	[hbm4b:s30+s6] =	stream.linear.scatter [tilespmem:s25], [sflag:$0x5], $0x80, $0x38;
	[tilespmem:$0x13D00] =	vst v63  }
0x196: {  	s13 =	sadd.s32 $0xFB20, s16;
	s22 =	sadd.s32 $0x40, s17  }
0x197: {  	[hbm4b:s22+s6] =	stream.linear.scatter [tilespmem:s13], [sflag:$0x5], $0x80, $0x38;
	[tilespmem:$0x13D00] =	vst v63  }
0x198: {  	s25 =	sadd.s32 $0xFBA8, s16;
	s30 =	sadd.s32 $0x50, s17  }
0x199: {  	[hbm4b:s30+s6] =	stream.linear.scatter [tilespmem:s25], [sflag:$0x5], $0x80, $0x38;
	[tilespmem:$0x13D00] =	vst v63  }
0x19a: {  	s13 =	sadd.s32 $0xFC30, s16;
	s22 =	sadd.s32 $0x60, s17  }
0x19b: {  	[hbm4b:s22+s6] =	stream.linear.scatter [tilespmem:s13], [sflag:$0x5], $0x80, $0x38;
	[tilespmem:$0x13D00] =	vst v63  }
0x19c: {  	s13 =	simm.s32 $0x3  }
0x19d: {  	s25 =	sadd.s32 $0xFCB8, s16;
	s30 =	sadd.s32 $0x70, s17;
	s17 =	simm.s32 $0x95F0;
	v12 =	vmov s13  }
0x19e: {  	[hbm4b:s30+s6] =	stream.linear.scatter [tilespmem:s25], [sflag:$0x5], $0x80, $0x38;
	v12 =	vand.u32 $0x7F, v12;
	[tilespmem:$0x13D00] =	vst v63  }
0x19f: {  	v17 =	vmov s6;
	v13 =	vld [tilespmem:s17+$0xFFFFFFD0];
	v14 =	vadd.s32 v5, v12  }
0x1a0: {  	v17 =	vand.u32 $0x7C, v17;
	v15 =	vld [tilespmem:s17+$0xFFFFFFE0];
	v16 =	vadd.s32 v9, v12  }
0x1a1: {  	v22 =	vadd.s32 v5, v17;
	v21 =	vld [tilespmem:s17+$0xFFFFFF10]  }
0x1a2: {  	v18 =	vld [tilespmem:s17+$0xFFFFFFF0];
	v19 =	vadd.s32 v10, v12  }
0x1a3: {  	v20 =	vld [tilespmem:s17+$0x0];
	v12 =	vadd.s32 v11, v12  }
0x1a4: {  	v24 =	vadd.s32 v9, v17;
	s22 =	simm.s32 $0x1;
	v23 =	vld [tilespmem:s17+$0xFFFFFF20];
	[tilespmem:v14+s31+$0x0] =	vst.idx.msk $0xffff, v13  }
0x1a5: {  	v25 =	vmov s22;
	v13 =	vld [tilespmem:s17+$0xFFFFFF30];
	v14 =	vadd.s32 v10, v17;
	[tilespmem:v16+s31+$0x0] =	vst.idx.msk $0xffff, v15  }
0x1a6: {  	v15 =	vld [tilespmem:s17+$0xFFFFFF40];
	v16 =	vadd.s32 v11, v17;
	v17 =	vand.u32 $0x7D, v25;
	[tilespmem:v22+s31+$0x0] =	vst.idx.msk $0xffff, v21  }
0x1a7: {  	[tilespmem:v19+s31+$0x0] =	vst.idx.msk $0xffff, v18;
	v18 =	vld [tilespmem:s17+$0xFFFFFF50];
	v19 =	vadd.s32 v5, v17  }
0x1a8: {  	v21 =	vadd.s32 v9, v17;
	[tilespmem:v12+s31+$0x0] =	vst.idx.msk $0xffff, v20;
	v20 =	vld [tilespmem:s17+$0xFFFFFF60]  }
0x1a9: {  	s25 =	simm.s32 $0x2;
	[tilespmem:v24+s31+$0x0] =	vst.idx.msk $0xffff, v23  }
0x1aa: {  	v23 =	vld [tilespmem:s17+$0xFFFFFF70];
	v62 =	vadd.s32 v10, v17;
	[tilespmem:v14+s31+$0x0] =	vst.idx.msk $0xffff, v13;
	v13 =	vmov s25  }
0x1ab: {  	v63 =	vld [tilespmem:s17+$0xFFFFFF80];
	v26 =	vadd.s32 v11, v17;
	[tilespmem:v16+s31+$0x0] =	vst.idx.msk $0xffff, v15;
	v15 =	vand.u32 $0x7E, v13  }
0x1ac: {  	v12 =	vld [tilespmem:s17+$0xFFFFFF90];
	[tilespmem:v19+s31+$0x0] =	vst.idx.msk $0xffff, v18;
	v19 =	vadd.s32 v5, v15  }
0x1ad: {  	s30 =	simm.s32 $0x7;
	v13 =	vld [tilespmem:s17+$0xFFFFFFA0];
	[tilespmem:v21+s31+$0x0] =	vst.idx.msk $0xffff, v20;
	v20 =	vadd.s32 v9, v15  }
0x1ae: {  	v17 =	vmov s30;
	v14 =	vld [tilespmem:s17+$0xFFFFFFB0];
	v16 =	vadd.s32 v10, v15  }
0x1af: {  	s6 =	simm.s32 $0x96F0;
	v22 =	vand.u32 $0x7F, v17;
	v17 =	vld [tilespmem:s17+$0xFFFFFFC0];
	v21 =	vadd.s32 v11, v15;
	[tilespmem:v62+s31+$0x0] =	vst.idx.msk $0xffff, v23  }
0x1b0: {  	s16 =	simm.s32 $0x4;
	s17 =	simm.s32 $0x8;
	v18 =	vadd.s32 v5, v22;
	v15 =	vld [tilespmem:s6+$0xFFFFFFD0];
	[tilespmem:v26+s31+$0x0] =	vst.idx.msk $0xffff, v63  }
.LBB2_16:
0x1b1: {  	p0 =	slt.u32 s17, $0x7C;
	v23 =	vld [tilespmem:s6+$0xFFFFFFE0];
	v24 =	vadd.s32 v9, v22;
	[tilespmem:v19+s31+$0x0] =	vst.idx.msk $0xffff, v12  }
0x1b2: {  	v12 =	vmov s16;
	v25 =	vadd.s32 v10, v22;
	v19 =	vld [tilespmem:s6+$0xFFFFFFF0];
	[tilespmem:v20+s31+$0x0] =	vst.idx.msk $0xffff, v13  }
0x1b3: {  	v12 =	vand.u32 $0x7C, v12;
	v20 =	vadd.s32 v11, v22;
	v13 =	vld [tilespmem:s6+$0x0];
	[tilespmem:v16+s31+$0x0] =	vst.idx.msk $0xffff, v14  }
0x1b4: {  	v16 =	vadd.s32 v5, v12;
	v14 =	vld [tilespmem:s6+$0xFFFFFF10];
	[tilespmem:v21+s31+$0x0] =	vst.idx.msk $0xffff, v17  }
0x1b5: {  	s9 =	sadd.s32 $0x1, s16;
	v21 =	vadd.s32 v9, v12;
	v17 =	vld [tilespmem:s6+$0xFFFFFF20];
	[tilespmem:v18+s31+$0x0] =	vst.idx.msk $0xffff, v15  }
0x1b6: {  	v22 =	vmov s9;
	v18 =	vadd.s32 v10, v12;
	v15 =	vld [tilespmem:s6+$0xFFFFFF30];
	[tilespmem:v24+s31+$0x0] =	vst.idx.msk $0xffff, v23  }
0x1b7: {  	v22 =	vand.u32 $0x7D, v22;
	v12 =	vadd.s32 v11, v12;
	v23 =	vld [tilespmem:s6+$0xFFFFFF40];
	[tilespmem:v25+s31+$0x0] =	vst.idx.msk $0xffff, v19  }
0x1b8: {  	v25 =	vadd.s32 v5, v22;
	v24 =	vld [tilespmem:s6+$0xFFFFFF50];
	[tilespmem:v20+s31+$0x0] =	vst.idx.msk $0xffff, v13  }
0x1b9: {  	s9 =	sadd.s32 $0x2, s16;
	s16 =	smov.u32 s17;
	[tilespmem:v16+s31+$0x0] =	vst.idx.msk $0xffff, v14;
	v14 =	vld [tilespmem:s6+$0xFFFFFF60];
	v16 =	vadd.s32 v9, v22  }
0x1ba: {  	v13 =	vmov s9;
	[tilespmem:v21+s31+$0x0] =	vst.idx.msk $0xffff, v17;
	v17 =	vld [tilespmem:s6+$0xFFFFFF70];
	v21 =	vadd.s32 v10, v22  }
0x1bb: {  	v27 =	vadd.s32 v11, v22;
	[tilespmem:v18+s31+$0x0] =	vst.idx.msk $0xffff, v15;
	v26 =	vld [tilespmem:s6+$0xFFFFFF80];
	v15 =	vand.u32 $0x7E, v13  }
.Ltmp7:
0x1bc: {  	[tilespmem:v12+s31+$0x0] =	vst.idx.msk $0xffff, v23;
	v12 =	vld [tilespmem:s6+$0xFFFFFF90];
	v19 =	vadd.s32 v5, v15;
	(pc) =	sbr.rel @p0 .LBB2_16-.Ltmp7, $4  }
0x1bd: {  	s9 =	sadd.s32 $0x3, s17;
	v20 =	vadd.s32 v9, v15;
	[tilespmem:v25+s31+$0x0] =	vst.idx.msk $0xffff, v24;
	v13 =	vld [tilespmem:s6+$0xFFFFFFA0]  }
0x1be: {  	v18 =	vmov s9;
	[tilespmem:v16+s31+$0x0] =	vst.idx.msk $0xffff, v14;
	v14 =	vld [tilespmem:s6+$0xFFFFFFB0];
	v16 =	vadd.s32 v10, v15  }
0x1bf: {  	v22 =	vand.u32 $0x7F, v18;
	[tilespmem:v21+s31+$0x0] =	vst.idx.msk $0xffff, v17;
	v17 =	vld [tilespmem:s6+$0xFFFFFFC0];
	v21 =	vadd.s32 v11, v15;
	s6 =	sadd.s32 $0x100, s6  }
0x1c0: {  	s17 =	sadd.s32 $0x4, s17;
	v18 =	vadd.s32 v5, v22;
	v15 =	vld [tilespmem:s6+$0xFFFFFFD0];
	[tilespmem:v27+s31+$0x0] =	vst.idx.msk $0xffff, v26  }
0x1c1: {  	_ = 	snop  }
0x1c2: {  	v23 =	vld [tilespmem:s6+$0xFFFFFFE0]  }
0x1c3: {  	v36 =	vld [tilespmem:s6+$0xFFFFFFF0]  }
0x1c4: {  	v37 =	vld [tilespmem:s6+$0x0]  }
0x1c5: {  	v24 =	vadd.s32 v9, v22;
	[tilespmem:v19+s31+$0x0] =	vst.idx.msk $0xffff, v12;
	v39 =	vld [tilespmem:s6+$0xFFFFFF10]  }
0x1c6: {  	v35 =	vmov s16;
	v25 =	vadd.s32 v10, v22;
	v41 =	vld [tilespmem:s6+$0xFFFFFF20];
	[tilespmem:v20+s31+$0x0] =	vst.idx.msk $0xffff, v13  }
0x1c7: {  	v38 =	vadd.s32 v11, v22;
	s9 =	sadd.s32 $0x1, s16;
	v43 =	vld [tilespmem:s6+$0xFFFFFF30];
	v12 =	vand.u32 $0x7C, v35;
	[tilespmem:v16+s31+$0x0] =	vst.idx.msk $0xffff, v14  }
0x1c8: {  	v46 =	vld [tilespmem:s6+$0xFFFFFF40];
	s30 =	sadd.s32 $0x2, s16;
	v45 =	vmov s9;
	v40 =	vadd.s32 v5, v12;
	[tilespmem:v21+s31+$0x0] =	vst.idx.msk $0xffff, v17  }
0x1c9: {  	v47 =	vld [tilespmem:s6+$0xFFFFFF50];
	v53 =	vmov s30;
	v42 =	vadd.s32 v9, v12;
	v22 =	vand.u32 $0x7D, v45;
	[tilespmem:v18+s31+$0x0] =	vst.idx.msk $0xffff, v15  }
0x1ca: {  	v49 =	vld [tilespmem:s6+$0xFFFFFF60];
	v20 =	vand.u32 $0x7E, v53;
	v48 =	vadd.s32 v5, v22;
	[tilespmem:v24+s31+$0x0] =	vst.idx.msk $0xffff, v23  }
0x1cb: {  	v56 =	vld [tilespmem:s6+$0xFFFFFF90];
	v57 =	vadd.s32 v5, v20;
	[tilespmem:v25+s31+$0x0] =	vst.idx.msk $0xffff, v36  }
0x1cc: {  	v51 =	vld [tilespmem:s6+$0xFFFFFF70];
	v44 =	vadd.s32 v10, v12;
	[tilespmem:v38+s31+$0x0] =	vst.idx.msk $0xffff, v37  }
0x1cd: {  	v54 =	vld [tilespmem:s6+$0xFFFFFF80];
	v50 =	vadd.s32 v9, v22;
	[tilespmem:v40+s31+$0x0] =	vst.idx.msk $0xffff, v39  }
0x1ce: {  	v58 =	vld [tilespmem:s6+$0xFFFFFFA0];
	v59 =	vadd.s32 v9, v20;
	[tilespmem:v42+s31+$0x0] =	vst.idx.msk $0xffff, v41  }
0x1cf: {  	v60 =	vld [tilespmem:s6+$0xFFFFFFB0];
	v12 =	vadd.s32 v11, v12;
	[tilespmem:v48+s31+$0x0] =	vst.idx.msk $0xffff, v47  }
0x1d0: {  	v62 =	vld [tilespmem:s6+$0xFFFFFFC0];
	v52 =	vadd.s32 v10, v22;
	[tilespmem:v57+s31+$0x0] =	vst.idx.msk $0xffff, v56  }
0x1d1: {  	v61 =	vadd.s32 v10, v20;
	[tilespmem:v44+s31+$0x0] =	vst.idx.msk $0xffff, v43  }
0x1d2: {  	v55 =	vadd.s32 v11, v22;
	[tilespmem:v50+s31+$0x0] =	vst.idx.msk $0xffff, v49  }
0x1d3: {  	v63 =	vadd.s32 v11, v20;
	[tilespmem:v59+s31+$0x0] =	vst.idx.msk $0xffff, v58  }
0x1d4: {  	[tilespmem:v12+s31+$0x0] =	vst.idx.msk $0xffff, v46  }
0x1d5: {  	[tilespmem:v52+s31+$0x0] =	vst.idx.msk $0xffff, v51  }
0x1d6: {  	[tilespmem:v61+s31+$0x0] =	vst.idx.msk $0xffff, v60  }
0x1d7: {  	[tilespmem:v55+s31+$0x0] =	vst.idx.msk $0xffff, v54  }
0x1d8: {  	[tilespmem:v63+s31+$0x0] =	vst.idx.msk $0xffff, v62  }
0x1d9: {  	s9 =	simm.s32 $0x11B00;
	s13 =	rddreg [dreg:$0x6]  }
0x1da: {  	[hbm4b:s13+s3] =	stream.linear.scatter [tilespmem:s9], [sflag:$0x6], $0x80, $0x38;
	[tilespmem:$0x13D00] =	vst v63  }
0x1db: {  	s12 =	simm.s32 $0x11B88;
	s16 =	sadd.s32 $0x10, s13  }
0x1dc: {  	[hbm4b:s16+s3] =	stream.linear.scatter [tilespmem:s12], [sflag:$0x6], $0x80, $0x38;
	[tilespmem:$0x13D00] =	vst v63  }
0x1dd: {  	s17 =	simm.s32 $0x11C10;
	s25 =	simm.s32 $0x11C98;
	s22 =	sadd.s32 $0x20, s13  }
0x1de: {  	[hbm4b:s22+s3] =	stream.linear.scatter [tilespmem:s17], [sflag:$0x6], $0x80, $0x38;
	[tilespmem:$0x13D00] =	vst v63  }
0x1df: {  	s6 =	simm.s32 $0x440;
	s30 =	sadd.s32 $0x30, s13;
	s9 =	simm.s32 $0x11EB8  }
0x1e0: {  	[hbm4b:s30+s3] =	stream.linear.scatter [tilespmem:s25], [sflag:$0x6], $0x80, $0x38;
	[tilespmem:$0x13D00] =	vst v63  }
0x1e1: {  	s12 =	simm.s32 $0x11D20;
	s16 =	sadd.s32 $0x40, s13;
	s17 =	simm.s32 $0x11DA8  }
0x1e2: {  	[hbm4b:s16+s3] =	stream.linear.scatter [tilespmem:s12], [sflag:$0x6], $0x80, $0x38;
	[tilespmem:$0x13D00] =	vst v63  }
0x1e3: {  	s22 =	sadd.s32 $0x50, s13;
	s25 =	simm.s32 $0x11E30;
	s30 =	sadd.s32 $0x60, s13  }
0x1e4: {  	[hbm4b:s22+s3] =	stream.linear.scatter [tilespmem:s17], [sflag:$0x6], $0x80, $0x38;
	[tilespmem:$0x13D00] =	vst v63  }
0x1e5: {  	s12 =	sadd.s32 $0x70, s13;
	s16 =	sadd.s32 $0x1000, s13;
	s17 =	simm.s32 $0x2200  }
0x1e6: {  	[hbm4b:s30+s3] =	stream.linear.scatter [tilespmem:s25], [sflag:$0x6], $0x80, $0x38;
	[tilespmem:$0x13D00] =	vst v63  }
.LBB2_18:
0x1e7: {  	[hbm4b:s12+s3] =	stream.linear.scatter [tilespmem:s9], [sflag:$0x6], $0x80, $0x38;
	[tilespmem:$0x13D00] =	vst v63  }
0x1e8: {  	s9 =	smov.u32 s6;
	s6 =	smov.u32 s17  }
0x1e9: {  	s22 =	sadd.s32 $0x1100, s17;
	s6 =	sshra.s32 s6, $0x2;
	s12 =	sadd.s32 $0x11B00, s9  }
0x1ea: {  	[hbm4b:s16+s3] =	stream.linear.scatter [tilespmem:s12], [sflag:$0x6], $0x80, $0x38;
	[tilespmem:$0x13D00] =	vst v63  }
0x1eb: {  	p0 =	sne.s32 s17, $0x7700;
	s17 =	sadd.s32 $0x10, s16;
	s12 =	sadd.s32 $0x11B88, s9  }
0x1ec: {  	[hbm4b:s17+s3] =	stream.linear.scatter [tilespmem:s12], [sflag:$0x6], $0x80, $0x38;
	[tilespmem:$0x13D00] =	vst v63  }
0x1ed: {  	s12 =	sadd.s32 $0x11C10, s9;
	s17 =	sadd.s32 $0x20, s16  }
0x1ee: {  	[hbm4b:s17+s3] =	stream.linear.scatter [tilespmem:s12], [sflag:$0x6], $0x80, $0x38;
	[tilespmem:$0x13D00] =	vst v63  }
0x1ef: {  	s12 =	sadd.s32 $0x11C98, s9;
	s17 =	sadd.s32 $0x30, s16  }
0x1f0: {  	[hbm4b:s17+s3] =	stream.linear.scatter [tilespmem:s12], [sflag:$0x6], $0x80, $0x38;
	[tilespmem:$0x13D00] =	vst v63  }
0x1f1: {  	s12 =	sadd.s32 $0x11D20, s9;
	s17 =	sadd.s32 $0x40, s16  }
0x1f2: {  	[hbm4b:s17+s3] =	stream.linear.scatter [tilespmem:s12], [sflag:$0x6], $0x80, $0x38;
	[tilespmem:$0x13D00] =	vst v63  }
.Ltmp8:
0x1f3: {  	s12 =	sadd.s32 $0x11DA8, s9;
	s17 =	sadd.s32 $0x50, s16;
	(pc) =	sbr.rel @p0 .LBB2_18-.Ltmp8, $4  }
0x1f4: {  	[hbm4b:s17+s3] =	stream.linear.scatter [tilespmem:s12], [sflag:$0x6], $0x80, $0x38;
	[tilespmem:$0x13D00] =	vst v63  }
0x1f5: {  	s12 =	sadd.s32 $0x11E30, s9;
	s17 =	sadd.s32 $0x60, s16;
	s9 =	sadd.s32 $0x11EB8, s9  }
0x1f6: {  	[hbm4b:s17+s3] =	stream.linear.scatter [tilespmem:s12], [sflag:$0x6], $0x80, $0x38;
	[tilespmem:$0x13D00] =	vst v63  }
0x1f7: {  	s12 =	sadd.s32 $0x70, s16;
	s16 =	sadd.s32 $0x1000, s16;
	s17 =	smov.u32 s22  }
0x1f8: {  	[hbm4b:s12+s3] =	stream.linear.scatter [tilespmem:s9], [sflag:$0x6], $0x80, $0x38;
	[tilespmem:$0x13D00] =	vst v63  }
0x1f9: {  	s17 =	sadd.s32 $0x11B00, s6  }
0x1fa: {  	[hbm4b:s16+s3] =	stream.linear.scatter [tilespmem:s17], [sflag:$0x6], $0x80, $0x38;
	[tilespmem:$0x13D00] =	vst v63  }
0x1fb: {  	s22 =	sadd.s32 $0x11B88, s6;
	s25 =	sadd.s32 $0x10, s16  }
0x1fc: {  	[hbm4b:s25+s3] =	stream.linear.scatter [tilespmem:s22], [sflag:$0x6], $0x80, $0x38;
	[tilespmem:$0x13D00] =	vst v63  }
0x1fd: {  	s13 =	sadd.s32 $0x11C10, s6;
	s17 =	sadd.s32 $0x20, s16  }
0x1fe: {  	[hbm4b:s17+s3] =	stream.linear.scatter [tilespmem:s13], [sflag:$0x6], $0x80, $0x38;
	[tilespmem:$0x13D00] =	vst v63  }
0x1ff: {  	s22 =	sadd.s32 $0x11C98, s6;
	s25 =	sadd.s32 $0x30, s16  }
0x200: {  	[hbm4b:s25+s3] =	stream.linear.scatter [tilespmem:s22], [sflag:$0x6], $0x80, $0x38;
	[tilespmem:$0x13D00] =	vst v63  }
0x201: {  	s13 =	sadd.s32 $0x11D20, s6;
	s17 =	sadd.s32 $0x40, s16  }
0x202: {  	[hbm4b:s17+s3] =	stream.linear.scatter [tilespmem:s13], [sflag:$0x6], $0x80, $0x38;
	[tilespmem:$0x13D00] =	vst v63  }
0x203: {  	s22 =	sadd.s32 $0x11DA8, s6;
	s25 =	sadd.s32 $0x50, s16  }
0x204: {  	[hbm4b:s25+s3] =	stream.linear.scatter [tilespmem:s22], [sflag:$0x6], $0x80, $0x38;
	[tilespmem:$0x13D00] =	vst v63  }
0x205: {  	s13 =	sadd.s32 $0x11E30, s6;
	s17 =	sadd.s32 $0x60, s16  }
0x206: {  	[hbm4b:s17+s3] =	stream.linear.scatter [tilespmem:s13], [sflag:$0x6], $0x80, $0x38;
	[tilespmem:$0x13D00] =	vst v63  }
0x207: {  	s30 =	simm.s32 $0x1;
	s22 =	sadd.s32 $0x11EB8, s6;
	s25 =	sadd.s32 $0x70, s16  }
0x208: {  	[hbm4b:s25+s3] =	stream.linear.scatter [tilespmem:s22], [sflag:$0x6], $0x80, $0x38;
	[tilespmem:$0x13D00] =	vst v63  }
.LBB2_20:
0x209: {  	_ =	swait.ge [sflag:s23], $0x4000  }
0x20a: {  	[sflag:s23] =	ssyncset.done $0x0  }
0x20b: {  	[sflag:s23] =	ssyncadd.s32 $0xFFFFC000  }
0x20c: {  	s6 =	simm.s32 $0x3;
	_ =	swait.ge [sflag:s1], $0x2000  }
0x20d: {  	v12 =	vmov s6;
	[sflag:s1] =	ssyncset.done $0x0  }
0x20e: {  	s16 =	simm.s32 $0x3580;
	s9 =	simm.s32 $0x0;
	v12 =	vand.u32 $0x7F, v12;
	[sflag:s1] =	ssyncadd.s32 $0xFFFFE000  }
0x20f: {  	v17 =	vmov s9;
	v14 =	vadd.s32 v5, v12;
	v13 =	vld [tilespmem:s16+$0x40]  }
0x210: {  	v17 =	vand.u32 $0x7C, v17;
	v16 =	vadd.s32 v9, v12;
	v15 =	vld [tilespmem:s16+$0x50]  }
0x211: {  	v22 =	vadd.s32 v5, v17;
	v21 =	vld [tilespmem:s16+$0xFFFFFF80]  }
0x212: {  	v19 =	vadd.s32 v10, v12;
	v18 =	vld [tilespmem:s16+$0x60]  }
0x213: {  	v12 =	vadd.s32 v11, v12;
	v20 =	vld [tilespmem:s16+$0x70]  }
0x214: {  	s17 =	simm.s32 $0x1;
	v24 =	vadd.s32 v9, v17;
	v23 =	vld [tilespmem:s16+$0xFFFFFF90];
	[tilespmem:v14+s24+$0x0] =	vst.idx.msk $0xffff, v13  }
0x215: {  	v25 =	vmov s17;
	v13 =	vld [tilespmem:s16+$0xFFFFFFA0];
	v14 =	vadd.s32 v10, v17;
	[tilespmem:v16+s24+$0x0] =	vst.idx.msk $0xffff, v15  }
0x216: {  	v15 =	vld [tilespmem:s16+$0xFFFFFFB0];
	v16 =	vadd.s32 v11, v17;
	v17 =	vand.u32 $0x7D, v25;
	[tilespmem:v22+s24+$0x0] =	vst.idx.msk $0xffff, v21  }
0x217: {  	[tilespmem:v19+s24+$0x0] =	vst.idx.msk $0xffff, v18;
	v18 =	vld [tilespmem:s16+$0xFFFFFFC0];
	v19 =	vadd.s32 v5, v17  }
0x218: {  	v21 =	vadd.s32 v9, v17;
	[tilespmem:v12+s24+$0x0] =	vst.idx.msk $0xffff, v20;
	v20 =	vld [tilespmem:s16+$0xFFFFFFD0]  }
0x219: {  	s22 =	simm.s32 $0x2;
	[tilespmem:v24+s24+$0x0] =	vst.idx.msk $0xffff, v23  }
0x21a: {  	v23 =	vld [tilespmem:s16+$0xFFFFFFE0];
	v62 =	vadd.s32 v10, v17;
	[tilespmem:v14+s24+$0x0] =	vst.idx.msk $0xffff, v13;
	v13 =	vmov s22  }
0x21b: {  	v63 =	vld [tilespmem:s16+$0xFFFFFFF0];
	v26 =	vadd.s32 v11, v17;
	[tilespmem:v16+s24+$0x0] =	vst.idx.msk $0xffff, v15;
	v15 =	vand.u32 $0x7E, v13  }
0x21c: {  	v12 =	vld [tilespmem:s16+$0x0];
	[tilespmem:v19+s24+$0x0] =	vst.idx.msk $0xffff, v18;
	v19 =	vadd.s32 v5, v15  }
0x21d: {  	s25 =	simm.s32 $0x7;
	v13 =	vld [tilespmem:s16+$0x10];
	[tilespmem:v21+s24+$0x0] =	vst.idx.msk $0xffff, v20;
	v20 =	vadd.s32 v9, v15  }
0x21e: {  	v17 =	vmov s25;
	v14 =	vld [tilespmem:s16+$0x20];
	v16 =	vadd.s32 v10, v15  }
0x21f: {  	s6 =	simm.s32 $0x3680;
	v22 =	vand.u32 $0x7F, v17;
	v17 =	vld [tilespmem:s16+$0x30];
	v21 =	vadd.s32 v11, v15;
	[tilespmem:v62+s24+$0x0] =	vst.idx.msk $0xffff, v23  }
0x220: {  	s17 =	simm.s32 $0x8;
	s16 =	simm.s32 $0x4;
	v18 =	vadd.s32 v5, v22;
	v15 =	vld [tilespmem:s6+$0x40];
	[tilespmem:v26+s24+$0x0] =	vst.idx.msk $0xffff, v63  }
.LBB2_21:
0x221: {  	p0 =	slt.u32 s17, $0x7C;
	v23 =	vld [tilespmem:s6+$0x50];
	v24 =	vadd.s32 v9, v22;
	[tilespmem:v19+s24+$0x0] =	vst.idx.msk $0xffff, v12  }
0x222: {  	v12 =	vmov s16;
	v25 =	vadd.s32 v10, v22;
	v19 =	vld [tilespmem:s6+$0x60];
	[tilespmem:v20+s24+$0x0] =	vst.idx.msk $0xffff, v13  }
0x223: {  	v12 =	vand.u32 $0x7C, v12;
	v20 =	vadd.s32 v11, v22;
	v13 =	vld [tilespmem:s6+$0x70];
	[tilespmem:v16+s24+$0x0] =	vst.idx.msk $0xffff, v14  }
0x224: {  	v16 =	vadd.s32 v5, v12;
	v14 =	vld [tilespmem:s6+$0xFFFFFF80];
	[tilespmem:v21+s24+$0x0] =	vst.idx.msk $0xffff, v17  }
0x225: {  	s9 =	sadd.s32 $0x1, s16;
	v21 =	vadd.s32 v9, v12;
	v17 =	vld [tilespmem:s6+$0xFFFFFF90];
	[tilespmem:v18+s24+$0x0] =	vst.idx.msk $0xffff, v15  }
0x226: {  	v22 =	vmov s9;
	v18 =	vadd.s32 v10, v12;
	v15 =	vld [tilespmem:s6+$0xFFFFFFA0];
	[tilespmem:v24+s24+$0x0] =	vst.idx.msk $0xffff, v23  }
0x227: {  	v22 =	vand.u32 $0x7D, v22;
	v12 =	vadd.s32 v11, v12;
	v23 =	vld [tilespmem:s6+$0xFFFFFFB0];
	[tilespmem:v25+s24+$0x0] =	vst.idx.msk $0xffff, v19  }
0x228: {  	v25 =	vadd.s32 v5, v22;
	v24 =	vld [tilespmem:s6+$0xFFFFFFC0];
	[tilespmem:v20+s24+$0x0] =	vst.idx.msk $0xffff, v13  }
0x229: {  	s9 =	sadd.s32 $0x2, s16;
	s16 =	smov.u32 s17;
	[tilespmem:v16+s24+$0x0] =	vst.idx.msk $0xffff, v14;
	v14 =	vld [tilespmem:s6+$0xFFFFFFD0];
	v16 =	vadd.s32 v9, v22  }
0x22a: {  	v13 =	vmov s9;
	[tilespmem:v21+s24+$0x0] =	vst.idx.msk $0xffff, v17;
	v17 =	vld [tilespmem:s6+$0xFFFFFFE0];
	v21 =	vadd.s32 v10, v22  }
0x22b: {  	v27 =	vadd.s32 v11, v22;
	[tilespmem:v18+s24+$0x0] =	vst.idx.msk $0xffff, v15;
	v26 =	vld [tilespmem:s6+$0xFFFFFFF0];
	v15 =	vand.u32 $0x7E, v13  }
.Ltmp9:
0x22c: {  	[tilespmem:v12+s24+$0x0] =	vst.idx.msk $0xffff, v23;
	v12 =	vld [tilespmem:s6+$0x0];
	v19 =	vadd.s32 v5, v15;
	(pc) =	sbr.rel @p0 .LBB2_21-.Ltmp9, $4  }
0x22d: {  	s9 =	sadd.s32 $0x3, s17;
	v20 =	vadd.s32 v9, v15;
	[tilespmem:v25+s24+$0x0] =	vst.idx.msk $0xffff, v24;
	v13 =	vld [tilespmem:s6+$0x10]  }
0x22e: {  	v18 =	vmov s9;
	[tilespmem:v16+s24+$0x0] =	vst.idx.msk $0xffff, v14;
	v14 =	vld [tilespmem:s6+$0x20];
	v16 =	vadd.s32 v10, v15  }
0x22f: {  	v22 =	vand.u32 $0x7F, v18;
	[tilespmem:v21+s24+$0x0] =	vst.idx.msk $0xffff, v17;
	v17 =	vld [tilespmem:s6+$0x30];
	v21 =	vadd.s32 v11, v15;
	s6 =	sadd.s32 $0x100, s6  }
0x230: {  	s17 =	sadd.s32 $0x4, s17;
	v18 =	vadd.s32 v5, v22;
	v15 =	vld [tilespmem:s6+$0x40];
	[tilespmem:v27+s24+$0x0] =	vst.idx.msk $0xffff, v26  }
0x231: {  	_ = 	snop  }
0x232: {  	v23 =	vld [tilespmem:s6+$0x50]  }
0x233: {  	v36 =	vld [tilespmem:s6+$0x60]  }
0x234: {  	v37 =	vld [tilespmem:s6+$0x70]  }
0x235: {  	v24 =	vadd.s32 v9, v22;
	[tilespmem:v19+s24+$0x0] =	vst.idx.msk $0xffff, v12;
	v39 =	vld [tilespmem:s6+$0xFFFFFF80]  }
0x236: {  	v35 =	vmov s16;
	v25 =	vadd.s32 v10, v22;
	v41 =	vld [tilespmem:s6+$0xFFFFFF90];
	[tilespmem:v20+s24+$0x0] =	vst.idx.msk $0xffff, v13  }
0x237: {  	v38 =	vadd.s32 v11, v22;
	s9 =	sadd.s32 $0x1, s16;
	v43 =	vld [tilespmem:s6+$0xFFFFFFA0];
	v12 =	vand.u32 $0x7C, v35;
	[tilespmem:v16+s24+$0x0] =	vst.idx.msk $0xffff, v14  }
0x238: {  	v46 =	vld [tilespmem:s6+$0xFFFFFFB0];
	s16 =	sadd.s32 $0x2, s16;
	v45 =	vmov s9;
	v40 =	vadd.s32 v5, v12;
	[tilespmem:v21+s24+$0x0] =	vst.idx.msk $0xffff, v17  }
0x239: {  	v47 =	vld [tilespmem:s6+$0xFFFFFFC0];
	v53 =	vmov s16;
	v42 =	vadd.s32 v9, v12;
	v22 =	vand.u32 $0x7D, v45;
	[tilespmem:v18+s24+$0x0] =	vst.idx.msk $0xffff, v15  }
0x23a: {  	v49 =	vld [tilespmem:s6+$0xFFFFFFD0];
	v20 =	vand.u32 $0x7E, v53;
	v48 =	vadd.s32 v5, v22;
	[tilespmem:v24+s24+$0x0] =	vst.idx.msk $0xffff, v23  }
0x23b: {  	v56 =	vld [tilespmem:s6+$0x0];
	v57 =	vadd.s32 v5, v20;
	[tilespmem:v25+s24+$0x0] =	vst.idx.msk $0xffff, v36  }
0x23c: {  	v51 =	vld [tilespmem:s6+$0xFFFFFFE0];
	v44 =	vadd.s32 v10, v12;
	[tilespmem:v38+s24+$0x0] =	vst.idx.msk $0xffff, v37  }
0x23d: {  	v54 =	vld [tilespmem:s6+$0xFFFFFFF0];
	v50 =	vadd.s32 v9, v22;
	[tilespmem:v40+s24+$0x0] =	vst.idx.msk $0xffff, v39  }
0x23e: {  	v58 =	vld [tilespmem:s6+$0x10];
	v59 =	vadd.s32 v9, v20;
	[tilespmem:v42+s24+$0x0] =	vst.idx.msk $0xffff, v41  }
0x23f: {  	v60 =	vld [tilespmem:s6+$0x20];
	v12 =	vadd.s32 v11, v12;
	[tilespmem:v48+s24+$0x0] =	vst.idx.msk $0xffff, v47  }
0x240: {  	v62 =	vld [tilespmem:s6+$0x30];
	v52 =	vadd.s32 v10, v22;
	[tilespmem:v57+s24+$0x0] =	vst.idx.msk $0xffff, v56  }
0x241: {  	v61 =	vadd.s32 v10, v20;
	[tilespmem:v44+s24+$0x0] =	vst.idx.msk $0xffff, v43  }
0x242: {  	v55 =	vadd.s32 v11, v22;
	[tilespmem:v50+s24+$0x0] =	vst.idx.msk $0xffff, v49  }
0x243: {  	v63 =	vadd.s32 v11, v20;
	[tilespmem:v59+s24+$0x0] =	vst.idx.msk $0xffff, v58  }
0x244: {  	[tilespmem:v12+s24+$0x0] =	vst.idx.msk $0xffff, v46  }
0x245: {  	[tilespmem:v52+s24+$0x0] =	vst.idx.msk $0xffff, v51  }
0x246: {  	s17 =	sshll.u32 s30, $0x9;
	[tilespmem:v61+s24+$0x0] =	vst.idx.msk $0xffff, v60  }
0x247: {  	s6 =	sand.u32 $0x3FFFFE00, s17;
	[tilespmem:v55+s24+$0x0] =	vst.idx.msk $0xffff, v54  }
0x248: {  	s25 =	sshll.u32 s30, $0x11;
	s22 =	sadd.s32 $0x1E00, s6;
	[tilespmem:v63+s24+$0x0] =	vst.idx.msk $0xffff, v62  }
0x249: {  	[tilespmem:s20], [sflag:$0x1] =	stream.indirect.gather [hbm4b:s4+s18], $0x40, s22, s18, $0xb8;
	[tilespmem:$0x13D00] =	vst v63  }
0x24a: {  	s22 =	sor.u32 s5, s25  }
0x24b: {  	s12 =	simm.s32 $0xB500;
	s17 =	sadd.s32 s2, s22  }
0x24c: {  	[hbm4b:s17+s3] =	stream.linear.scatter [tilespmem:s12], [sflag:$0x3], $0x80, $0x38;
	[tilespmem:$0x13D00] =	vst v63  }
0x24d: {  	s13 =	simm.s32 $0xB588;
	s12 =	sadd.s32 $0x10, s17  }
0x24e: {  	[hbm4b:s12+s3] =	stream.linear.scatter [tilespmem:s13], [sflag:$0x3], $0x80, $0x38;
	[tilespmem:$0x13D00] =	vst v63  }
0x24f: {  	s16 =	simm.s32 $0xB610;
	s25 =	sadd.s32 $0x20, s17  }
0x250: {  	[hbm4b:s25+s3] =	stream.linear.scatter [tilespmem:s16], [sflag:$0x3], $0x80, $0x38;
	[tilespmem:$0x13D00] =	vst v63  }
0x251: {  	s12 =	simm.s32 $0xB698;
	s13 =	sadd.s32 $0x30, s17  }
0x252: {  	[hbm4b:s13+s3] =	stream.linear.scatter [tilespmem:s12], [sflag:$0x3], $0x80, $0x38;
	[tilespmem:$0x13D00] =	vst v63  }
0x253: {  	s16 =	simm.s32 $0xB720;
	s25 =	sadd.s32 $0x40, s17  }
0x254: {  	[hbm4b:s25+s3] =	stream.linear.scatter [tilespmem:s16], [sflag:$0x3], $0x80, $0x38;
	[tilespmem:$0x13D00] =	vst v63  }
0x255: {  	s9 =	simm.s32 $0xB8B8;
	s12 =	simm.s32 $0xB7A8;
	s13 =	sadd.s32 $0x50, s17  }
0x256: {  	[hbm4b:s13+s3] =	stream.linear.scatter [tilespmem:s12], [sflag:$0x3], $0x80, $0x38;
	[tilespmem:$0x13D00] =	vst v63  }
0x257: {  	s16 =	simm.s32 $0xB830;
	s25 =	sadd.s32 $0x60, s17;
	s12 =	sadd.s32 $0x70, s17  }
0x258: {  	[hbm4b:s25+s3] =	stream.linear.scatter [tilespmem:s16], [sflag:$0x3], $0x80, $0x38;
	[tilespmem:$0x13D00] =	vst v63  }
0x259: {  	s17 =	sadd.s32 $0x1000, s17;
	s16 =	simm.s32 $0x440;
	s25 =	simm.s32 $0x2200  }
.LBB2_23:
0x25a: {  	[hbm4b:s12+s3] =	stream.linear.scatter [tilespmem:s9], [sflag:$0x3], $0x80, $0x38;
	[tilespmem:$0x13D00] =	vst v63  }
0x25b: {  	s9 =	smov.u32 s16;
	s12 =	smov.u32 s25  }
0x25c: {  	s13 =	sadd.s32 $0x1100, s25;
	s16 =	sshra.s32 s12, $0x2;
	s12 =	sadd.s32 $0xB500, s9  }
0x25d: {  	[hbm4b:s17+s3] =	stream.linear.scatter [tilespmem:s12], [sflag:$0x3], $0x80, $0x38;
	[tilespmem:$0x13D00] =	vst v63  }
0x25e: {  	p0 =	sne.s32 s25, $0x7700;
	s25 =	sadd.s32 $0x10, s17;
	s12 =	sadd.s32 $0xB588, s9  }
0x25f: {  	[hbm4b:s25+s3] =	stream.linear.scatter [tilespmem:s12], [sflag:$0x3], $0x80, $0x38;
	[tilespmem:$0x13D00] =	vst v63  }
0x260: {  	s12 =	sadd.s32 $0xB610, s9;
	s25 =	sadd.s32 $0x20, s17  }
0x261: {  	[hbm4b:s25+s3] =	stream.linear.scatter [tilespmem:s12], [sflag:$0x3], $0x80, $0x38;
	[tilespmem:$0x13D00] =	vst v63  }
0x262: {  	s12 =	sadd.s32 $0xB698, s9;
	s25 =	sadd.s32 $0x30, s17  }
0x263: {  	[hbm4b:s25+s3] =	stream.linear.scatter [tilespmem:s12], [sflag:$0x3], $0x80, $0x38;
	[tilespmem:$0x13D00] =	vst v63  }
0x264: {  	s12 =	sadd.s32 $0xB720, s9;
	s25 =	sadd.s32 $0x40, s17  }
0x265: {  	[hbm4b:s25+s3] =	stream.linear.scatter [tilespmem:s12], [sflag:$0x3], $0x80, $0x38;
	[tilespmem:$0x13D00] =	vst v63  }
.Ltmp10:
0x266: {  	s12 =	sadd.s32 $0xB7A8, s9;
	s25 =	sadd.s32 $0x50, s17;
	(pc) =	sbr.rel @p0 .LBB2_23-.Ltmp10, $4  }
0x267: {  	[hbm4b:s25+s3] =	stream.linear.scatter [tilespmem:s12], [sflag:$0x3], $0x80, $0x38;
	[tilespmem:$0x13D00] =	vst v63  }
0x268: {  	s12 =	sadd.s32 $0xB830, s9;
	s25 =	sadd.s32 $0x60, s17;
	s9 =	sadd.s32 $0xB8B8, s9  }
0x269: {  	[hbm4b:s25+s3] =	stream.linear.scatter [tilespmem:s12], [sflag:$0x3], $0x80, $0x38;
	[tilespmem:$0x13D00] =	vst v63  }
0x26a: {  	s12 =	sadd.s32 $0x70, s17;
	s17 =	sadd.s32 $0x1000, s17;
	s25 =	smov.u32 s13  }
0x26b: {  	[hbm4b:s12+s3] =	stream.linear.scatter [tilespmem:s9], [sflag:$0x3], $0x80, $0x38;
	[tilespmem:$0x13D00] =	vst v63  }
0x26c: {  	s12 =	sadd.s32 $0xB500, s16  }
0x26d: {  	[hbm4b:s17+s3] =	stream.linear.scatter [tilespmem:s12], [sflag:$0x3], $0x80, $0x38;
	[tilespmem:$0x13D00] =	vst v63  }
0x26e: {  	s13 =	sadd.s32 $0xB588, s16;
	s25 =	sadd.s32 $0x10, s17  }
0x26f: {  	[hbm4b:s25+s3] =	stream.linear.scatter [tilespmem:s13], [sflag:$0x3], $0x80, $0x38;
	[tilespmem:$0x13D00] =	vst v63  }
0x270: {  	s13 =	sadd.s32 $0xB610, s16;
	s25 =	sadd.s32 $0x20, s17  }
0x271: {  	[hbm4b:s25+s3] =	stream.linear.scatter [tilespmem:s13], [sflag:$0x3], $0x80, $0x38;
	[tilespmem:$0x13D00] =	vst v63  }
0x272: {  	s13 =	sadd.s32 $0xB698, s16;
	s25 =	sadd.s32 $0x30, s17  }
0x273: {  	[hbm4b:s25+s3] =	stream.linear.scatter [tilespmem:s13], [sflag:$0x3], $0x80, $0x38;
	[tilespmem:$0x13D00] =	vst v63  }
0x274: {  	s13 =	sadd.s32 $0xB720, s16;
	s25 =	sadd.s32 $0x40, s17  }
0x275: {  	[hbm4b:s25+s3] =	stream.linear.scatter [tilespmem:s13], [sflag:$0x3], $0x80, $0x38;
	[tilespmem:$0x13D00] =	vst v63  }
0x276: {  	s13 =	sadd.s32 $0xB7A8, s16;
	s25 =	sadd.s32 $0x50, s17  }
0x277: {  	[hbm4b:s25+s3] =	stream.linear.scatter [tilespmem:s13], [sflag:$0x3], $0x80, $0x38;
	[tilespmem:$0x13D00] =	vst v63  }
0x278: {  	s12 =	sadd.s32 $0xB830, s16;
	s13 =	sadd.s32 $0x60, s17  }
0x279: {  	[hbm4b:s13+s3] =	stream.linear.scatter [tilespmem:s12], [sflag:$0x3], $0x80, $0x38;
	[tilespmem:$0x13D00] =	vst v63  }
0x27a: {  	s16 =	sadd.s32 $0xB8B8, s16;
	s25 =	sadd.s32 $0x70, s17  }
0x27b: {  	[hbm4b:s25+s3] =	stream.linear.scatter [tilespmem:s16], [sflag:$0x3], $0x80, $0x38;
	[tilespmem:$0x13D00] =	vst v63  }
0x27c: {  	s12 =	simm.s32 $0x3;
	_ =	swait.ge [sflag:s0], $0x2000  }
0x27d: {  	v12 =	vmov s12;
	[sflag:s0] =	ssyncset.done $0x0  }
0x27e: {  	s9 =	simm.s32 $0x55F0;
	s13 =	simm.s32 $0x0;
	v12 =	vand.u32 $0x7F, v12;
	[sflag:s0] =	ssyncadd.s32 $0xFFFFE000  }
0x27f: {  	v17 =	vmov s13;
	v14 =	vadd.s32 v5, v12;
	v13 =	vld [tilespmem:s9+$0xFFFFFFD0]  }
0x280: {  	v17 =	vand.u32 $0x7C, v17;
	v16 =	vadd.s32 v9, v12;
	v15 =	vld [tilespmem:s9+$0xFFFFFFE0]  }
0x281: {  	v22 =	vadd.s32 v5, v17;
	v21 =	vld [tilespmem:s9+$0xFFFFFF10]  }
0x282: {  	v19 =	vadd.s32 v10, v12;
	v18 =	vld [tilespmem:s9+$0xFFFFFFF0]  }
0x283: {  	v12 =	vadd.s32 v11, v12;
	v20 =	vld [tilespmem:s9+$0x0]  }
0x284: {  	s16 =	simm.s32 $0x1;
	v24 =	vadd.s32 v9, v17;
	v23 =	vld [tilespmem:s9+$0xFFFFFF20];
	[tilespmem:v14+s26+$0x0] =	vst.idx.msk $0xffff, v13  }
0x285: {  	v25 =	vmov s16;
	v13 =	vld [tilespmem:s9+$0xFFFFFF30];
	v14 =	vadd.s32 v10, v17;
	[tilespmem:v16+s26+$0x0] =	vst.idx.msk $0xffff, v15  }
0x286: {  	v15 =	vld [tilespmem:s9+$0xFFFFFF40];
	v16 =	vadd.s32 v11, v17;
	v17 =	vand.u32 $0x7D, v25;
	[tilespmem:v22+s26+$0x0] =	vst.idx.msk $0xffff, v21  }
0x287: {  	[tilespmem:v19+s26+$0x0] =	vst.idx.msk $0xffff, v18;
	v18 =	vld [tilespmem:s9+$0xFFFFFF50];
	v19 =	vadd.s32 v5, v17  }
0x288: {  	v21 =	vadd.s32 v9, v17;
	[tilespmem:v12+s26+$0x0] =	vst.idx.msk $0xffff, v20;
	v20 =	vld [tilespmem:s9+$0xFFFFFF60]  }
0x289: {  	s17 =	simm.s32 $0x2;
	[tilespmem:v24+s26+$0x0] =	vst.idx.msk $0xffff, v23  }
0x28a: {  	v23 =	vld [tilespmem:s9+$0xFFFFFF70];
	v62 =	vadd.s32 v10, v17;
	[tilespmem:v14+s26+$0x0] =	vst.idx.msk $0xffff, v13;
	v13 =	vmov s17  }
0x28b: {  	v63 =	vld [tilespmem:s9+$0xFFFFFF80];
	v26 =	vadd.s32 v11, v17;
	[tilespmem:v16+s26+$0x0] =	vst.idx.msk $0xffff, v15;
	v15 =	vand.u32 $0x7E, v13  }
0x28c: {  	v12 =	vld [tilespmem:s9+$0xFFFFFF90];
	[tilespmem:v19+s26+$0x0] =	vst.idx.msk $0xffff, v18;
	v19 =	vadd.s32 v5, v15  }
0x28d: {  	s25 =	simm.s32 $0x7;
	v13 =	vld [tilespmem:s9+$0xFFFFFFA0];
	[tilespmem:v21+s26+$0x0] =	vst.idx.msk $0xffff, v20;
	v20 =	vadd.s32 v9, v15  }
0x28e: {  	v17 =	vmov s25;
	v14 =	vld [tilespmem:s9+$0xFFFFFFB0];
	v16 =	vadd.s32 v10, v15  }
0x28f: {  	s16 =	simm.s32 $0x56F0;
	v22 =	vand.u32 $0x7F, v17;
	v17 =	vld [tilespmem:s9+$0xFFFFFFC0];
	v21 =	vadd.s32 v11, v15;
	[tilespmem:v62+s26+$0x0] =	vst.idx.msk $0xffff, v23  }
0x290: {  	s25 =	simm.s32 $0x8;
	s17 =	simm.s32 $0x4;
	v18 =	vadd.s32 v5, v22;
	v15 =	vld [tilespmem:s16+$0xFFFFFFD0];
	[tilespmem:v26+s26+$0x0] =	vst.idx.msk $0xffff, v63  }
.LBB2_25:
0x291: {  	p0 =	slt.u32 s25, $0x7C;
	v23 =	vld [tilespmem:s16+$0xFFFFFFE0];
	v24 =	vadd.s32 v9, v22;
	[tilespmem:v19+s26+$0x0] =	vst.idx.msk $0xffff, v12  }
0x292: {  	v12 =	vmov s17;
	v25 =	vadd.s32 v10, v22;
	v19 =	vld [tilespmem:s16+$0xFFFFFFF0];
	[tilespmem:v20+s26+$0x0] =	vst.idx.msk $0xffff, v13  }
0x293: {  	v12 =	vand.u32 $0x7C, v12;
	v20 =	vadd.s32 v11, v22;
	v13 =	vld [tilespmem:s16+$0x0];
	[tilespmem:v16+s26+$0x0] =	vst.idx.msk $0xffff, v14  }
0x294: {  	v16 =	vadd.s32 v5, v12;
	v14 =	vld [tilespmem:s16+$0xFFFFFF10];
	[tilespmem:v21+s26+$0x0] =	vst.idx.msk $0xffff, v17  }
0x295: {  	s9 =	sadd.s32 $0x1, s17;
	v21 =	vadd.s32 v9, v12;
	v17 =	vld [tilespmem:s16+$0xFFFFFF20];
	[tilespmem:v18+s26+$0x0] =	vst.idx.msk $0xffff, v15  }
0x296: {  	v22 =	vmov s9;
	v18 =	vadd.s32 v10, v12;
	v15 =	vld [tilespmem:s16+$0xFFFFFF30];
	[tilespmem:v24+s26+$0x0] =	vst.idx.msk $0xffff, v23  }
0x297: {  	v22 =	vand.u32 $0x7D, v22;
	v12 =	vadd.s32 v11, v12;
	v23 =	vld [tilespmem:s16+$0xFFFFFF40];
	[tilespmem:v25+s26+$0x0] =	vst.idx.msk $0xffff, v19  }
0x298: {  	v25 =	vadd.s32 v5, v22;
	v24 =	vld [tilespmem:s16+$0xFFFFFF50];
	[tilespmem:v20+s26+$0x0] =	vst.idx.msk $0xffff, v13  }
0x299: {  	s9 =	sadd.s32 $0x2, s17;
	s17 =	smov.u32 s25;
	[tilespmem:v16+s26+$0x0] =	vst.idx.msk $0xffff, v14;
	v14 =	vld [tilespmem:s16+$0xFFFFFF60];
	v16 =	vadd.s32 v9, v22  }
0x29a: {  	v13 =	vmov s9;
	[tilespmem:v21+s26+$0x0] =	vst.idx.msk $0xffff, v17;
	v17 =	vld [tilespmem:s16+$0xFFFFFF70];
	v21 =	vadd.s32 v10, v22  }
0x29b: {  	v27 =	vadd.s32 v11, v22;
	[tilespmem:v18+s26+$0x0] =	vst.idx.msk $0xffff, v15;
	v26 =	vld [tilespmem:s16+$0xFFFFFF80];
	v15 =	vand.u32 $0x7E, v13  }
.Ltmp11:
0x29c: {  	[tilespmem:v12+s26+$0x0] =	vst.idx.msk $0xffff, v23;
	v12 =	vld [tilespmem:s16+$0xFFFFFF90];
	v19 =	vadd.s32 v5, v15;
	(pc) =	sbr.rel @p0 .LBB2_25-.Ltmp11, $4  }
0x29d: {  	s9 =	sadd.s32 $0x3, s25;
	v20 =	vadd.s32 v9, v15;
	[tilespmem:v25+s26+$0x0] =	vst.idx.msk $0xffff, v24;
	v13 =	vld [tilespmem:s16+$0xFFFFFFA0]  }
0x29e: {  	v18 =	vmov s9;
	[tilespmem:v16+s26+$0x0] =	vst.idx.msk $0xffff, v14;
	v14 =	vld [tilespmem:s16+$0xFFFFFFB0];
	v16 =	vadd.s32 v10, v15  }
0x29f: {  	v22 =	vand.u32 $0x7F, v18;
	[tilespmem:v21+s26+$0x0] =	vst.idx.msk $0xffff, v17;
	v17 =	vld [tilespmem:s16+$0xFFFFFFC0];
	v21 =	vadd.s32 v11, v15;
	s16 =	sadd.s32 $0x100, s16  }
0x2a0: {  	s25 =	sadd.s32 $0x4, s25;
	v18 =	vadd.s32 v5, v22;
	v15 =	vld [tilespmem:s16+$0xFFFFFFD0];
	[tilespmem:v27+s26+$0x0] =	vst.idx.msk $0xffff, v26  }
0x2a1: {  	_ = 	snop  }
0x2a2: {  	v23 =	vld [tilespmem:s16+$0xFFFFFFE0]  }
0x2a3: {  	v36 =	vld [tilespmem:s16+$0xFFFFFFF0]  }
0x2a4: {  	v37 =	vld [tilespmem:s16+$0x0]  }
0x2a5: {  	v24 =	vadd.s32 v9, v22;
	[tilespmem:v19+s26+$0x0] =	vst.idx.msk $0xffff, v12;
	v39 =	vld [tilespmem:s16+$0xFFFFFF10]  }
0x2a6: {  	v35 =	vmov s17;
	v25 =	vadd.s32 v10, v22;
	v41 =	vld [tilespmem:s16+$0xFFFFFF20];
	[tilespmem:v20+s26+$0x0] =	vst.idx.msk $0xffff, v13  }
0x2a7: {  	v38 =	vadd.s32 v11, v22;
	s9 =	sadd.s32 $0x1, s17;
	v43 =	vld [tilespmem:s16+$0xFFFFFF30];
	v12 =	vand.u32 $0x7C, v35;
	[tilespmem:v16+s26+$0x0] =	vst.idx.msk $0xffff, v14  }
0x2a8: {  	v46 =	vld [tilespmem:s16+$0xFFFFFF40];
	s25 =	sadd.s32 $0x2, s17;
	v45 =	vmov s9;
	v40 =	vadd.s32 v5, v12;
	[tilespmem:v21+s26+$0x0] =	vst.idx.msk $0xffff, v17  }
0x2a9: {  	v47 =	vld [tilespmem:s16+$0xFFFFFF50];
	v53 =	vmov s25;
	v42 =	vadd.s32 v9, v12;
	v22 =	vand.u32 $0x7D, v45;
	[tilespmem:v18+s26+$0x0] =	vst.idx.msk $0xffff, v15  }
0x2aa: {  	v49 =	vld [tilespmem:s16+$0xFFFFFF60];
	v20 =	vand.u32 $0x7E, v53;
	v48 =	vadd.s32 v5, v22;
	[tilespmem:v24+s26+$0x0] =	vst.idx.msk $0xffff, v23  }
0x2ab: {  	v56 =	vld [tilespmem:s16+$0xFFFFFF90];
	v57 =	vadd.s32 v5, v20;
	[tilespmem:v25+s26+$0x0] =	vst.idx.msk $0xffff, v36  }
0x2ac: {  	v51 =	vld [tilespmem:s16+$0xFFFFFF70];
	v44 =	vadd.s32 v10, v12;
	[tilespmem:v38+s26+$0x0] =	vst.idx.msk $0xffff, v37  }
0x2ad: {  	v54 =	vld [tilespmem:s16+$0xFFFFFF80];
	v50 =	vadd.s32 v9, v22;
	[tilespmem:v40+s26+$0x0] =	vst.idx.msk $0xffff, v39  }
0x2ae: {  	v58 =	vld [tilespmem:s16+$0xFFFFFFA0];
	v59 =	vadd.s32 v9, v20;
	[tilespmem:v42+s26+$0x0] =	vst.idx.msk $0xffff, v41  }
0x2af: {  	v60 =	vld [tilespmem:s16+$0xFFFFFFB0];
	v12 =	vadd.s32 v11, v12;
	[tilespmem:v48+s26+$0x0] =	vst.idx.msk $0xffff, v47  }
0x2b0: {  	v62 =	vld [tilespmem:s16+$0xFFFFFFC0];
	v52 =	vadd.s32 v10, v22;
	[tilespmem:v57+s26+$0x0] =	vst.idx.msk $0xffff, v56  }
0x2b1: {  	v61 =	vadd.s32 v10, v20;
	[tilespmem:v44+s26+$0x0] =	vst.idx.msk $0xffff, v43  }
0x2b2: {  	v55 =	vadd.s32 v11, v22;
	[tilespmem:v50+s26+$0x0] =	vst.idx.msk $0xffff, v49  }
0x2b3: {  	v63 =	vadd.s32 v11, v20;
	[tilespmem:v59+s26+$0x0] =	vst.idx.msk $0xffff, v58  }
0x2b4: {  	[tilespmem:v12+s26+$0x0] =	vst.idx.msk $0xffff, v46  }
0x2b5: {  	[tilespmem:v52+s26+$0x0] =	vst.idx.msk $0xffff, v51  }
0x2b6: {  	[tilespmem:v61+s26+$0x0] =	vst.idx.msk $0xffff, v60  }
0x2b7: {  	[tilespmem:v55+s26+$0x0] =	vst.idx.msk $0xffff, v54  }
0x2b8: {  	s13 =	sadd.s32 s22, s8;
	s12 =	simm.s32 $0xD700;
	[tilespmem:v63+s26+$0x0] =	vst.idx.msk $0xffff, v62  }
0x2b9: {  	[hbm4b:s13+s3] =	stream.linear.scatter [tilespmem:s12], [sflag:$0x4], $0x80, $0x38;
	[tilespmem:$0x13D00] =	vst v63  }
0x2ba: {  	s16 =	simm.s32 $0xD788;
	s12 =	sadd.s32 $0x10, s13  }
0x2bb: {  	[hbm4b:s12+s3] =	stream.linear.scatter [tilespmem:s16], [sflag:$0x4], $0x80, $0x38;
	[tilespmem:$0x13D00] =	vst v63  }
0x2bc: {  	s17 =	simm.s32 $0xD810;
	s25 =	sadd.s32 $0x20, s13  }
0x2bd: {  	[hbm4b:s25+s3] =	stream.linear.scatter [tilespmem:s17], [sflag:$0x4], $0x80, $0x38;
	[tilespmem:$0x13D00] =	vst v63  }
0x2be: {  	s12 =	simm.s32 $0xD898;
	s16 =	sadd.s32 $0x30, s13  }
0x2bf: {  	[hbm4b:s16+s3] =	stream.linear.scatter [tilespmem:s12], [sflag:$0x4], $0x80, $0x38;
	[tilespmem:$0x13D00] =	vst v63  }
0x2c0: {  	s17 =	simm.s32 $0xD920;
	s25 =	sadd.s32 $0x40, s13  }
0x2c1: {  	[hbm4b:s25+s3] =	stream.linear.scatter [tilespmem:s17], [sflag:$0x4], $0x80, $0x38;
	[tilespmem:$0x13D00] =	vst v63  }
0x2c2: {  	s9 =	simm.s32 $0xDAB8;
	s12 =	simm.s32 $0xD9A8;
	s16 =	sadd.s32 $0x50, s13  }
0x2c3: {  	[hbm4b:s16+s3] =	stream.linear.scatter [tilespmem:s12], [sflag:$0x4], $0x80, $0x38;
	[tilespmem:$0x13D00] =	vst v63  }
0x2c4: {  	s17 =	simm.s32 $0xDA30;
	s25 =	sadd.s32 $0x60, s13;
	s16 =	simm.s32 $0x440  }
0x2c5: {  	[hbm4b:s25+s3] =	stream.linear.scatter [tilespmem:s17], [sflag:$0x4], $0x80, $0x38;
	[tilespmem:$0x13D00] =	vst v63  }
0x2c6: {  	s12 =	sadd.s32 $0x70, s13;
	s25 =	simm.s32 $0x2200;
	s17 =	sadd.s32 $0x1000, s13  }
.LBB2_27:
0x2c7: {  	[hbm4b:s12+s3] =	stream.linear.scatter [tilespmem:s9], [sflag:$0x4], $0x80, $0x38;
	[tilespmem:$0x13D00] =	vst v63  }
0x2c8: {  	s9 =	smov.u32 s16;
	s12 =	smov.u32 s25  }
0x2c9: {  	s13 =	sadd.s32 $0x1100, s25;
	s16 =	sshra.s32 s12, $0x2;
	s12 =	sadd.s32 $0xD700, s9  }
0x2ca: {  	[hbm4b:s17+s3] =	stream.linear.scatter [tilespmem:s12], [sflag:$0x4], $0x80, $0x38;
	[tilespmem:$0x13D00] =	vst v63  }
0x2cb: {  	p0 =	sne.s32 s25, $0x7700;
	s25 =	sadd.s32 $0x10, s17;
	s12 =	sadd.s32 $0xD788, s9  }
0x2cc: {  	[hbm4b:s25+s3] =	stream.linear.scatter [tilespmem:s12], [sflag:$0x4], $0x80, $0x38;
	[tilespmem:$0x13D00] =	vst v63  }
0x2cd: {  	s12 =	sadd.s32 $0xD810, s9;
	s25 =	sadd.s32 $0x20, s17  }
0x2ce: {  	[hbm4b:s25+s3] =	stream.linear.scatter [tilespmem:s12], [sflag:$0x4], $0x80, $0x38;
	[tilespmem:$0x13D00] =	vst v63  }
0x2cf: {  	s12 =	sadd.s32 $0xD898, s9;
	s25 =	sadd.s32 $0x30, s17  }
0x2d0: {  	[hbm4b:s25+s3] =	stream.linear.scatter [tilespmem:s12], [sflag:$0x4], $0x80, $0x38;
	[tilespmem:$0x13D00] =	vst v63  }
0x2d1: {  	s12 =	sadd.s32 $0xD920, s9;
	s25 =	sadd.s32 $0x40, s17  }
0x2d2: {  	[hbm4b:s25+s3] =	stream.linear.scatter [tilespmem:s12], [sflag:$0x4], $0x80, $0x38;
	[tilespmem:$0x13D00] =	vst v63  }
.Ltmp12:
0x2d3: {  	s12 =	sadd.s32 $0xD9A8, s9;
	s25 =	sadd.s32 $0x50, s17;
	(pc) =	sbr.rel @p0 .LBB2_27-.Ltmp12, $4  }
0x2d4: {  	[hbm4b:s25+s3] =	stream.linear.scatter [tilespmem:s12], [sflag:$0x4], $0x80, $0x38;
	[tilespmem:$0x13D00] =	vst v63  }
0x2d5: {  	s12 =	sadd.s32 $0xDA30, s9;
	s25 =	sadd.s32 $0x60, s17;
	s9 =	sadd.s32 $0xDAB8, s9  }
0x2d6: {  	[hbm4b:s25+s3] =	stream.linear.scatter [tilespmem:s12], [sflag:$0x4], $0x80, $0x38;
	[tilespmem:$0x13D00] =	vst v63  }
0x2d7: {  	s12 =	sadd.s32 $0x70, s17;
	s17 =	sadd.s32 $0x1000, s17;
	s25 =	smov.u32 s13  }
0x2d8: {  	[hbm4b:s12+s3] =	stream.linear.scatter [tilespmem:s9], [sflag:$0x4], $0x80, $0x38;
	[tilespmem:$0x13D00] =	vst v63  }
0x2d9: {  	s12 =	sadd.s32 $0xD700, s16  }
0x2da: {  	[hbm4b:s17+s3] =	stream.linear.scatter [tilespmem:s12], [sflag:$0x4], $0x80, $0x38;
	[tilespmem:$0x13D00] =	vst v63  }
0x2db: {  	s13 =	sadd.s32 $0xD788, s16;
	s25 =	sadd.s32 $0x10, s17  }
0x2dc: {  	[hbm4b:s25+s3] =	stream.linear.scatter [tilespmem:s13], [sflag:$0x4], $0x80, $0x38;
	[tilespmem:$0x13D00] =	vst v63  }
0x2dd: {  	s13 =	sadd.s32 $0xD810, s16;
	s25 =	sadd.s32 $0x20, s17  }
0x2de: {  	[hbm4b:s25+s3] =	stream.linear.scatter [tilespmem:s13], [sflag:$0x4], $0x80, $0x38;
	[tilespmem:$0x13D00] =	vst v63  }
0x2df: {  	s13 =	sadd.s32 $0xD898, s16;
	s25 =	sadd.s32 $0x30, s17  }
0x2e0: {  	[hbm4b:s25+s3] =	stream.linear.scatter [tilespmem:s13], [sflag:$0x4], $0x80, $0x38;
	[tilespmem:$0x13D00] =	vst v63  }
0x2e1: {  	s13 =	sadd.s32 $0xD920, s16;
	s25 =	sadd.s32 $0x40, s17  }
0x2e2: {  	[hbm4b:s25+s3] =	stream.linear.scatter [tilespmem:s13], [sflag:$0x4], $0x80, $0x38;
	[tilespmem:$0x13D00] =	vst v63  }
0x2e3: {  	s13 =	sadd.s32 $0xD9A8, s16;
	s25 =	sadd.s32 $0x50, s17  }
0x2e4: {  	[hbm4b:s25+s3] =	stream.linear.scatter [tilespmem:s13], [sflag:$0x4], $0x80, $0x38;
	[tilespmem:$0x13D00] =	vst v63  }
0x2e5: {  	s12 =	sadd.s32 $0xDA30, s16;
	s13 =	sadd.s32 $0x60, s17  }
0x2e6: {  	[hbm4b:s13+s3] =	stream.linear.scatter [tilespmem:s12], [sflag:$0x4], $0x80, $0x38;
	[tilespmem:$0x13D00] =	vst v63  }
0x2e7: {  	s16 =	sadd.s32 $0xDAB8, s16;
	s25 =	sadd.s32 $0x70, s17  }
0x2e8: {  	[hbm4b:s25+s3] =	stream.linear.scatter [tilespmem:s16], [sflag:$0x4], $0x80, $0x38;
	[tilespmem:$0x13D00] =	vst v63  }
0x2e9: {  	_ =	swait.ge [sflag:s28], $0x4000  }
0x2ea: {  	[sflag:s28] =	ssyncset.done $0x0  }
0x2eb: {  	[sflag:s28] =	ssyncadd.s32 $0xFFFFC000  }
0x2ec: {  	s12 =	simm.s32 $0x3;
	_ =	swait.ge [sflag:s19], $0x2000  }
0x2ed: {  	v12 =	vmov s12;
	[sflag:s19] =	ssyncset.done $0x0  }
0x2ee: {  	s9 =	simm.s32 $0x7580;
	s13 =	simm.s32 $0x0;
	v12 =	vand.u32 $0x7F, v12;
	[sflag:s19] =	ssyncadd.s32 $0xFFFFE000  }
0x2ef: {  	v17 =	vmov s13;
	v14 =	vadd.s32 v5, v12;
	v13 =	vld [tilespmem:s9+$0x40]  }
0x2f0: {  	v17 =	vand.u32 $0x7C, v17;
	v16 =	vadd.s32 v9, v12;
	v15 =	vld [tilespmem:s9+$0x50]  }
0x2f1: {  	v22 =	vadd.s32 v5, v17;
	v21 =	vld [tilespmem:s9+$0xFFFFFF80]  }
0x2f2: {  	v19 =	vadd.s32 v10, v12;
	v18 =	vld [tilespmem:s9+$0x60]  }
0x2f3: {  	v12 =	vadd.s32 v11, v12;
	v20 =	vld [tilespmem:s9+$0x70]  }
0x2f4: {  	s16 =	simm.s32 $0x1;
	v24 =	vadd.s32 v9, v17;
	v23 =	vld [tilespmem:s9+$0xFFFFFF90];
	[tilespmem:v14+s29+$0x0] =	vst.idx.msk $0xffff, v13  }
0x2f5: {  	v25 =	vmov s16;
	v13 =	vld [tilespmem:s9+$0xFFFFFFA0];
	v14 =	vadd.s32 v10, v17;
	[tilespmem:v16+s29+$0x0] =	vst.idx.msk $0xffff, v15  }
0x2f6: {  	v15 =	vld [tilespmem:s9+$0xFFFFFFB0];
	v16 =	vadd.s32 v11, v17;
	v17 =	vand.u32 $0x7D, v25;
	[tilespmem:v22+s29+$0x0] =	vst.idx.msk $0xffff, v21  }
0x2f7: {  	[tilespmem:v19+s29+$0x0] =	vst.idx.msk $0xffff, v18;
	v18 =	vld [tilespmem:s9+$0xFFFFFFC0];
	v19 =	vadd.s32 v5, v17  }
0x2f8: {  	v21 =	vadd.s32 v9, v17;
	[tilespmem:v12+s29+$0x0] =	vst.idx.msk $0xffff, v20;
	v20 =	vld [tilespmem:s9+$0xFFFFFFD0]  }
0x2f9: {  	s17 =	simm.s32 $0x2;
	[tilespmem:v24+s29+$0x0] =	vst.idx.msk $0xffff, v23  }
0x2fa: {  	v23 =	vld [tilespmem:s9+$0xFFFFFFE0];
	v62 =	vadd.s32 v10, v17;
	[tilespmem:v14+s29+$0x0] =	vst.idx.msk $0xffff, v13;
	v13 =	vmov s17  }
0x2fb: {  	v63 =	vld [tilespmem:s9+$0xFFFFFFF0];
	v26 =	vadd.s32 v11, v17;
	[tilespmem:v16+s29+$0x0] =	vst.idx.msk $0xffff, v15;
	v15 =	vand.u32 $0x7E, v13  }
0x2fc: {  	v12 =	vld [tilespmem:s9+$0x0];
	[tilespmem:v19+s29+$0x0] =	vst.idx.msk $0xffff, v18;
	v19 =	vadd.s32 v5, v15  }
0x2fd: {  	s25 =	simm.s32 $0x7;
	v13 =	vld [tilespmem:s9+$0x10];
	[tilespmem:v21+s29+$0x0] =	vst.idx.msk $0xffff, v20;
	v20 =	vadd.s32 v9, v15  }
0x2fe: {  	v17 =	vmov s25;
	v14 =	vld [tilespmem:s9+$0x20];
	v16 =	vadd.s32 v10, v15  }
0x2ff: {  	s16 =	simm.s32 $0x7680;
	v22 =	vand.u32 $0x7F, v17;
	v17 =	vld [tilespmem:s9+$0x30];
	v21 =	vadd.s32 v11, v15;
	[tilespmem:v62+s29+$0x0] =	vst.idx.msk $0xffff, v23  }
0x300: {  	s25 =	simm.s32 $0x8;
	s17 =	simm.s32 $0x4;
	v18 =	vadd.s32 v5, v22;
	v15 =	vld [tilespmem:s16+$0x40];
	[tilespmem:v26+s29+$0x0] =	vst.idx.msk $0xffff, v63  }
.LBB2_29:
0x301: {  	p0 =	slt.u32 s25, $0x7C;
	v23 =	vld [tilespmem:s16+$0x50];
	v24 =	vadd.s32 v9, v22;
	[tilespmem:v19+s29+$0x0] =	vst.idx.msk $0xffff, v12  }
0x302: {  	v12 =	vmov s17;
	v25 =	vadd.s32 v10, v22;
	v19 =	vld [tilespmem:s16+$0x60];
	[tilespmem:v20+s29+$0x0] =	vst.idx.msk $0xffff, v13  }
0x303: {  	v12 =	vand.u32 $0x7C, v12;
	v20 =	vadd.s32 v11, v22;
	v13 =	vld [tilespmem:s16+$0x70];
	[tilespmem:v16+s29+$0x0] =	vst.idx.msk $0xffff, v14  }
0x304: {  	v16 =	vadd.s32 v5, v12;
	v14 =	vld [tilespmem:s16+$0xFFFFFF80];
	[tilespmem:v21+s29+$0x0] =	vst.idx.msk $0xffff, v17  }
0x305: {  	s9 =	sadd.s32 $0x1, s17;
	v21 =	vadd.s32 v9, v12;
	v17 =	vld [tilespmem:s16+$0xFFFFFF90];
	[tilespmem:v18+s29+$0x0] =	vst.idx.msk $0xffff, v15  }
0x306: {  	v22 =	vmov s9;
	v18 =	vadd.s32 v10, v12;
	v15 =	vld [tilespmem:s16+$0xFFFFFFA0];
	[tilespmem:v24+s29+$0x0] =	vst.idx.msk $0xffff, v23  }
0x307: {  	v22 =	vand.u32 $0x7D, v22;
	v12 =	vadd.s32 v11, v12;
	v23 =	vld [tilespmem:s16+$0xFFFFFFB0];
	[tilespmem:v25+s29+$0x0] =	vst.idx.msk $0xffff, v19  }
0x308: {  	v25 =	vadd.s32 v5, v22;
	v24 =	vld [tilespmem:s16+$0xFFFFFFC0];
	[tilespmem:v20+s29+$0x0] =	vst.idx.msk $0xffff, v13  }
0x309: {  	s9 =	sadd.s32 $0x2, s17;
	s17 =	smov.u32 s25;
	[tilespmem:v16+s29+$0x0] =	vst.idx.msk $0xffff, v14;
	v14 =	vld [tilespmem:s16+$0xFFFFFFD0];
	v16 =	vadd.s32 v9, v22  }
0x30a: {  	v13 =	vmov s9;
	[tilespmem:v21+s29+$0x0] =	vst.idx.msk $0xffff, v17;
	v17 =	vld [tilespmem:s16+$0xFFFFFFE0];
	v21 =	vadd.s32 v10, v22  }
0x30b: {  	v27 =	vadd.s32 v11, v22;
	[tilespmem:v18+s29+$0x0] =	vst.idx.msk $0xffff, v15;
	v26 =	vld [tilespmem:s16+$0xFFFFFFF0];
	v15 =	vand.u32 $0x7E, v13  }
.Ltmp13:
0x30c: {  	[tilespmem:v12+s29+$0x0] =	vst.idx.msk $0xffff, v23;
	v12 =	vld [tilespmem:s16+$0x0];
	v19 =	vadd.s32 v5, v15;
	(pc) =	sbr.rel @p0 .LBB2_29-.Ltmp13, $4  }
0x30d: {  	s9 =	sadd.s32 $0x3, s25;
	v20 =	vadd.s32 v9, v15;
	[tilespmem:v25+s29+$0x0] =	vst.idx.msk $0xffff, v24;
	v13 =	vld [tilespmem:s16+$0x10]  }
0x30e: {  	v18 =	vmov s9;
	[tilespmem:v16+s29+$0x0] =	vst.idx.msk $0xffff, v14;
	v14 =	vld [tilespmem:s16+$0x20];
	v16 =	vadd.s32 v10, v15  }
0x30f: {  	v22 =	vand.u32 $0x7F, v18;
	[tilespmem:v21+s29+$0x0] =	vst.idx.msk $0xffff, v17;
	v17 =	vld [tilespmem:s16+$0x30];
	v21 =	vadd.s32 v11, v15;
	s16 =	sadd.s32 $0x100, s16  }
0x310: {  	s25 =	sadd.s32 $0x4, s25;
	v18 =	vadd.s32 v5, v22;
	v15 =	vld [tilespmem:s16+$0x40];
	[tilespmem:v27+s29+$0x0] =	vst.idx.msk $0xffff, v26  }
0x311: {  	_ = 	snop  }
0x312: {  	v23 =	vld [tilespmem:s16+$0x50]  }
0x313: {  	v36 =	vld [tilespmem:s16+$0x60]  }
0x314: {  	v37 =	vld [tilespmem:s16+$0x70]  }
0x315: {  	v24 =	vadd.s32 v9, v22;
	[tilespmem:v19+s29+$0x0] =	vst.idx.msk $0xffff, v12;
	v39 =	vld [tilespmem:s16+$0xFFFFFF80]  }
0x316: {  	v35 =	vmov s17;
	v25 =	vadd.s32 v10, v22;
	v41 =	vld [tilespmem:s16+$0xFFFFFF90];
	[tilespmem:v20+s29+$0x0] =	vst.idx.msk $0xffff, v13  }
0x317: {  	v38 =	vadd.s32 v11, v22;
	s9 =	sadd.s32 $0x1, s17;
	v43 =	vld [tilespmem:s16+$0xFFFFFFA0];
	v12 =	vand.u32 $0x7C, v35;
	[tilespmem:v16+s29+$0x0] =	vst.idx.msk $0xffff, v14  }
0x318: {  	v46 =	vld [tilespmem:s16+$0xFFFFFFB0];
	s25 =	sadd.s32 $0x2, s17;
	v45 =	vmov s9;
	v40 =	vadd.s32 v5, v12;
	[tilespmem:v21+s29+$0x0] =	vst.idx.msk $0xffff, v17  }
0x319: {  	v47 =	vld [tilespmem:s16+$0xFFFFFFC0];
	v53 =	vmov s25;
	v42 =	vadd.s32 v9, v12;
	v22 =	vand.u32 $0x7D, v45;
	[tilespmem:v18+s29+$0x0] =	vst.idx.msk $0xffff, v15  }
0x31a: {  	v49 =	vld [tilespmem:s16+$0xFFFFFFD0];
	v20 =	vand.u32 $0x7E, v53;
	v48 =	vadd.s32 v5, v22;
	[tilespmem:v24+s29+$0x0] =	vst.idx.msk $0xffff, v23  }
0x31b: {  	v56 =	vld [tilespmem:s16+$0x0];
	v57 =	vadd.s32 v5, v20;
	[tilespmem:v25+s29+$0x0] =	vst.idx.msk $0xffff, v36  }
0x31c: {  	v51 =	vld [tilespmem:s16+$0xFFFFFFE0];
	v44 =	vadd.s32 v10, v12;
	[tilespmem:v38+s29+$0x0] =	vst.idx.msk $0xffff, v37  }
0x31d: {  	v54 =	vld [tilespmem:s16+$0xFFFFFFF0];
	v50 =	vadd.s32 v9, v22;
	[tilespmem:v40+s29+$0x0] =	vst.idx.msk $0xffff, v39  }
0x31e: {  	v58 =	vld [tilespmem:s16+$0x10];
	v59 =	vadd.s32 v9, v20;
	[tilespmem:v42+s29+$0x0] =	vst.idx.msk $0xffff, v41  }
0x31f: {  	v60 =	vld [tilespmem:s16+$0x20];
	v12 =	vadd.s32 v11, v12;
	[tilespmem:v48+s29+$0x0] =	vst.idx.msk $0xffff, v47  }
0x320: {  	v62 =	vld [tilespmem:s16+$0x30];
	v52 =	vadd.s32 v10, v22;
	[tilespmem:v57+s29+$0x0] =	vst.idx.msk $0xffff, v56  }
0x321: {  	v61 =	vadd.s32 v10, v20;
	[tilespmem:v44+s29+$0x0] =	vst.idx.msk $0xffff, v43  }
0x322: {  	v55 =	vadd.s32 v11, v22;
	[tilespmem:v50+s29+$0x0] =	vst.idx.msk $0xffff, v49  }
0x323: {  	v63 =	vadd.s32 v11, v20;
	[tilespmem:v59+s29+$0x0] =	vst.idx.msk $0xffff, v58  }
0x324: {  	[tilespmem:v12+s29+$0x0] =	vst.idx.msk $0xffff, v46  }
0x325: {  	[tilespmem:v52+s29+$0x0] =	vst.idx.msk $0xffff, v51  }
0x326: {  	[tilespmem:v61+s29+$0x0] =	vst.idx.msk $0xffff, v60  }
0x327: {  	p0 =	seq.s32 s30, $0xB;
	[tilespmem:v55+s29+$0x0] =	vst.idx.msk $0xffff, v54  }
0x328: {  	s6 =	sadd.s32 @!p0 $0x1F00, s6;
	s9 =	simm.s32 @!p0 $0x100;
	s12 =	simm.s32 @!p0 $0x7500;
	[tilespmem:v63+s29+$0x0] =	vst.idx.msk $0xffff, v62  }
0x329: {  	[tilespmem:s12], [sflag:$0x2] =	stream.indirect.gather @!p0 [hbm4b:s4+s9], $0x40, s6, s9, $0xb8;
	[tilespmem:$0x13D00] =	vst v63  }
0x32a: {  	s13 =	sadd.s32 s22, s10;
	s9 =	simm.s32 $0xF900  }
0x32b: {  	[hbm4b:s13+s3] =	stream.linear.scatter [tilespmem:s9], [sflag:$0x5], $0x80, $0x38;
	[tilespmem:$0x13D00] =	vst v63  }
0x32c: {  	s16 =	sadd.s32 $0x10, s13;
	s12 =	simm.s32 $0xF988  }
0x32d: {  	[hbm4b:s16+s3] =	stream.linear.scatter [tilespmem:s12], [sflag:$0x5], $0x80, $0x38;
	[tilespmem:$0x13D00] =	vst v63  }
0x32e: {  	s17 =	simm.s32 $0xFA10;
	s25 =	sadd.s32 $0x20, s13  }
0x32f: {  	[hbm4b:s25+s3] =	stream.linear.scatter [tilespmem:s17], [sflag:$0x5], $0x80, $0x38;
	[tilespmem:$0x13D00] =	vst v63  }
0x330: {  	s12 =	simm.s32 $0xFA98;
	s16 =	sadd.s32 $0x30, s13  }
0x331: {  	[hbm4b:s16+s3] =	stream.linear.scatter [tilespmem:s12], [sflag:$0x5], $0x80, $0x38;
	[tilespmem:$0x13D00] =	vst v63  }
0x332: {  	s17 =	simm.s32 $0xFB20;
	s25 =	sadd.s32 $0x40, s13  }
0x333: {  	[hbm4b:s25+s3] =	stream.linear.scatter [tilespmem:s17], [sflag:$0x5], $0x80, $0x38;
	[tilespmem:$0x13D00] =	vst v63  }
0x334: {  	s6 =	simm.s32 $0x440;
	s12 =	simm.s32 $0xFBA8;
	s16 =	sadd.s32 $0x50, s13  }
0x335: {  	[hbm4b:s16+s3] =	stream.linear.scatter [tilespmem:s12], [sflag:$0x5], $0x80, $0x38;
	[tilespmem:$0x13D00] =	vst v63  }
0x336: {  	s9 =	simm.s32 $0xFCB8;
	s17 =	simm.s32 $0xFC30;
	s25 =	sadd.s32 $0x60, s13  }
0x337: {  	[hbm4b:s25+s3] =	stream.linear.scatter [tilespmem:s17], [sflag:$0x5], $0x80, $0x38;
	[tilespmem:$0x13D00] =	vst v63  }
0x338: {  	s12 =	sadd.s32 $0x70, s13;
	s16 =	sadd.s32 $0x1000, s13;
	s17 =	simm.s32 $0x2200  }
.LBB2_31:
0x339: {  	[hbm4b:s12+s3] =	stream.linear.scatter [tilespmem:s9], [sflag:$0x5], $0x80, $0x38;
	[tilespmem:$0x13D00] =	vst v63  }
0x33a: {  	s9 =	smov.u32 s6;
	s6 =	smov.u32 s17  }
0x33b: {  	s13 =	sadd.s32 $0x1100, s17;
	s6 =	sshra.s32 s6, $0x2;
	s12 =	sadd.s32 $0xF900, s9  }
0x33c: {  	[hbm4b:s16+s3] =	stream.linear.scatter [tilespmem:s12], [sflag:$0x5], $0x80, $0x38;
	[tilespmem:$0x13D00] =	vst v63  }
0x33d: {  	p0 =	sne.s32 s17, $0x7700;
	s17 =	sadd.s32 $0x10, s16;
	s12 =	sadd.s32 $0xF988, s9  }
0x33e: {  	[hbm4b:s17+s3] =	stream.linear.scatter [tilespmem:s12], [sflag:$0x5], $0x80, $0x38;
	[tilespmem:$0x13D00] =	vst v63  }
0x33f: {  	s12 =	sadd.s32 $0xFA10, s9;
	s17 =	sadd.s32 $0x20, s16  }
0x340: {  	[hbm4b:s17+s3] =	stream.linear.scatter [tilespmem:s12], [sflag:$0x5], $0x80, $0x38;
	[tilespmem:$0x13D00] =	vst v63  }
0x341: {  	s12 =	sadd.s32 $0xFA98, s9;
	s17 =	sadd.s32 $0x30, s16  }
0x342: {  	[hbm4b:s17+s3] =	stream.linear.scatter [tilespmem:s12], [sflag:$0x5], $0x80, $0x38;
	[tilespmem:$0x13D00] =	vst v63  }
0x343: {  	s12 =	sadd.s32 $0xFB20, s9;
	s17 =	sadd.s32 $0x40, s16  }
0x344: {  	[hbm4b:s17+s3] =	stream.linear.scatter [tilespmem:s12], [sflag:$0x5], $0x80, $0x38;
	[tilespmem:$0x13D00] =	vst v63  }
.Ltmp14:
0x345: {  	s12 =	sadd.s32 $0xFBA8, s9;
	s17 =	sadd.s32 $0x50, s16;
	(pc) =	sbr.rel @p0 .LBB2_31-.Ltmp14, $4  }
0x346: {  	[hbm4b:s17+s3] =	stream.linear.scatter [tilespmem:s12], [sflag:$0x5], $0x80, $0x38;
	[tilespmem:$0x13D00] =	vst v63  }
0x347: {  	s12 =	sadd.s32 $0xFC30, s9;
	s17 =	sadd.s32 $0x60, s16;
	s9 =	sadd.s32 $0xFCB8, s9  }
0x348: {  	[hbm4b:s17+s3] =	stream.linear.scatter [tilespmem:s12], [sflag:$0x5], $0x80, $0x38;
	[tilespmem:$0x13D00] =	vst v63  }
0x349: {  	s12 =	sadd.s32 $0x70, s16;
	s16 =	sadd.s32 $0x1000, s16;
	s17 =	smov.u32 s13  }
0x34a: {  	[hbm4b:s12+s3] =	stream.linear.scatter [tilespmem:s9], [sflag:$0x5], $0x80, $0x38;
	[tilespmem:$0x13D00] =	vst v63  }
0x34b: {  	s13 =	sadd.s32 $0xF900, s6  }
0x34c: {  	[hbm4b:s16+s3] =	stream.linear.scatter [tilespmem:s13], [sflag:$0x5], $0x80, $0x38;
	[tilespmem:$0x13D00] =	vst v63  }
0x34d: {  	s17 =	sadd.s32 $0xF988, s6;
	s25 =	sadd.s32 $0x10, s16  }
0x34e: {  	[hbm4b:s25+s3] =	stream.linear.scatter [tilespmem:s17], [sflag:$0x5], $0x80, $0x38;
	[tilespmem:$0x13D00] =	vst v63  }
0x34f: {  	s12 =	sadd.s32 $0xFA10, s6;
	s13 =	sadd.s32 $0x20, s16  }
0x350: {  	[hbm4b:s13+s3] =	stream.linear.scatter [tilespmem:s12], [sflag:$0x5], $0x80, $0x38;
	[tilespmem:$0x13D00] =	vst v63  }
0x351: {  	s17 =	sadd.s32 $0xFA98, s6;
	s25 =	sadd.s32 $0x30, s16  }
0x352: {  	[hbm4b:s25+s3] =	stream.linear.scatter [tilespmem:s17], [sflag:$0x5], $0x80, $0x38;
	[tilespmem:$0x13D00] =	vst v63  }
0x353: {  	s12 =	sadd.s32 $0xFB20, s6;
	s13 =	sadd.s32 $0x40, s16  }
0x354: {  	[hbm4b:s13+s3] =	stream.linear.scatter [tilespmem:s12], [sflag:$0x5], $0x80, $0x38;
	[tilespmem:$0x13D00] =	vst v63  }
0x355: {  	s17 =	sadd.s32 $0xFBA8, s6;
	s25 =	sadd.s32 $0x50, s16  }
0x356: {  	[hbm4b:s25+s3] =	stream.linear.scatter [tilespmem:s17], [sflag:$0x5], $0x80, $0x38;
	[tilespmem:$0x13D00] =	vst v63  }
0x357: {  	s12 =	sadd.s32 $0xFC30, s6;
	s13 =	sadd.s32 $0x60, s16  }
0x358: {  	[hbm4b:s13+s3] =	stream.linear.scatter [tilespmem:s12], [sflag:$0x5], $0x80, $0x38;
	[tilespmem:$0x13D00] =	vst v63  }
0x359: {  	s17 =	sadd.s32 $0xFCB8, s6;
	s25 =	sadd.s32 $0x70, s16  }
0x35a: {  	[hbm4b:s25+s3] =	stream.linear.scatter [tilespmem:s17], [sflag:$0x5], $0x80, $0x38;
	[tilespmem:$0x13D00] =	vst v63  }
0x35b: {  	s9 =	simm.s32 $0x3;
	_ =	swait.ge [sflag:s21], $0x2000  }
0x35c: {  	v12 =	vmov s9;
	[sflag:s21] =	ssyncset.done $0x0  }
0x35d: {  	v12 =	vand.u32 $0x7F, v12;
	s12 =	simm.s32 $0x95F0;
	s13 =	simm.s32 $0x0;
	[sflag:s21] =	ssyncadd.s32 $0xFFFFE000  }
0x35e: {  	v14 =	vadd.s32 v5, v12;
	v17 =	vmov s13;
	v13 =	vld [tilespmem:s12+$0xFFFFFFD0]  }
0x35f: {  	v16 =	vadd.s32 v9, v12;
	v17 =	vand.u32 $0x7C, v17;
	v15 =	vld [tilespmem:s12+$0xFFFFFFE0]  }
0x360: {  	v22 =	vadd.s32 v5, v17;
	v21 =	vld [tilespmem:s12+$0xFFFFFF10]  }
0x361: {  	v19 =	vadd.s32 v10, v12;
	v18 =	vld [tilespmem:s12+$0xFFFFFFF0]  }
0x362: {  	v12 =	vadd.s32 v11, v12;
	v20 =	vld [tilespmem:s12+$0x0]  }
0x363: {  	s16 =	simm.s32 $0x1;
	v24 =	vadd.s32 v9, v17;
	v23 =	vld [tilespmem:s12+$0xFFFFFF20];
	[tilespmem:v14+s31+$0x0] =	vst.idx.msk $0xffff, v13  }
0x364: {  	v25 =	vmov s16;
	v13 =	vld [tilespmem:s12+$0xFFFFFF30];
	v14 =	vadd.s32 v10, v17;
	[tilespmem:v16+s31+$0x0] =	vst.idx.msk $0xffff, v15  }
0x365: {  	v15 =	vld [tilespmem:s12+$0xFFFFFF40];
	v16 =	vadd.s32 v11, v17;
	v17 =	vand.u32 $0x7D, v25;
	[tilespmem:v22+s31+$0x0] =	vst.idx.msk $0xffff, v21  }
0x366: {  	[tilespmem:v19+s31+$0x0] =	vst.idx.msk $0xffff, v18;
	v18 =	vld [tilespmem:s12+$0xFFFFFF50];
	v19 =	vadd.s32 v5, v17  }
0x367: {  	v21 =	vadd.s32 v9, v17;
	[tilespmem:v12+s31+$0x0] =	vst.idx.msk $0xffff, v20;
	v20 =	vld [tilespmem:s12+$0xFFFFFF60]  }
0x368: {  	s17 =	simm.s32 $0x2;
	[tilespmem:v24+s31+$0x0] =	vst.idx.msk $0xffff, v23  }
0x369: {  	v23 =	vld [tilespmem:s12+$0xFFFFFF70];
	v62 =	vadd.s32 v10, v17;
	[tilespmem:v14+s31+$0x0] =	vst.idx.msk $0xffff, v13;
	v13 =	vmov s17  }
0x36a: {  	v63 =	vld [tilespmem:s12+$0xFFFFFF80];
	v26 =	vadd.s32 v11, v17;
	[tilespmem:v16+s31+$0x0] =	vst.idx.msk $0xffff, v15;
	v15 =	vand.u32 $0x7E, v13  }
0x36b: {  	v12 =	vld [tilespmem:s12+$0xFFFFFF90];
	[tilespmem:v19+s31+$0x0] =	vst.idx.msk $0xffff, v18;
	v19 =	vadd.s32 v5, v15  }
0x36c: {  	s25 =	simm.s32 $0x7;
	v13 =	vld [tilespmem:s12+$0xFFFFFFA0];
	[tilespmem:v21+s31+$0x0] =	vst.idx.msk $0xffff, v20;
	v20 =	vadd.s32 v9, v15  }
0x36d: {  	v17 =	vmov s25;
	v14 =	vld [tilespmem:s12+$0xFFFFFFB0];
	v16 =	vadd.s32 v10, v15  }
0x36e: {  	s6 =	simm.s32 $0x96F0;
	v22 =	vand.u32 $0x7F, v17;
	v17 =	vld [tilespmem:s12+$0xFFFFFFC0];
	v21 =	vadd.s32 v11, v15;
	[tilespmem:v62+s31+$0x0] =	vst.idx.msk $0xffff, v23  }
0x36f: {  	s16 =	simm.s32 $0x4;
	s17 =	simm.s32 $0x8;
	v18 =	vadd.s32 v5, v22;
	v15 =	vld [tilespmem:s6+$0xFFFFFFD0];
	[tilespmem:v26+s31+$0x0] =	vst.idx.msk $0xffff, v63  }
.LBB2_33:
0x370: {  	p0 =	slt.u32 s17, $0x7C;
	v23 =	vld [tilespmem:s6+$0xFFFFFFE0];
	v24 =	vadd.s32 v9, v22;
	[tilespmem:v19+s31+$0x0] =	vst.idx.msk $0xffff, v12  }
0x371: {  	v12 =	vmov s16;
	v25 =	vadd.s32 v10, v22;
	v19 =	vld [tilespmem:s6+$0xFFFFFFF0];
	[tilespmem:v20+s31+$0x0] =	vst.idx.msk $0xffff, v13  }
0x372: {  	v12 =	vand.u32 $0x7C, v12;
	v20 =	vadd.s32 v11, v22;
	v13 =	vld [tilespmem:s6+$0x0];
	[tilespmem:v16+s31+$0x0] =	vst.idx.msk $0xffff, v14  }
0x373: {  	v16 =	vadd.s32 v5, v12;
	v14 =	vld [tilespmem:s6+$0xFFFFFF10];
	[tilespmem:v21+s31+$0x0] =	vst.idx.msk $0xffff, v17  }
0x374: {  	s9 =	sadd.s32 $0x1, s16;
	v21 =	vadd.s32 v9, v12;
	v17 =	vld [tilespmem:s6+$0xFFFFFF20];
	[tilespmem:v18+s31+$0x0] =	vst.idx.msk $0xffff, v15  }
0x375: {  	v22 =	vmov s9;
	v18 =	vadd.s32 v10, v12;
	v15 =	vld [tilespmem:s6+$0xFFFFFF30];
	[tilespmem:v24+s31+$0x0] =	vst.idx.msk $0xffff, v23  }
0x376: {  	v22 =	vand.u32 $0x7D, v22;
	v12 =	vadd.s32 v11, v12;
	v23 =	vld [tilespmem:s6+$0xFFFFFF40];
	[tilespmem:v25+s31+$0x0] =	vst.idx.msk $0xffff, v19  }
0x377: {  	v25 =	vadd.s32 v5, v22;
	v24 =	vld [tilespmem:s6+$0xFFFFFF50];
	[tilespmem:v20+s31+$0x0] =	vst.idx.msk $0xffff, v13  }
0x378: {  	s9 =	sadd.s32 $0x2, s16;
	s16 =	smov.u32 s17;
	[tilespmem:v16+s31+$0x0] =	vst.idx.msk $0xffff, v14;
	v14 =	vld [tilespmem:s6+$0xFFFFFF60];
	v16 =	vadd.s32 v9, v22  }
0x379: {  	v13 =	vmov s9;
	[tilespmem:v21+s31+$0x0] =	vst.idx.msk $0xffff, v17;
	v17 =	vld [tilespmem:s6+$0xFFFFFF70];
	v21 =	vadd.s32 v10, v22  }
0x37a: {  	v27 =	vadd.s32 v11, v22;
	[tilespmem:v18+s31+$0x0] =	vst.idx.msk $0xffff, v15;
	v26 =	vld [tilespmem:s6+$0xFFFFFF80];
	v15 =	vand.u32 $0x7E, v13  }
.Ltmp15:
0x37b: {  	[tilespmem:v12+s31+$0x0] =	vst.idx.msk $0xffff, v23;
	v12 =	vld [tilespmem:s6+$0xFFFFFF90];
	v19 =	vadd.s32 v5, v15;
	(pc) =	sbr.rel @p0 .LBB2_33-.Ltmp15, $4  }
0x37c: {  	s9 =	sadd.s32 $0x3, s17;
	v20 =	vadd.s32 v9, v15;
	[tilespmem:v25+s31+$0x0] =	vst.idx.msk $0xffff, v24;
	v13 =	vld [tilespmem:s6+$0xFFFFFFA0]  }
0x37d: {  	v18 =	vmov s9;
	[tilespmem:v16+s31+$0x0] =	vst.idx.msk $0xffff, v14;
	v14 =	vld [tilespmem:s6+$0xFFFFFFB0];
	v16 =	vadd.s32 v10, v15  }
0x37e: {  	v22 =	vand.u32 $0x7F, v18;
	[tilespmem:v21+s31+$0x0] =	vst.idx.msk $0xffff, v17;
	v17 =	vld [tilespmem:s6+$0xFFFFFFC0];
	v21 =	vadd.s32 v11, v15;
	s6 =	sadd.s32 $0x100, s6  }
0x37f: {  	s17 =	sadd.s32 $0x4, s17;
	v18 =	vadd.s32 v5, v22;
	v15 =	vld [tilespmem:s6+$0xFFFFFFD0];
	[tilespmem:v27+s31+$0x0] =	vst.idx.msk $0xffff, v26  }
0x380: {  	_ = 	snop  }
0x381: {  	v23 =	vld [tilespmem:s6+$0xFFFFFFE0]  }
0x382: {  	v36 =	vld [tilespmem:s6+$0xFFFFFFF0]  }
0x383: {  	v37 =	vld [tilespmem:s6+$0x0]  }
0x384: {  	v24 =	vadd.s32 v9, v22;
	[tilespmem:v19+s31+$0x0] =	vst.idx.msk $0xffff, v12;
	v39 =	vld [tilespmem:s6+$0xFFFFFF10]  }
0x385: {  	v35 =	vmov s16;
	v25 =	vadd.s32 v10, v22;
	v41 =	vld [tilespmem:s6+$0xFFFFFF20];
	[tilespmem:v20+s31+$0x0] =	vst.idx.msk $0xffff, v13  }
0x386: {  	v38 =	vadd.s32 v11, v22;
	s9 =	sadd.s32 $0x1, s16;
	v43 =	vld [tilespmem:s6+$0xFFFFFF30];
	v12 =	vand.u32 $0x7C, v35;
	[tilespmem:v16+s31+$0x0] =	vst.idx.msk $0xffff, v14  }
0x387: {  	v46 =	vld [tilespmem:s6+$0xFFFFFF40];
	s17 =	sadd.s32 $0x2, s16;
	v45 =	vmov s9;
	v40 =	vadd.s32 v5, v12;
	[tilespmem:v21+s31+$0x0] =	vst.idx.msk $0xffff, v17  }
0x388: {  	v47 =	vld [tilespmem:s6+$0xFFFFFF50];
	v53 =	vmov s17;
	v42 =	vadd.s32 v9, v12;
	v22 =	vand.u32 $0x7D, v45;
	[tilespmem:v18+s31+$0x0] =	vst.idx.msk $0xffff, v15  }
0x389: {  	v49 =	vld [tilespmem:s6+$0xFFFFFF60];
	v20 =	vand.u32 $0x7E, v53;
	v48 =	vadd.s32 v5, v22;
	[tilespmem:v24+s31+$0x0] =	vst.idx.msk $0xffff, v23  }
0x38a: {  	v56 =	vld [tilespmem:s6+$0xFFFFFF90];
	v57 =	vadd.s32 v5, v20;
	[tilespmem:v25+s31+$0x0] =	vst.idx.msk $0xffff, v36  }
0x38b: {  	v51 =	vld [tilespmem:s6+$0xFFFFFF70];
	v44 =	vadd.s32 v10, v12;
	[tilespmem:v38+s31+$0x0] =	vst.idx.msk $0xffff, v37  }
0x38c: {  	v54 =	vld [tilespmem:s6+$0xFFFFFF80];
	v50 =	vadd.s32 v9, v22;
	[tilespmem:v40+s31+$0x0] =	vst.idx.msk $0xffff, v39  }
0x38d: {  	v58 =	vld [tilespmem:s6+$0xFFFFFFA0];
	v59 =	vadd.s32 v9, v20;
	[tilespmem:v42+s31+$0x0] =	vst.idx.msk $0xffff, v41  }
0x38e: {  	v60 =	vld [tilespmem:s6+$0xFFFFFFB0];
	v12 =	vadd.s32 v11, v12;
	[tilespmem:v48+s31+$0x0] =	vst.idx.msk $0xffff, v47  }
0x38f: {  	v62 =	vld [tilespmem:s6+$0xFFFFFFC0];
	v52 =	vadd.s32 v10, v22;
	[tilespmem:v57+s31+$0x0] =	vst.idx.msk $0xffff, v56  }
0x390: {  	v61 =	vadd.s32 v10, v20;
	[tilespmem:v44+s31+$0x0] =	vst.idx.msk $0xffff, v43  }
0x391: {  	v55 =	vadd.s32 v11, v22;
	[tilespmem:v50+s31+$0x0] =	vst.idx.msk $0xffff, v49  }
0x392: {  	v63 =	vadd.s32 v11, v20;
	[tilespmem:v59+s31+$0x0] =	vst.idx.msk $0xffff, v58  }
0x393: {  	[tilespmem:v12+s31+$0x0] =	vst.idx.msk $0xffff, v46  }
0x394: {  	[tilespmem:v52+s31+$0x0] =	vst.idx.msk $0xffff, v51  }
0x395: {  	[tilespmem:v61+s31+$0x0] =	vst.idx.msk $0xffff, v60  }
0x396: {  	[tilespmem:v55+s31+$0x0] =	vst.idx.msk $0xffff, v54  }
0x397: {  	s13 =	sadd.s32 s22, s11;
	s25 =	simm.s32 $0x11B00;
	[tilespmem:v63+s31+$0x0] =	vst.idx.msk $0xffff, v62  }
0x398: {  	[hbm4b:s13+s3] =	stream.linear.scatter [tilespmem:s25], [sflag:$0x6], $0x80, $0x38;
	[tilespmem:$0x13D00] =	vst v63  }
0x399: {  	s9 =	simm.s32 $0x11B88;
	s12 =	sadd.s32 $0x10, s13  }
0x39a: {  	[hbm4b:s12+s3] =	stream.linear.scatter [tilespmem:s9], [sflag:$0x6], $0x80, $0x38;
	[tilespmem:$0x13D00] =	vst v63  }
0x39b: {  	s16 =	simm.s32 $0x11C10;
	s22 =	simm.s32 $0x11C98;
	s17 =	sadd.s32 $0x20, s13  }
0x39c: {  	[hbm4b:s17+s3] =	stream.linear.scatter [tilespmem:s16], [sflag:$0x6], $0x80, $0x38;
	[tilespmem:$0x13D00] =	vst v63  }
0x39d: {  	s6 =	simm.s32 $0x440;
	s25 =	sadd.s32 $0x30, s13;
	s9 =	simm.s32 $0x11D20  }
0x39e: {  	[hbm4b:s25+s3] =	stream.linear.scatter [tilespmem:s22], [sflag:$0x6], $0x80, $0x38;
	[tilespmem:$0x13D00] =	vst v63  }
0x39f: {  	s12 =	sadd.s32 $0x40, s13;
	s16 =	simm.s32 $0x11DA8;
	s17 =	sadd.s32 $0x50, s13  }
0x3a0: {  	[hbm4b:s12+s3] =	stream.linear.scatter [tilespmem:s9], [sflag:$0x6], $0x80, $0x38;
	[tilespmem:$0x13D00] =	vst v63  }
0x3a1: {  	s22 =	simm.s32 $0x11E30;
	s25 =	sadd.s32 $0x60, s13;
	s9 =	simm.s32 $0x11EB8  }
0x3a2: {  	[hbm4b:s17+s3] =	stream.linear.scatter [tilespmem:s16], [sflag:$0x6], $0x80, $0x38;
	[tilespmem:$0x13D00] =	vst v63  }
0x3a3: {  	s12 =	sadd.s32 $0x70, s13;
	s17 =	simm.s32 $0x2200;
	s16 =	sadd.s32 $0x1000, s13  }
0x3a4: {  	[hbm4b:s25+s3] =	stream.linear.scatter [tilespmem:s22], [sflag:$0x6], $0x80, $0x38;
	[tilespmem:$0x13D00] =	vst v63  }
.LBB2_35:
0x3a5: {  	[hbm4b:s12+s3] =	stream.linear.scatter [tilespmem:s9], [sflag:$0x6], $0x80, $0x38;
	[tilespmem:$0x13D00] =	vst v63  }
0x3a6: {  	s9 =	smov.u32 s6;
	s6 =	smov.u32 s17  }
0x3a7: {  	s13 =	sadd.s32 $0x1100, s17;
	s6 =	sshra.s32 s6, $0x2;
	s12 =	sadd.s32 $0x11B00, s9  }
0x3a8: {  	[hbm4b:s16+s3] =	stream.linear.scatter [tilespmem:s12], [sflag:$0x6], $0x80, $0x38;
	[tilespmem:$0x13D00] =	vst v63  }
0x3a9: {  	p0 =	sne.s32 s17, $0x7700;
	s17 =	sadd.s32 $0x10, s16;
	s12 =	sadd.s32 $0x11B88, s9  }
0x3aa: {  	[hbm4b:s17+s3] =	stream.linear.scatter [tilespmem:s12], [sflag:$0x6], $0x80, $0x38;
	[tilespmem:$0x13D00] =	vst v63  }
0x3ab: {  	s12 =	sadd.s32 $0x11C10, s9;
	s17 =	sadd.s32 $0x20, s16  }
0x3ac: {  	[hbm4b:s17+s3] =	stream.linear.scatter [tilespmem:s12], [sflag:$0x6], $0x80, $0x38;
	[tilespmem:$0x13D00] =	vst v63  }
0x3ad: {  	s12 =	sadd.s32 $0x11C98, s9;
	s17 =	sadd.s32 $0x30, s16  }
0x3ae: {  	[hbm4b:s17+s3] =	stream.linear.scatter [tilespmem:s12], [sflag:$0x6], $0x80, $0x38;
	[tilespmem:$0x13D00] =	vst v63  }
0x3af: {  	s12 =	sadd.s32 $0x11D20, s9;
	s17 =	sadd.s32 $0x40, s16  }
0x3b0: {  	[hbm4b:s17+s3] =	stream.linear.scatter [tilespmem:s12], [sflag:$0x6], $0x80, $0x38;
	[tilespmem:$0x13D00] =	vst v63  }
.Ltmp16:
0x3b1: {  	s12 =	sadd.s32 $0x11DA8, s9;
	s17 =	sadd.s32 $0x50, s16;
	(pc) =	sbr.rel @p0 .LBB2_35-.Ltmp16, $4  }
0x3b2: {  	[hbm4b:s17+s3] =	stream.linear.scatter [tilespmem:s12], [sflag:$0x6], $0x80, $0x38;
	[tilespmem:$0x13D00] =	vst v63  }
0x3b3: {  	s12 =	sadd.s32 $0x11E30, s9;
	s17 =	sadd.s32 $0x60, s16;
	s9 =	sadd.s32 $0x11EB8, s9  }
0x3b4: {  	[hbm4b:s17+s3] =	stream.linear.scatter [tilespmem:s12], [sflag:$0x6], $0x80, $0x38;
	[tilespmem:$0x13D00] =	vst v63  }
0x3b5: {  	s12 =	sadd.s32 $0x70, s16;
	s16 =	sadd.s32 $0x1000, s16;
	s17 =	smov.u32 s13  }
0x3b6: {  	[hbm4b:s12+s3] =	stream.linear.scatter [tilespmem:s9], [sflag:$0x6], $0x80, $0x38;
	[tilespmem:$0x13D00] =	vst v63  }
0x3b7: {  	s17 =	sadd.s32 $0x11B00, s6  }
0x3b8: {  	[hbm4b:s16+s3] =	stream.linear.scatter [tilespmem:s17], [sflag:$0x6], $0x80, $0x38;
	[tilespmem:$0x13D00] =	vst v63  }
0x3b9: {  	s22 =	sadd.s32 $0x11B88, s6;
	s25 =	sadd.s32 $0x10, s16  }
0x3ba: {  	[hbm4b:s25+s3] =	stream.linear.scatter [tilespmem:s22], [sflag:$0x6], $0x80, $0x38;
	[tilespmem:$0x13D00] =	vst v63  }
0x3bb: {  	s13 =	sadd.s32 $0x11C10, s6;
	s17 =	sadd.s32 $0x20, s16  }
0x3bc: {  	[hbm4b:s17+s3] =	stream.linear.scatter [tilespmem:s13], [sflag:$0x6], $0x80, $0x38;
	[tilespmem:$0x13D00] =	vst v63  }
0x3bd: {  	s22 =	sadd.s32 $0x11C98, s6;
	s25 =	sadd.s32 $0x30, s16  }
0x3be: {  	[hbm4b:s25+s3] =	stream.linear.scatter [tilespmem:s22], [sflag:$0x6], $0x80, $0x38;
	[tilespmem:$0x13D00] =	vst v63  }
0x3bf: {  	s30 =	sadd.s32 $0x1, s30;
	s13 =	sadd.s32 $0x11D20, s6;
	s17 =	sadd.s32 $0x40, s16  }
0x3c0: {  	[hbm4b:s17+s3] =	stream.linear.scatter [tilespmem:s13], [sflag:$0x6], $0x80, $0x38;
	[tilespmem:$0x13D00] =	vst v63  }
0x3c1: {  	p0 =	sne.s32 s30, $0xC;
	s22 =	sadd.s32 $0x11DA8, s6;
	s25 =	sadd.s32 $0x50, s16  }
0x3c2: {  	[hbm4b:s25+s3] =	stream.linear.scatter [tilespmem:s22], [sflag:$0x6], $0x80, $0x38;
	[tilespmem:$0x13D00] =	vst v63  }
.Ltmp17:
0x3c3: {  	_ = 	snop;
	(pc) =	sbr.rel @p0 .LBB2_20-.Ltmp17, $4  }
0x3c4: {  	s13 =	sadd.s32 $0x11E30, s6;
	s17 =	sadd.s32 $0x60, s16  }
0x3c5: {  	[hbm4b:s17+s3] =	stream.linear.scatter [tilespmem:s13], [sflag:$0x6], $0x80, $0x38;
	[tilespmem:$0x13D00] =	vst v63  }
0x3c6: {  	s22 =	sadd.s32 $0x11EB8, s6;
	s25 =	sadd.s32 $0x70, s16  }
0x3c7: {  	[hbm4b:s25+s3] =	stream.linear.scatter [tilespmem:s22], [sflag:$0x6], $0x80, $0x38;
	[tilespmem:$0x13D00] =	vst v63  }
0x3c8: {  	_ =	swait.ge [sflag:s23], $0x4000  }
0x3c9: {  	[sflag:s23] =	ssyncset.done $0x0  }
0x3ca: {  	[sflag:s23] =	ssyncadd.s32 $0xFFFFC000  }
0x3cb: {  	s6 =	simm.s32 $0x3;
	_ =	swait.ge [sflag:s1], $0x2000  }
0x3cc: {  	v12 =	vmov s6;
	[sflag:s1] =	ssyncset.done $0x0  }
0x3cd: {  	s17 =	simm.s32 $0x3580;
	s9 =	simm.s32 $0x0;
	v12 =	vand.u32 $0x7F, v12;
	[sflag:s1] =	ssyncadd.s32 $0xFFFFE000  }
0x3ce: {  	v17 =	vmov s9;
	v14 =	vadd.s32 v5, v12;
	v13 =	vld [tilespmem:s17+$0x40]  }
0x3cf: {  	v17 =	vand.u32 $0x7C, v17;
	v16 =	vadd.s32 v9, v12;
	v15 =	vld [tilespmem:s17+$0x50]  }
0x3d0: {  	v22 =	vadd.s32 v5, v17;
	v21 =	vld [tilespmem:s17+$0xFFFFFF80]  }
0x3d1: {  	v19 =	vadd.s32 v10, v12;
	v18 =	vld [tilespmem:s17+$0x60]  }
0x3d2: {  	v12 =	vadd.s32 v11, v12;
	v20 =	vld [tilespmem:s17+$0x70]  }
0x3d3: {  	s22 =	simm.s32 $0x1;
	v24 =	vadd.s32 v9, v17;
	v23 =	vld [tilespmem:s17+$0xFFFFFF90];
	[tilespmem:v14+s24+$0x0] =	vst.idx.msk $0xffff, v13  }
0x3d4: {  	v25 =	vmov s22;
	v13 =	vld [tilespmem:s17+$0xFFFFFFA0];
	v14 =	vadd.s32 v10, v17;
	[tilespmem:v16+s24+$0x0] =	vst.idx.msk $0xffff, v15  }
0x3d5: {  	v15 =	vld [tilespmem:s17+$0xFFFFFFB0];
	v16 =	vadd.s32 v11, v17;
	v17 =	vand.u32 $0x7D, v25;
	[tilespmem:v22+s24+$0x0] =	vst.idx.msk $0xffff, v21  }
0x3d6: {  	[tilespmem:v19+s24+$0x0] =	vst.idx.msk $0xffff, v18;
	v18 =	vld [tilespmem:s17+$0xFFFFFFC0];
	v19 =	vadd.s32 v5, v17  }
0x3d7: {  	v21 =	vadd.s32 v9, v17;
	[tilespmem:v12+s24+$0x0] =	vst.idx.msk $0xffff, v20;
	v20 =	vld [tilespmem:s17+$0xFFFFFFD0]  }
0x3d8: {  	s25 =	simm.s32 $0x2;
	[tilespmem:v24+s24+$0x0] =	vst.idx.msk $0xffff, v23  }
0x3d9: {  	v23 =	vld [tilespmem:s17+$0xFFFFFFE0];
	v62 =	vadd.s32 v10, v17;
	[tilespmem:v14+s24+$0x0] =	vst.idx.msk $0xffff, v13;
	v13 =	vmov s25  }
0x3da: {  	v63 =	vld [tilespmem:s17+$0xFFFFFFF0];
	v26 =	vadd.s32 v11, v17;
	[tilespmem:v16+s24+$0x0] =	vst.idx.msk $0xffff, v15;
	v15 =	vand.u32 $0x7E, v13  }
0x3db: {  	v12 =	vld [tilespmem:s17+$0x0];
	[tilespmem:v19+s24+$0x0] =	vst.idx.msk $0xffff, v18;
	v19 =	vadd.s32 v5, v15  }
0x3dc: {  	s30 =	simm.s32 $0x7;
	v13 =	vld [tilespmem:s17+$0x10];
	[tilespmem:v21+s24+$0x0] =	vst.idx.msk $0xffff, v20;
	v20 =	vadd.s32 v9, v15  }
0x3dd: {  	v17 =	vmov s30;
	v14 =	vld [tilespmem:s17+$0x20];
	v16 =	vadd.s32 v10, v15  }
0x3de: {  	s6 =	simm.s32 $0x3680;
	v22 =	vand.u32 $0x7F, v17;
	v17 =	vld [tilespmem:s17+$0x30];
	v21 =	vadd.s32 v11, v15;
	[tilespmem:v62+s24+$0x0] =	vst.idx.msk $0xffff, v23  }
0x3df: {  	s16 =	simm.s32 $0x4;
	s17 =	simm.s32 $0x8;
	v18 =	vadd.s32 v5, v22;
	v15 =	vld [tilespmem:s6+$0x40];
	[tilespmem:v26+s24+$0x0] =	vst.idx.msk $0xffff, v63  }
.LBB2_38:
0x3e0: {  	p0 =	slt.u32 s17, $0x7C;
	v23 =	vld [tilespmem:s6+$0x50];
	v24 =	vadd.s32 v9, v22;
	[tilespmem:v19+s24+$0x0] =	vst.idx.msk $0xffff, v12  }
0x3e1: {  	v12 =	vmov s16;
	v25 =	vadd.s32 v10, v22;
	v19 =	vld [tilespmem:s6+$0x60];
	[tilespmem:v20+s24+$0x0] =	vst.idx.msk $0xffff, v13  }
0x3e2: {  	v12 =	vand.u32 $0x7C, v12;
	v20 =	vadd.s32 v11, v22;
	v13 =	vld [tilespmem:s6+$0x70];
	[tilespmem:v16+s24+$0x0] =	vst.idx.msk $0xffff, v14  }
0x3e3: {  	v16 =	vadd.s32 v5, v12;
	v14 =	vld [tilespmem:s6+$0xFFFFFF80];
	[tilespmem:v21+s24+$0x0] =	vst.idx.msk $0xffff, v17  }
0x3e4: {  	s9 =	sadd.s32 $0x1, s16;
	v21 =	vadd.s32 v9, v12;
	v17 =	vld [tilespmem:s6+$0xFFFFFF90];
	[tilespmem:v18+s24+$0x0] =	vst.idx.msk $0xffff, v15  }
0x3e5: {  	v22 =	vmov s9;
	v18 =	vadd.s32 v10, v12;
	v15 =	vld [tilespmem:s6+$0xFFFFFFA0];
	[tilespmem:v24+s24+$0x0] =	vst.idx.msk $0xffff, v23  }
0x3e6: {  	v22 =	vand.u32 $0x7D, v22;
	v12 =	vadd.s32 v11, v12;
	v23 =	vld [tilespmem:s6+$0xFFFFFFB0];
	[tilespmem:v25+s24+$0x0] =	vst.idx.msk $0xffff, v19  }
0x3e7: {  	v25 =	vadd.s32 v5, v22;
	v24 =	vld [tilespmem:s6+$0xFFFFFFC0];
	[tilespmem:v20+s24+$0x0] =	vst.idx.msk $0xffff, v13  }
0x3e8: {  	s9 =	sadd.s32 $0x2, s16;
	s16 =	smov.u32 s17;
	[tilespmem:v16+s24+$0x0] =	vst.idx.msk $0xffff, v14;
	v14 =	vld [tilespmem:s6+$0xFFFFFFD0];
	v16 =	vadd.s32 v9, v22  }
0x3e9: {  	v13 =	vmov s9;
	[tilespmem:v21+s24+$0x0] =	vst.idx.msk $0xffff, v17;
	v17 =	vld [tilespmem:s6+$0xFFFFFFE0];
	v21 =	vadd.s32 v10, v22  }
0x3ea: {  	v27 =	vadd.s32 v11, v22;
	[tilespmem:v18+s24+$0x0] =	vst.idx.msk $0xffff, v15;
	v26 =	vld [tilespmem:s6+$0xFFFFFFF0];
	v15 =	vand.u32 $0x7E, v13  }
.Ltmp18:
0x3eb: {  	[tilespmem:v12+s24+$0x0] =	vst.idx.msk $0xffff, v23;
	v12 =	vld [tilespmem:s6+$0x0];
	v19 =	vadd.s32 v5, v15;
	(pc) =	sbr.rel @p0 .LBB2_38-.Ltmp18, $4  }
0x3ec: {  	s9 =	sadd.s32 $0x3, s17;
	v20 =	vadd.s32 v9, v15;
	[tilespmem:v25+s24+$0x0] =	vst.idx.msk $0xffff, v24;
	v13 =	vld [tilespmem:s6+$0x10]  }
0x3ed: {  	v18 =	vmov s9;
	[tilespmem:v16+s24+$0x0] =	vst.idx.msk $0xffff, v14;
	v14 =	vld [tilespmem:s6+$0x20];
	v16 =	vadd.s32 v10, v15  }
0x3ee: {  	v22 =	vand.u32 $0x7F, v18;
	[tilespmem:v21+s24+$0x0] =	vst.idx.msk $0xffff, v17;
	v17 =	vld [tilespmem:s6+$0x30];
	v21 =	vadd.s32 v11, v15;
	s6 =	sadd.s32 $0x100, s6  }
0x3ef: {  	s17 =	sadd.s32 $0x4, s17;
	v18 =	vadd.s32 v5, v22;
	v15 =	vld [tilespmem:s6+$0x40];
	[tilespmem:v27+s24+$0x0] =	vst.idx.msk $0xffff, v26  }
0x3f0: {  	_ = 	snop  }
0x3f1: {  	v23 =	vld [tilespmem:s6+$0x50]  }
0x3f2: {  	v36 =	vld [tilespmem:s6+$0x60]  }
0x3f3: {  	v37 =	vld [tilespmem:s6+$0x70]  }
0x3f4: {  	v24 =	vadd.s32 v9, v22;
	[tilespmem:v19+s24+$0x0] =	vst.idx.msk $0xffff, v12;
	v39 =	vld [tilespmem:s6+$0xFFFFFF80]  }
0x3f5: {  	v35 =	vmov s16;
	v25 =	vadd.s32 v10, v22;
	v41 =	vld [tilespmem:s6+$0xFFFFFF90];
	[tilespmem:v20+s24+$0x0] =	vst.idx.msk $0xffff, v13  }
0x3f6: {  	v38 =	vadd.s32 v11, v22;
	s9 =	sadd.s32 $0x1, s16;
	v43 =	vld [tilespmem:s6+$0xFFFFFFA0];
	v12 =	vand.u32 $0x7C, v35;
	[tilespmem:v16+s24+$0x0] =	vst.idx.msk $0xffff, v14  }
0x3f7: {  	v46 =	vld [tilespmem:s6+$0xFFFFFFB0];
	s13 =	sadd.s32 $0x2, s16;
	v45 =	vmov s9;
	v40 =	vadd.s32 v5, v12;
	[tilespmem:v21+s24+$0x0] =	vst.idx.msk $0xffff, v17  }
0x3f8: {  	v47 =	vld [tilespmem:s6+$0xFFFFFFC0];
	v53 =	vmov s13;
	v42 =	vadd.s32 v9, v12;
	v22 =	vand.u32 $0x7D, v45;
	[tilespmem:v18+s24+$0x0] =	vst.idx.msk $0xffff, v15  }
0x3f9: {  	v49 =	vld [tilespmem:s6+$0xFFFFFFD0];
	v20 =	vand.u32 $0x7E, v53;
	v48 =	vadd.s32 v5, v22;
	[tilespmem:v24+s24+$0x0] =	vst.idx.msk $0xffff, v23  }
0x3fa: {  	v56 =	vld [tilespmem:s6+$0x0];
	v57 =	vadd.s32 v5, v20;
	[tilespmem:v25+s24+$0x0] =	vst.idx.msk $0xffff, v36  }
0x3fb: {  	v51 =	vld [tilespmem:s6+$0xFFFFFFE0];
	v44 =	vadd.s32 v10, v12;
	[tilespmem:v38+s24+$0x0] =	vst.idx.msk $0xffff, v37  }
0x3fc: {  	v54 =	vld [tilespmem:s6+$0xFFFFFFF0];
	v50 =	vadd.s32 v9, v22;
	[tilespmem:v40+s24+$0x0] =	vst.idx.msk $0xffff, v39  }
0x3fd: {  	v58 =	vld [tilespmem:s6+$0x10];
	v59 =	vadd.s32 v9, v20;
	[tilespmem:v42+s24+$0x0] =	vst.idx.msk $0xffff, v41  }
0x3fe: {  	v60 =	vld [tilespmem:s6+$0x20];
	v12 =	vadd.s32 v11, v12;
	[tilespmem:v48+s24+$0x0] =	vst.idx.msk $0xffff, v47  }
0x3ff: {  	v62 =	vld [tilespmem:s6+$0x30];
	v52 =	vadd.s32 v10, v22;
	[tilespmem:v57+s24+$0x0] =	vst.idx.msk $0xffff, v56  }
0x400: {  	v61 =	vadd.s32 v10, v20;
	[tilespmem:v44+s24+$0x0] =	vst.idx.msk $0xffff, v43  }
0x401: {  	v55 =	vadd.s32 v11, v22;
	[tilespmem:v50+s24+$0x0] =	vst.idx.msk $0xffff, v49  }
0x402: {  	v63 =	vadd.s32 v11, v20;
	[tilespmem:v59+s24+$0x0] =	vst.idx.msk $0xffff, v58  }
0x403: {  	[tilespmem:v12+s24+$0x0] =	vst.idx.msk $0xffff, v46  }
0x404: {  	[tilespmem:v52+s24+$0x0] =	vst.idx.msk $0xffff, v51  }
0x405: {  	[tilespmem:v61+s24+$0x0] =	vst.idx.msk $0xffff, v60  }
0x406: {  	[tilespmem:v55+s24+$0x0] =	vst.idx.msk $0xffff, v54  }
0x407: {  	s16 =	simm.s32 $0xB500;
	[tilespmem:v63+s24+$0x0] =	vst.idx.msk $0xffff, v62  }
0x408: {  	[hbm4b:s14+s3] =	stream.linear.scatter [tilespmem:s16], [sflag:$0x3], $0x80, $0x38;
	[tilespmem:$0x13D00] =	vst v63  }
0x409: {  	s17 =	simm.s32 $0xB588;
	s22 =	sadd.s32 $0x10, s14  }
0x40a: {  	[hbm4b:s22+s3] =	stream.linear.scatter [tilespmem:s17], [sflag:$0x3], $0x80, $0x38;
	[tilespmem:$0x13D00] =	vst v63  }
0x40b: {  	s25 =	simm.s32 $0xB610;
	s30 =	sadd.s32 $0x20, s14;
	s12 =	sadd.s32 $0x30, s14  }
0x40c: {  	[hbm4b:s30+s3] =	stream.linear.scatter [tilespmem:s25], [sflag:$0x3], $0x80, $0x38;
	[tilespmem:$0x13D00] =	vst v63  }
0x40d: {  	s6 =	simm.s32 $0x440;
	s9 =	simm.s32 $0xB698;
	s13 =	simm.s32 $0xB720  }
0x40e: {  	[hbm4b:s12+s3] =	stream.linear.scatter [tilespmem:s9], [sflag:$0x3], $0x80, $0x38;
	[tilespmem:$0x13D00] =	vst v63  }
0x40f: {  	s16 =	sadd.s32 $0x40, s14;
	s17 =	simm.s32 $0xB7A8;
	s22 =	sadd.s32 $0x50, s14  }
0x410: {  	[hbm4b:s16+s3] =	stream.linear.scatter [tilespmem:s13], [sflag:$0x3], $0x80, $0x38;
	[tilespmem:$0x13D00] =	vst v63  }
0x411: {  	s25 =	simm.s32 $0xB830;
	s30 =	sadd.s32 $0x60, s14;
	s9 =	simm.s32 $0xB8B8  }
0x412: {  	[hbm4b:s22+s3] =	stream.linear.scatter [tilespmem:s17], [sflag:$0x3], $0x80, $0x38;
	[tilespmem:$0x13D00] =	vst v63  }
0x413: {  	s12 =	sadd.s32 $0x70, s14;
	s16 =	sadd.s32 $0x1000, s14;
	s17 =	simm.s32 $0x2200  }
0x414: {  	[hbm4b:s30+s3] =	stream.linear.scatter [tilespmem:s25], [sflag:$0x3], $0x80, $0x38;
	[tilespmem:$0x13D00] =	vst v63  }
.LBB2_40:
0x415: {  	[hbm4b:s12+s3] =	stream.linear.scatter [tilespmem:s9], [sflag:$0x3], $0x80, $0x38;
	[tilespmem:$0x13D00] =	vst v63  }
0x416: {  	s9 =	smov.u32 s6;
	s6 =	smov.u32 s17  }
0x417: {  	s13 =	sadd.s32 $0x1100, s17;
	s6 =	sshra.s32 s6, $0x2;
	s12 =	sadd.s32 $0xB500, s9  }
0x418: {  	[hbm4b:s16+s3] =	stream.linear.scatter [tilespmem:s12], [sflag:$0x3], $0x80, $0x38;
	[tilespmem:$0x13D00] =	vst v63  }
0x419: {  	p0 =	sne.s32 s17, $0x7700;
	s17 =	sadd.s32 $0x10, s16;
	s12 =	sadd.s32 $0xB588, s9  }
0x41a: {  	[hbm4b:s17+s3] =	stream.linear.scatter [tilespmem:s12], [sflag:$0x3], $0x80, $0x38;
	[tilespmem:$0x13D00] =	vst v63  }
0x41b: {  	s12 =	sadd.s32 $0xB610, s9;
	s17 =	sadd.s32 $0x20, s16  }
0x41c: {  	[hbm4b:s17+s3] =	stream.linear.scatter [tilespmem:s12], [sflag:$0x3], $0x80, $0x38;
	[tilespmem:$0x13D00] =	vst v63  }
0x41d: {  	s12 =	sadd.s32 $0xB698, s9;
	s17 =	sadd.s32 $0x30, s16  }
0x41e: {  	[hbm4b:s17+s3] =	stream.linear.scatter [tilespmem:s12], [sflag:$0x3], $0x80, $0x38;
	[tilespmem:$0x13D00] =	vst v63  }
0x41f: {  	s12 =	sadd.s32 $0xB720, s9;
	s17 =	sadd.s32 $0x40, s16  }
0x420: {  	[hbm4b:s17+s3] =	stream.linear.scatter [tilespmem:s12], [sflag:$0x3], $0x80, $0x38;
	[tilespmem:$0x13D00] =	vst v63  }
.Ltmp19:
0x421: {  	s12 =	sadd.s32 $0xB7A8, s9;
	s17 =	sadd.s32 $0x50, s16;
	(pc) =	sbr.rel @p0 .LBB2_40-.Ltmp19, $4  }
0x422: {  	[hbm4b:s17+s3] =	stream.linear.scatter [tilespmem:s12], [sflag:$0x3], $0x80, $0x38;
	[tilespmem:$0x13D00] =	vst v63  }
0x423: {  	s12 =	sadd.s32 $0xB830, s9;
	s17 =	sadd.s32 $0x60, s16;
	s9 =	sadd.s32 $0xB8B8, s9  }
0x424: {  	[hbm4b:s17+s3] =	stream.linear.scatter [tilespmem:s12], [sflag:$0x3], $0x80, $0x38;
	[tilespmem:$0x13D00] =	vst v63  }
0x425: {  	s12 =	sadd.s32 $0x70, s16;
	s16 =	sadd.s32 $0x1000, s16;
	s17 =	smov.u32 s13  }
0x426: {  	[hbm4b:s12+s3] =	stream.linear.scatter [tilespmem:s9], [sflag:$0x3], $0x80, $0x38;
	[tilespmem:$0x13D00] =	vst v63  }
0x427: {  	s30 =	sadd.s32 $0xB500, s6  }
0x428: {  	[hbm4b:s16+s3] =	stream.linear.scatter [tilespmem:s30], [sflag:$0x3], $0x80, $0x38;
	[tilespmem:$0x13D00] =	vst v63  }
0x429: {  	s12 =	sadd.s32 $0xB588, s6;
	s13 =	sadd.s32 $0x10, s16  }
0x42a: {  	[hbm4b:s13+s3] =	stream.linear.scatter [tilespmem:s12], [sflag:$0x3], $0x80, $0x38;
	[tilespmem:$0x13D00] =	vst v63  }
0x42b: {  	s17 =	sadd.s32 $0xB610, s6;
	s22 =	sadd.s32 $0x20, s16  }
0x42c: {  	[hbm4b:s22+s3] =	stream.linear.scatter [tilespmem:s17], [sflag:$0x3], $0x80, $0x38;
	[tilespmem:$0x13D00] =	vst v63  }
0x42d: {  	s25 =	sadd.s32 $0xB698, s6;
	s30 =	sadd.s32 $0x30, s16  }
0x42e: {  	[hbm4b:s30+s3] =	stream.linear.scatter [tilespmem:s25], [sflag:$0x3], $0x80, $0x38;
	[tilespmem:$0x13D00] =	vst v63  }
0x42f: {  	s12 =	sadd.s32 $0xB720, s6;
	s13 =	sadd.s32 $0x40, s16  }
0x430: {  	[hbm4b:s13+s3] =	stream.linear.scatter [tilespmem:s12], [sflag:$0x3], $0x80, $0x38;
	[tilespmem:$0x13D00] =	vst v63  }
0x431: {  	s17 =	sadd.s32 $0xB7A8, s6;
	s22 =	sadd.s32 $0x50, s16  }
0x432: {  	[hbm4b:s22+s3] =	stream.linear.scatter [tilespmem:s17], [sflag:$0x3], $0x80, $0x38;
	[tilespmem:$0x13D00] =	vst v63  }
0x433: {  	s25 =	sadd.s32 $0xB830, s6;
	s30 =	sadd.s32 $0x60, s16  }
0x434: {  	[hbm4b:s30+s3] =	stream.linear.scatter [tilespmem:s25], [sflag:$0x3], $0x80, $0x38;
	[tilespmem:$0x13D00] =	vst v63  }
0x435: {  	s9 =	sadd.s32 $0xB8B8, s6;
	s12 =	sadd.s32 $0x70, s16  }
0x436: {  	[hbm4b:s12+s3] =	stream.linear.scatter [tilespmem:s9], [sflag:$0x3], $0x80, $0x38;
	[tilespmem:$0x13D00] =	vst v63  }
0x437: {  	s13 =	simm.s32 $0x3;
	_ =	swait.ge [sflag:s0], $0x2000  }
0x438: {  	v12 =	vmov s13;
	[sflag:s0] =	ssyncset.done $0x0  }
0x439: {  	s16 =	simm.s32 $0x55F0;
	v12 =	vand.u32 $0x7F, v12;
	s17 =	simm.s32 $0x0;
	[sflag:s0] =	ssyncadd.s32 $0xFFFFE000  }
0x43a: {  	v14 =	vadd.s32 v5, v12;
	v17 =	vmov s17;
	v13 =	vld [tilespmem:s16+$0xFFFFFFD0]  }
0x43b: {  	v16 =	vadd.s32 v9, v12;
	v17 =	vand.u32 $0x7C, v17;
	v15 =	vld [tilespmem:s16+$0xFFFFFFE0]  }
0x43c: {  	v22 =	vadd.s32 v5, v17;
	v21 =	vld [tilespmem:s16+$0xFFFFFF10]  }
0x43d: {  	v19 =	vadd.s32 v10, v12;
	v18 =	vld [tilespmem:s16+$0xFFFFFFF0]  }
0x43e: {  	v12 =	vadd.s32 v11, v12;
	v20 =	vld [tilespmem:s16+$0x0]  }
0x43f: {  	s22 =	simm.s32 $0x1;
	v24 =	vadd.s32 v9, v17;
	v23 =	vld [tilespmem:s16+$0xFFFFFF20];
	[tilespmem:v14+s26+$0x0] =	vst.idx.msk $0xffff, v13  }
0x440: {  	v25 =	vmov s22;
	v13 =	vld [tilespmem:s16+$0xFFFFFF30];
	v14 =	vadd.s32 v10, v17;
	[tilespmem:v16+s26+$0x0] =	vst.idx.msk $0xffff, v15  }
0x441: {  	v15 =	vld [tilespmem:s16+$0xFFFFFF40];
	v16 =	vadd.s32 v11, v17;
	v17 =	vand.u32 $0x7D, v25;
	[tilespmem:v22+s26+$0x0] =	vst.idx.msk $0xffff, v21  }
0x442: {  	[tilespmem:v19+s26+$0x0] =	vst.idx.msk $0xffff, v18;
	v18 =	vld [tilespmem:s16+$0xFFFFFF50];
	v19 =	vadd.s32 v5, v17  }
0x443: {  	v21 =	vadd.s32 v9, v17;
	[tilespmem:v12+s26+$0x0] =	vst.idx.msk $0xffff, v20;
	v20 =	vld [tilespmem:s16+$0xFFFFFF60]  }
0x444: {  	s25 =	simm.s32 $0x2;
	[tilespmem:v24+s26+$0x0] =	vst.idx.msk $0xffff, v23  }
0x445: {  	v23 =	vld [tilespmem:s16+$0xFFFFFF70];
	v62 =	vadd.s32 v10, v17;
	[tilespmem:v14+s26+$0x0] =	vst.idx.msk $0xffff, v13;
	v13 =	vmov s25  }
0x446: {  	v63 =	vld [tilespmem:s16+$0xFFFFFF80];
	v26 =	vadd.s32 v11, v17;
	[tilespmem:v16+s26+$0x0] =	vst.idx.msk $0xffff, v15;
	v15 =	vand.u32 $0x7E, v13  }
0x447: {  	v12 =	vld [tilespmem:s16+$0xFFFFFF90];
	[tilespmem:v19+s26+$0x0] =	vst.idx.msk $0xffff, v18;
	v19 =	vadd.s32 v5, v15  }
0x448: {  	s30 =	simm.s32 $0x7;
	v13 =	vld [tilespmem:s16+$0xFFFFFFA0];
	[tilespmem:v21+s26+$0x0] =	vst.idx.msk $0xffff, v20;
	v20 =	vadd.s32 v9, v15  }
0x449: {  	v17 =	vmov s30;
	v14 =	vld [tilespmem:s16+$0xFFFFFFB0];
	v16 =	vadd.s32 v10, v15  }
0x44a: {  	s6 =	simm.s32 $0x56F0;
	v22 =	vand.u32 $0x7F, v17;
	v17 =	vld [tilespmem:s16+$0xFFFFFFC0];
	v21 =	vadd.s32 v11, v15;
	[tilespmem:v62+s26+$0x0] =	vst.idx.msk $0xffff, v23  }
0x44b: {  	s17 =	simm.s32 $0x8;
	s16 =	simm.s32 $0x4;
	v18 =	vadd.s32 v5, v22;
	v15 =	vld [tilespmem:s6+$0xFFFFFFD0];
	[tilespmem:v26+s26+$0x0] =	vst.idx.msk $0xffff, v63  }
.LBB2_42:
0x44c: {  	p0 =	slt.u32 s17, $0x7C;
	v23 =	vld [tilespmem:s6+$0xFFFFFFE0];
	v24 =	vadd.s32 v9, v22;
	[tilespmem:v19+s26+$0x0] =	vst.idx.msk $0xffff, v12  }
0x44d: {  	v12 =	vmov s16;
	v25 =	vadd.s32 v10, v22;
	v19 =	vld [tilespmem:s6+$0xFFFFFFF0];
	[tilespmem:v20+s26+$0x0] =	vst.idx.msk $0xffff, v13  }
0x44e: {  	v12 =	vand.u32 $0x7C, v12;
	v20 =	vadd.s32 v11, v22;
	v13 =	vld [tilespmem:s6+$0x0];
	[tilespmem:v16+s26+$0x0] =	vst.idx.msk $0xffff, v14  }
0x44f: {  	v16 =	vadd.s32 v5, v12;
	v14 =	vld [tilespmem:s6+$0xFFFFFF10];
	[tilespmem:v21+s26+$0x0] =	vst.idx.msk $0xffff, v17  }
0x450: {  	s9 =	sadd.s32 $0x1, s16;
	v21 =	vadd.s32 v9, v12;
	v17 =	vld [tilespmem:s6+$0xFFFFFF20];
	[tilespmem:v18+s26+$0x0] =	vst.idx.msk $0xffff, v15  }
0x451: {  	v22 =	vmov s9;
	v18 =	vadd.s32 v10, v12;
	v15 =	vld [tilespmem:s6+$0xFFFFFF30];
	[tilespmem:v24+s26+$0x0] =	vst.idx.msk $0xffff, v23  }
0x452: {  	v22 =	vand.u32 $0x7D, v22;
	v12 =	vadd.s32 v11, v12;
	v23 =	vld [tilespmem:s6+$0xFFFFFF40];
	[tilespmem:v25+s26+$0x0] =	vst.idx.msk $0xffff, v19  }
0x453: {  	v25 =	vadd.s32 v5, v22;
	v24 =	vld [tilespmem:s6+$0xFFFFFF50];
	[tilespmem:v20+s26+$0x0] =	vst.idx.msk $0xffff, v13  }
0x454: {  	s9 =	sadd.s32 $0x2, s16;
	s16 =	smov.u32 s17;
	[tilespmem:v16+s26+$0x0] =	vst.idx.msk $0xffff, v14;
	v14 =	vld [tilespmem:s6+$0xFFFFFF60];
	v16 =	vadd.s32 v9, v22  }
0x455: {  	v13 =	vmov s9;
	[tilespmem:v21+s26+$0x0] =	vst.idx.msk $0xffff, v17;
	v17 =	vld [tilespmem:s6+$0xFFFFFF70];
	v21 =	vadd.s32 v10, v22  }
0x456: {  	v27 =	vadd.s32 v11, v22;
	[tilespmem:v18+s26+$0x0] =	vst.idx.msk $0xffff, v15;
	v26 =	vld [tilespmem:s6+$0xFFFFFF80];
	v15 =	vand.u32 $0x7E, v13  }
.Ltmp20:
0x457: {  	[tilespmem:v12+s26+$0x0] =	vst.idx.msk $0xffff, v23;
	v12 =	vld [tilespmem:s6+$0xFFFFFF90];
	v19 =	vadd.s32 v5, v15;
	(pc) =	sbr.rel @p0 .LBB2_42-.Ltmp20, $4  }
0x458: {  	s9 =	sadd.s32 $0x3, s17;
	v20 =	vadd.s32 v9, v15;
	[tilespmem:v25+s26+$0x0] =	vst.idx.msk $0xffff, v24;
	v13 =	vld [tilespmem:s6+$0xFFFFFFA0]  }
0x459: {  	v18 =	vmov s9;
	[tilespmem:v16+s26+$0x0] =	vst.idx.msk $0xffff, v14;
	v14 =	vld [tilespmem:s6+$0xFFFFFFB0];
	v16 =	vadd.s32 v10, v15  }
0x45a: {  	v22 =	vand.u32 $0x7F, v18;
	[tilespmem:v21+s26+$0x0] =	vst.idx.msk $0xffff, v17;
	v17 =	vld [tilespmem:s6+$0xFFFFFFC0];
	v21 =	vadd.s32 v11, v15;
	s6 =	sadd.s32 $0x100, s6  }
0x45b: {  	s17 =	sadd.s32 $0x4, s17;
	v18 =	vadd.s32 v5, v22;
	v15 =	vld [tilespmem:s6+$0xFFFFFFD0];
	[tilespmem:v27+s26+$0x0] =	vst.idx.msk $0xffff, v26  }
0x45c: {  	_ = 	snop  }
0x45d: {  	v23 =	vld [tilespmem:s6+$0xFFFFFFE0]  }
0x45e: {  	v36 =	vld [tilespmem:s6+$0xFFFFFFF0]  }
0x45f: {  	v37 =	vld [tilespmem:s6+$0x0]  }
0x460: {  	v24 =	vadd.s32 v9, v22;
	[tilespmem:v19+s26+$0x0] =	vst.idx.msk $0xffff, v12;
	v39 =	vld [tilespmem:s6+$0xFFFFFF10]  }
0x461: {  	v35 =	vmov s16;
	v25 =	vadd.s32 v10, v22;
	v41 =	vld [tilespmem:s6+$0xFFFFFF20];
	[tilespmem:v20+s26+$0x0] =	vst.idx.msk $0xffff, v13  }
0x462: {  	v38 =	vadd.s32 v11, v22;
	s9 =	sadd.s32 $0x1, s16;
	v43 =	vld [tilespmem:s6+$0xFFFFFF30];
	v12 =	vand.u32 $0x7C, v35;
	[tilespmem:v16+s26+$0x0] =	vst.idx.msk $0xffff, v14  }
0x463: {  	v46 =	vld [tilespmem:s6+$0xFFFFFF40];
	s13 =	sadd.s32 $0x2, s16;
	v45 =	vmov s9;
	v40 =	vadd.s32 v5, v12;
	[tilespmem:v21+s26+$0x0] =	vst.idx.msk $0xffff, v17  }
0x464: {  	v47 =	vld [tilespmem:s6+$0xFFFFFF50];
	v53 =	vmov s13;
	v42 =	vadd.s32 v9, v12;
	v22 =	vand.u32 $0x7D, v45;
	[tilespmem:v18+s26+$0x0] =	vst.idx.msk $0xffff, v15  }
0x465: {  	v49 =	vld [tilespmem:s6+$0xFFFFFF60];
	v20 =	vand.u32 $0x7E, v53;
	v48 =	vadd.s32 v5, v22;
	[tilespmem:v24+s26+$0x0] =	vst.idx.msk $0xffff, v23  }
0x466: {  	v56 =	vld [tilespmem:s6+$0xFFFFFF90];
	v57 =	vadd.s32 v5, v20;
	[tilespmem:v25+s26+$0x0] =	vst.idx.msk $0xffff, v36  }
0x467: {  	v51 =	vld [tilespmem:s6+$0xFFFFFF70];
	v44 =	vadd.s32 v10, v12;
	[tilespmem:v38+s26+$0x0] =	vst.idx.msk $0xffff, v37  }
0x468: {  	v54 =	vld [tilespmem:s6+$0xFFFFFF80];
	v50 =	vadd.s32 v9, v22;
	[tilespmem:v40+s26+$0x0] =	vst.idx.msk $0xffff, v39  }
0x469: {  	v58 =	vld [tilespmem:s6+$0xFFFFFFA0];
	v59 =	vadd.s32 v9, v20;
	[tilespmem:v42+s26+$0x0] =	vst.idx.msk $0xffff, v41  }
0x46a: {  	v60 =	vld [tilespmem:s6+$0xFFFFFFB0];
	v12 =	vadd.s32 v11, v12;
	[tilespmem:v48+s26+$0x0] =	vst.idx.msk $0xffff, v47  }
0x46b: {  	v62 =	vld [tilespmem:s6+$0xFFFFFFC0];
	v52 =	vadd.s32 v10, v22;
	[tilespmem:v57+s26+$0x0] =	vst.idx.msk $0xffff, v56  }
0x46c: {  	v61 =	vadd.s32 v10, v20;
	[tilespmem:v44+s26+$0x0] =	vst.idx.msk $0xffff, v43  }
0x46d: {  	v55 =	vadd.s32 v11, v22;
	[tilespmem:v50+s26+$0x0] =	vst.idx.msk $0xffff, v49  }
0x46e: {  	v63 =	vadd.s32 v11, v20;
	[tilespmem:v59+s26+$0x0] =	vst.idx.msk $0xffff, v58  }
0x46f: {  	[tilespmem:v12+s26+$0x0] =	vst.idx.msk $0xffff, v46  }
0x470: {  	[tilespmem:v52+s26+$0x0] =	vst.idx.msk $0xffff, v51  }
0x471: {  	[tilespmem:v61+s26+$0x0] =	vst.idx.msk $0xffff, v60  }
0x472: {  	[tilespmem:v55+s26+$0x0] =	vst.idx.msk $0xffff, v54  }
0x473: {  	s16 =	simm.s32 $0xD700;
	[tilespmem:v63+s26+$0x0] =	vst.idx.msk $0xffff, v62  }
0x474: {  	[hbm4b:s15+s3] =	stream.linear.scatter [tilespmem:s16], [sflag:$0x4], $0x80, $0x38;
	[tilespmem:$0x13D00] =	vst v63  }
0x475: {  	s17 =	simm.s32 $0xD788;
	s22 =	sadd.s32 $0x10, s15  }
0x476: {  	[hbm4b:s22+s3] =	stream.linear.scatter [tilespmem:s17], [sflag:$0x4], $0x80, $0x38;
	[tilespmem:$0x13D00] =	vst v63  }
0x477: {  	s25 =	simm.s32 $0xD810;
	s30 =	sadd.s32 $0x20, s15;
	s12 =	sadd.s32 $0x30, s15  }
0x478: {  	[hbm4b:s30+s3] =	stream.linear.scatter [tilespmem:s25], [sflag:$0x4], $0x80, $0x38;
	[tilespmem:$0x13D00] =	vst v63  }
0x479: {  	s6 =	simm.s32 $0x440;
	s9 =	simm.s32 $0xD898;
	s13 =	simm.s32 $0xD920  }
0x47a: {  	[hbm4b:s12+s3] =	stream.linear.scatter [tilespmem:s9], [sflag:$0x4], $0x80, $0x38;
	[tilespmem:$0x13D00] =	vst v63  }
0x47b: {  	s16 =	sadd.s32 $0x40, s15;
	s17 =	simm.s32 $0xD9A8;
	s22 =	sadd.s32 $0x50, s15  }
0x47c: {  	[hbm4b:s16+s3] =	stream.linear.scatter [tilespmem:s13], [sflag:$0x4], $0x80, $0x38;
	[tilespmem:$0x13D00] =	vst v63  }
0x47d: {  	s25 =	simm.s32 $0xDA30;
	s30 =	sadd.s32 $0x60, s15;
	s9 =	simm.s32 $0xDAB8  }
0x47e: {  	[hbm4b:s22+s3] =	stream.linear.scatter [tilespmem:s17], [sflag:$0x4], $0x80, $0x38;
	[tilespmem:$0x13D00] =	vst v63  }
0x47f: {  	s12 =	sadd.s32 $0x70, s15;
	s16 =	sadd.s32 $0x1000, s15;
	s17 =	simm.s32 $0x2200  }
0x480: {  	[hbm4b:s30+s3] =	stream.linear.scatter [tilespmem:s25], [sflag:$0x4], $0x80, $0x38;
	[tilespmem:$0x13D00] =	vst v63  }
.LBB2_44:
0x481: {  	[hbm4b:s12+s3] =	stream.linear.scatter [tilespmem:s9], [sflag:$0x4], $0x80, $0x38;
	[tilespmem:$0x13D00] =	vst v63  }
0x482: {  	s9 =	smov.u32 s6;
	s6 =	smov.u32 s17  }
0x483: {  	s13 =	sadd.s32 $0x1100, s17;
	s6 =	sshra.s32 s6, $0x2;
	s12 =	sadd.s32 $0xD700, s9  }
0x484: {  	[hbm4b:s16+s3] =	stream.linear.scatter [tilespmem:s12], [sflag:$0x4], $0x80, $0x38;
	[tilespmem:$0x13D00] =	vst v63  }
0x485: {  	p0 =	sne.s32 s17, $0x7700;
	s17 =	sadd.s32 $0x10, s16;
	s12 =	sadd.s32 $0xD788, s9  }
0x486: {  	[hbm4b:s17+s3] =	stream.linear.scatter [tilespmem:s12], [sflag:$0x4], $0x80, $0x38;
	[tilespmem:$0x13D00] =	vst v63  }
0x487: {  	s12 =	sadd.s32 $0xD810, s9;
	s17 =	sadd.s32 $0x20, s16  }
0x488: {  	[hbm4b:s17+s3] =	stream.linear.scatter [tilespmem:s12], [sflag:$0x4], $0x80, $0x38;
	[tilespmem:$0x13D00] =	vst v63  }
0x489: {  	s12 =	sadd.s32 $0xD898, s9;
	s17 =	sadd.s32 $0x30, s16  }
0x48a: {  	[hbm4b:s17+s3] =	stream.linear.scatter [tilespmem:s12], [sflag:$0x4], $0x80, $0x38;
	[tilespmem:$0x13D00] =	vst v63  }
0x48b: {  	s12 =	sadd.s32 $0xD920, s9;
	s17 =	sadd.s32 $0x40, s16  }
0x48c: {  	[hbm4b:s17+s3] =	stream.linear.scatter [tilespmem:s12], [sflag:$0x4], $0x80, $0x38;
	[tilespmem:$0x13D00] =	vst v63  }
.Ltmp21:
0x48d: {  	s12 =	sadd.s32 $0xD9A8, s9;
	s17 =	sadd.s32 $0x50, s16;
	(pc) =	sbr.rel @p0 .LBB2_44-.Ltmp21, $4  }
0x48e: {  	[hbm4b:s17+s3] =	stream.linear.scatter [tilespmem:s12], [sflag:$0x4], $0x80, $0x38;
	[tilespmem:$0x13D00] =	vst v63  }
0x48f: {  	s12 =	sadd.s32 $0xDA30, s9;
	s17 =	sadd.s32 $0x60, s16;
	s9 =	sadd.s32 $0xDAB8, s9  }
0x490: {  	[hbm4b:s17+s3] =	stream.linear.scatter [tilespmem:s12], [sflag:$0x4], $0x80, $0x38;
	[tilespmem:$0x13D00] =	vst v63  }
0x491: {  	s12 =	sadd.s32 $0x70, s16;
	s16 =	sadd.s32 $0x1000, s16;
	s17 =	smov.u32 s13  }
0x492: {  	[hbm4b:s12+s3] =	stream.linear.scatter [tilespmem:s9], [sflag:$0x4], $0x80, $0x38;
	[tilespmem:$0x13D00] =	vst v63  }
0x493: {  	s13 =	sadd.s32 $0xD700, s6  }
0x494: {  	[hbm4b:s16+s3] =	stream.linear.scatter [tilespmem:s13], [sflag:$0x4], $0x80, $0x38;
	[tilespmem:$0x13D00] =	vst v63  }
0x495: {  	s17 =	sadd.s32 $0xD788, s6;
	s22 =	sadd.s32 $0x10, s16  }
0x496: {  	[hbm4b:s22+s3] =	stream.linear.scatter [tilespmem:s17], [sflag:$0x4], $0x80, $0x38;
	[tilespmem:$0x13D00] =	vst v63  }
0x497: {  	s25 =	sadd.s32 $0xD810, s6;
	s30 =	sadd.s32 $0x20, s16  }
0x498: {  	[hbm4b:s30+s3] =	stream.linear.scatter [tilespmem:s25], [sflag:$0x4], $0x80, $0x38;
	[tilespmem:$0x13D00] =	vst v63  }
0x499: {  	s12 =	sadd.s32 $0xD898, s6;
	s13 =	sadd.s32 $0x30, s16  }
0x49a: {  	[hbm4b:s13+s3] =	stream.linear.scatter [tilespmem:s12], [sflag:$0x4], $0x80, $0x38;
	[tilespmem:$0x13D00] =	vst v63  }
0x49b: {  	s17 =	sadd.s32 $0xD920, s6;
	s22 =	sadd.s32 $0x40, s16  }
0x49c: {  	[hbm4b:s22+s3] =	stream.linear.scatter [tilespmem:s17], [sflag:$0x4], $0x80, $0x38;
	[tilespmem:$0x13D00] =	vst v63  }
0x49d: {  	s25 =	sadd.s32 $0xD9A8, s6;
	s30 =	sadd.s32 $0x50, s16  }
0x49e: {  	[hbm4b:s30+s3] =	stream.linear.scatter [tilespmem:s25], [sflag:$0x4], $0x80, $0x38;
	[tilespmem:$0x13D00] =	vst v63  }
0x49f: {  	s12 =	sadd.s32 $0xDA30, s6;
	s13 =	sadd.s32 $0x60, s16  }
0x4a0: {  	[hbm4b:s13+s3] =	stream.linear.scatter [tilespmem:s12], [sflag:$0x4], $0x80, $0x38;
	[tilespmem:$0x13D00] =	vst v63  }
0x4a1: {  	s17 =	sadd.s32 $0xDAB8, s6;
	s22 =	sadd.s32 $0x70, s16  }
0x4a2: {  	[hbm4b:s22+s3] =	stream.linear.scatter [tilespmem:s17], [sflag:$0x4], $0x80, $0x38;
	[tilespmem:$0x13D00] =	vst v63  }
0x4a3: {  	_ =	swait.ge [sflag:s1], $0x2000  }
0x4a4: {  	[sflag:s1] =	ssyncset.done $0x0  }
0x4a5: {  	[sflag:s1] =	ssyncadd.s32 $0xFFFFE000  }
0x4a6: {  	_ =	swait.ge [sflag:s0], $0x2000  }
0x4a7: {  	[sflag:s0] =	ssyncset.done $0x0  }
0x4a8: {  	[sflag:s0] =	ssyncadd.s32 $0xFFFFE000  }
0x4a9: {  	_ =	swait.ge [sflag:s19], $0x2000  }
0x4aa: {  	[sflag:s19] =	ssyncset.done $0x0  }
0x4ab: {  	[sflag:s19] =	ssyncadd.s32 $0xFFFFE000  }
0x4ac: {  	_ =	swait.ge [sflag:s21], $0x2000  }
0x4ad: {  	s25 =	rddreg [dreg:$0x8]  }
0x4ae: {  	s30 =	rddreg [dreg:$0x7];
	s9 =	sadd.s32 $0x1, s25  }
0x4af: {  	p0 =	sne.s32 s9, s30  }
.Ltmp22:
0x4b0: {  	_ = 	snop;
	(pc) =	sbr.rel @p0 .LBB2_1-.Ltmp22, $3  }
0x4b1: {  	_ =	sdelay $0x1  }
0x4b2: {  	[sflag:s21] =	ssyncset.done $0x0  }
0x4b3: {  	s13 =	simm.s32 $0x7500;
	[sflag:s21] =	ssyncadd.s32 $0xFFFFE000  }
0x4b4: {  	_ =	sfence.sel $0x180000  }
0x4b5: {  	[bflag:$0x0] =	sbarrier.arrive $0xFFFF  }
0x4b6: {  	_ =	strace $0x90000047  }
0x4b7: {  	s0 =	stileid.u32;
	[bflag:$0x2] =	sbarrier.arrive $0xFFFF  }
0x4b8: {  	p0 =	sne.s32 s0, $0x0;
	s0 =	rddreg [dreg:$0x2]  }
0x4b9: {  	s0 =	sadd.s32 @!p0 $0x100000, s0  }
0x4ba: {  	[sflag:s0] =	ssyncadd.tile.s32 @!p0 $0x1;
	_ =	shalt  }
.Lfunc_end2:
_tile_overlayer_lowered:
.L_overlay_start_2:
0x4bb: {  	(tag) =	ssettag $0x2  }
0x4bc: {  	s0 =	rddreg [dreg:$0x0];
	s2 =	stileid.u32  }
0x4bd: {  	s1 =	rddreg [dreg:$0x1];
	p0 =	sne.s32 s2, $0x0  }
0x4be: {  	s3 =	rddreg [dreg:$0x2];
	[bflag:$0x3] =	sbarrier.arrive $0xFFFF;
	s2 =	simm.s32 @!p0 $0x1C07  }
0x4bf: {  	[timem:s3], [sflag:s2] =	dma.local @!p0 [hbm:s0], s1  }
0x4c0: {  	s0 =	simm.s32 @!p0 $0x7  }
0x4c1: {  	_ =	swait.ge @!p0 [sflag:s0], s1  }
0x4c2: {  	s1 =	ssub.s32 @!p0 $0x0, s1;
	[sflag:s0] =	ssyncset.done @!p0 $0x0  }
0x4c3: {  	[sflag:s0] =	ssyncadd.s32 @!p0 s1  }
0x4c4: {  	[bflag:$0x3] =	sbarrier.arrive $0xFFFF  }
0x4c5: {  	_ =	shalt  }

</sc_bundles>
